<compile_context>
chip_gen: v7x
topology: tpu7x:2x2x1
jax: 0.10.2.dev20260603
libtpu: 0.0.44.dev20260713+nightly
codegen_flags: <defaults>
</compile_context>

<pallas_src>
import functools

import jax
import jax.numpy as jnp
from jax import lax
from jax.experimental import pallas as pl
from jax.experimental.pallas import tpu as pltpu
from jax.experimental.pallas import tpu_sc as plsc

N = 10000
D = 128
E = 320000
NC = 2
NS = 16
NW = NC * NS
EPW = E // NW
K = 80
NCH = EPW // K
NP = 10240
RPS = NP // NS
DD = 16

_mesh = plsc.VectorSubcoreMesh(
    core_axis_name="c", subcore_axis_name="s", num_cores=NC, num_subcores=NS
)


@functools.partial(
    pl.kernel,
    out_type=jax.ShapeDtypeStruct((NC, N, D), jnp.float32),
    mesh=_mesh,
    scratch_types=[
        pltpu.VMEM((K,), jnp.int32),
        pltpu.VMEM((K,), jnp.int32),
        pltpu.VMEM((K,), jnp.int32),
        pltpu.VMEM((K,), jnp.int32),
        pltpu.VMEM((K,), jnp.int32),
        pltpu.VMEM((K,), jnp.int32),
        pltpu.VMEM((K,), jnp.int32),
        pltpu.VMEM((K,), jnp.int32),
        pltpu.VMEM((K, D), jnp.float32),
        pltpu.VMEM((K, D), jnp.float32),
        pltpu.VMEM((K, D), jnp.float32),
        pltpu.VMEM((K, D), jnp.float32),
        pltpu.VMEM_SHARED((N, D), jnp.float32),
        pltpu.SemaphoreType.DMA,
        pltpu.SemaphoreType.DMA,
        pltpu.SemaphoreType.DMA,
        pltpu.SemaphoreType.DMA,
        pltpu.SemaphoreType.DMA,
        pltpu.SemaphoreType.DMA,
        pltpu.SemaphoreType.DMA,
        pltpu.SemaphoreType.DMA,
        pltpu.SemaphoreType.DMA,
        pltpu.SemaphoreType.DMA,
        pltpu.SemaphoreType.DMA,
        pltpu.SemaphoreType.DMA,
    ],
)
def _sc_agg(z_hbm, srcR_hbm, dstR_hbm, zero_hbm, dep_hbm, out_hbm,
            sb0, sb1, sb2, sb3, db0, db1, db2, db3,
            rows0, rows1, rows2, rows3, acc,
            gA, gB, gC, gD, iA, iB, iC, iD, sA, sB, sC, sD):
    del dep_hbm
    c = lax.axis_index("c")
    s = lax.axis_index("s")
    wid = c * NS + s
    srcb = [sb0, sb1, sb2, sb3]
    dstb = [db0, db1, db2, db3]
    rowbufs = [rows0, rows1, rows2, rows3]
    gsems = [gA, gB, gC, gD]
    isems = [iA, iB, iC, iD]
    ssems = [sA, sB, sC, sD]

    def _idx(i, b):
        g = wid * NCH + i
        pltpu.async_copy(srcR_hbm.at[g, 0], srcb[b], isems[b])
        pltpu.async_copy(dstR_hbm.at[g, 0], dstb[b], isems[b])

    def _iwait(b):
        pltpu.make_async_copy(srcR_hbm.at[0, 0], srcb[b], isems[b]).wait()
        pltpu.make_async_copy(dstR_hbm.at[0, 0], dstb[b], isems[b]).wait()

    def _gather(b):
        pltpu.async_copy(z_hbm.at[srcb[b]], rowbufs[b], gsems[b])

    def _gwait(b):
        pltpu.make_async_copy(z_hbm.at[srcb[0]], rowbufs[b],
                              gsems[b]).wait()

    def _scat(b):
        pltpu.async_copy(rowbufs[b], acc.at[dstb[b]], ssems[b], add=True)

    def _swait(b):
        pltpu.make_async_copy(rowbufs[b], acc.at[dstb[b]],
                              ssems[b]).wait()

    def _initslice(src_or_acc_pair):
        pass

    for b in range(3):
        _idx(b, b)
    for b in range(2):
        _iwait(b)
        _gather(b)

    @pl.when(s < NS - 1)
    def _():
        pltpu.sync_copy(zero_hbm.at[pl.ds(s * 640, 640)],
                        acc.at[pl.ds(s * 640, 640)])

    @pl.when(s == NS - 1)
    def _():
        pltpu.sync_copy(zero_hbm.at[pl.ds(9600, 400)],
                        acc.at[pl.ds(9600, 400)])

    plsc.subcore_barrier()

    @pl.loop(0, NCH // 4)
    def _(j):
        for b in range(4):
            i = 4 * j + b
            _gwait(b)
            _scat(b)
            if b == 0:
                @pl.when(j > 0)
                def _():
                    _swait(3)
            else:
                _swait(b - 1)

            @pl.when(i + 3 < NCH)
            def _():
                _idx(i + 3, (b + 3) % 4)

            @pl.when(i + 2 < NCH)
            def _():
                _iwait((b + 2) % 4)
                _gather((b + 2) % 4)

    _gwait(0)
    _scat(0)
    _swait(3)
    _swait(0)

    plsc.subcore_barrier()

    @pl.when(s < NS - 1)
    def _():
        pltpu.sync_copy(acc.at[pl.ds(s * 640, 640)],
                        out_hbm.at[c, pl.ds(s * 640, 640)])

    @pl.when(s == NS - 1)
    def _():
        pltpu.sync_copy(acc.at[pl.ds(9600, 400)],
                        out_hbm.at[c, pl.ds(9600, 400)])


@functools.partial(
    pl.kernel,
    out_type=jax.ShapeDtypeStruct((NC, N, D), jnp.float32),
    mesh=_mesh,
    scratch_types=[
        pltpu.VMEM((NCH, K), jnp.int32),
        pltpu.VMEM((K, D), jnp.float32),
        pltpu.VMEM_SHARED((N, D), jnp.float32),
    ],
)
def _sc_deg(dst3_hbm, ones_hbm, zero_hbm, out_hbm, dst_all, ones_v, dacc):
    c = lax.axis_index("c")
    s = lax.axis_index("s")
    wid = c * NS + s

    pltpu.sync_copy(dst3_hbm.at[wid], dst_all)
    pltpu.sync_copy(ones_hbm, ones_v)

    @pl.when(s < NS - 1)
    def _():
        pltpu.sync_copy(zero_hbm.at[pl.ds(s * 640, 640)],
                        dacc.at[pl.ds(s * 640, 640)])

    @pl.when(s == NS - 1)
    def _():
        pltpu.sync_copy(zero_hbm.at[pl.ds(9600, 400)],
                        dacc.at[pl.ds(9600, 400)])

    plsc.subcore_barrier()

    @pl.loop(0, NCH)
    def _(i):
        pltpu.sync_copy(ones_v, dacc.at[dst_all.at[i]], add=True)

    plsc.subcore_barrier()

    @pl.when(s < NS - 1)
    def _():
        pltpu.sync_copy(dacc.at[pl.ds(s * 640, 640)],
                        out_hbm.at[c, pl.ds(s * 640, 640)])

    @pl.when(s == NS - 1)
    def _():
        pltpu.sync_copy(dacc.at[pl.ds(9600, 400)],
                        out_hbm.at[c, pl.ds(9600, 400)])


def _prep_body(x_ref, wl_ref, wr_ref, bl_ref, z_ref, h_ref):
    x = x_ref[...]
    z_ref[...] = jnp.dot(x, wl_ref[...], preferred_element_type=jnp.float32)
    h_ref[...] = (jnp.dot(x, wr_ref[...], preferred_element_type=jnp.float32)
                  + bl_ref[...])


_prep = pl.pallas_call(
    _prep_body,
    out_shape=[
        jax.ShapeDtypeStruct((N, D), jnp.float32),
        jax.ShapeDtypeStruct((N, D), jnp.float32),
    ],
)


def _combine_body(p_ref, degp_ref, h_ref, wl_ref, wr_ref, bl_ref, z_ref,
                  hn_ref):
    deg = degp_ref[0, :, 0:1] + degp_ref[1, :, 0:1]
    invd = 1.0 / jnp.maximum(deg, 1.0)
    x = jnp.maximum((p_ref[0] + p_ref[1]) * invd + h_ref[...], 0.0)
    z_ref[...] = jnp.dot(x, wl_ref[...], preferred_element_type=jnp.float32)
    hn_ref[...] = (jnp.dot(x, wr_ref[...], preferred_element_type=jnp.float32)
                   + bl_ref[...])


_combine = pl.pallas_call(
    _combine_body,
    out_shape=[
        jax.ShapeDtypeStruct((N, D), jnp.float32),
        jax.ShapeDtypeStruct((N, D), jnp.float32),
    ],
)


def _final_body(p_ref, degp_ref, h_ref, o_ref):
    deg = degp_ref[0, :, 0:1] + degp_ref[1, :, 0:1]
    invd = 1.0 / jnp.maximum(deg, 1.0)
    o_ref[...] = jnp.maximum((p_ref[0] + p_ref[1]) * invd + h_ref[...], 0.0)


_final = pl.pallas_call(
    _final_body,
    out_shape=jax.ShapeDtypeStruct((N, D), jnp.float32),
)


def kernel(feature, edge_index, W0l, b0l, W0r, W1l, b1l, W1r, W2l, b2l, W2r):
    srcR = edge_index[0].reshape(NW * NCH, 1, K)
    dstR = edge_index[1].reshape(NW * NCH, 1, K)
    dst3 = edge_index[1].reshape(NW, NCH, K)
    zeros_big = jnp.zeros((N, D), jnp.float32)

    ones_small = jnp.ones((K, D), jnp.float32)
    degp = _sc_deg(dst3, ones_small, zeros_big)
    z, h = _prep(feature, W0l.T, W0r.T, b0l.reshape(1, D))
    p = _sc_agg(z, srcR, dstR, zeros_big, degp)
    z, h = _combine(p, degp, h, W1l.T, W1r.T, b1l.reshape(1, D))
    p = _sc_agg(z, srcR, dstR, zeros_big, p)
    z, h = _combine(p, degp, h, W2l.T, W2r.T, b2l.reshape(1, D))
    p = _sc_agg(z, srcR, dstR, zeros_big, p)
    return _final(p, degp, h)

# --- scband reference (transcript-rebuilt; emitter-appended) ---
"""Pipeline reference for scband-small-gnn-51135880626276 (READ-ONLY COPY).

The authoritative reference and input builder live on the scoring server;
editing this copy changes nothing except your own understanding.
"""

import jax, jax.numpy as jnp
import numpy as np

N = 10000
E = 320000
D_IN = 128
D_HID = 128
D_OUT = 128


def setup_inputs(seed: int = 0) -> dict:
    key = jax.random.key(seed)
    ks = jax.random.split(key, 16)
    inp = {}
    inp["feature"] = jax.random.normal(ks[0], (N, D_IN), dtype=jnp.float32)
    inp["edge_index"] = jax.random.randint(ks[1], (2, E), 0, N, dtype=jnp.int32)
    # SAGEConv params per layer: lin_l (with bias) applied to mean-aggregated neighbors,
    # lin_r (no bias) applied to root/self features.
    dims = [(D_HID, D_IN), (D_HID, D_HID), (D_OUT, D_HID)]
    for i, (dout, din) in enumerate(dims):
        scale = 1.0 / np.sqrt(din)
        inp[f"W{i}l"] = jax.random.normal(ks[2 + 4 * i], (dout, din), dtype=jnp.float32) * scale
        inp[f"b{i}l"] = jnp.zeros((dout,), dtype=jnp.float32)
        inp[f"W{i}r"] = jax.random.normal(ks[3 + 4 * i], (dout, din), dtype=jnp.float32) * scale
    return inp


def _sage_conv(x, src, dst, Wl, bl, Wr, num_nodes):
    # message = x[src]; mean-aggregate at dst; out = lin_l(mean) + lin_r(x)
    msg = jnp.take(x, src, axis=0)
    agg = jax.ops.segment_sum(msg, dst, num_segments=num_nodes)
    deg = jax.ops.segment_sum(jnp.ones((src.shape[0], 1), dtype=x.dtype), dst, num_segments=num_nodes)
    mean = agg / jnp.clip(deg, 1.0, None)
    return mean @ Wl.T + bl + x @ Wr.T


def reference(feature, edge_index, W0l, b0l, W0r, W1l, b1l, W1r, W2l, b2l, W2r):
    src = edge_index[0]
    dst = edge_index[1]
    x = feature
    layers = [(W0l, b0l, W0r), (W1l, b1l, W1r), (W2l, b2l, W2r)]
    for (Wl, bl, Wr) in layers:
        x = _sage_conv(x, src, dst, Wl, bl, Wr, N)
        x = jax.nn.relu(x)
    return x

if __name__ == "__main__":
    import jax
    _d = setup_inputs()
    print(jax.jit(kernel)(*tuple(_d.values())))

</pallas_src>

<mosaic_0001>
#map = affine_map<(d0, d1) -> (0, 0)>
#map1 = affine_map<(d0, d1) -> (0, 0, 0)>
module attributes {stable_mosaic.version = 14 : i64} {
  func.func @_sc_agg(%arg0: i32, %arg1: i32, %arg2: memref<10000x128xf32, #tpu.memory_space<hbm>>, %arg3: memref<4000x1x80xi32, #tpu.memory_space<hbm>>, %arg4: memref<4000x1x80xi32, #tpu.memory_space<hbm>>, %arg5: memref<10000x128xf32, #tpu.memory_space<hbm>>, %arg6: memref<2x10000x128xf32, #tpu.memory_space<hbm>>, %arg7: memref<2x10000x128xf32, #tpu.memory_space<hbm>>, %arg8: memref<80xi32, #tpu.memory_space<vmem>>, %arg9: memref<80xi32, #tpu.memory_space<vmem>>, %arg10: memref<80xi32, #tpu.memory_space<vmem>>, %arg11: memref<80xi32, #tpu.memory_space<vmem>>, %arg12: memref<80xi32, #tpu.memory_space<vmem>>, %arg13: memref<80xi32, #tpu.memory_space<vmem>>, %arg14: memref<80xi32, #tpu.memory_space<vmem>>, %arg15: memref<80xi32, #tpu.memory_space<vmem>>, %arg16: memref<80x128xf32, #tpu.memory_space<vmem>>, %arg17: memref<80x128xf32, #tpu.memory_space<vmem>>, %arg18: memref<80x128xf32, #tpu.memory_space<vmem>>, %arg19: memref<80x128xf32, #tpu.memory_space<vmem>>, %arg20: memref<10000x128xf32, #tpu.memory_space<vmem_shared>>, %arg21: memref<!tpu.dma_semaphore, #tpu.memory_space<semaphore_mem>>, %arg22: memref<!tpu.dma_semaphore, #tpu.memory_space<semaphore_mem>>, %arg23: memref<!tpu.dma_semaphore, #tpu.memory_space<semaphore_mem>>, %arg24: memref<!tpu.dma_semaphore, #tpu.memory_space<semaphore_mem>>, %arg25: memref<!tpu.dma_semaphore, #tpu.memory_space<semaphore_mem>>, %arg26: memref<!tpu.dma_semaphore, #tpu.memory_space<semaphore_mem>>, %arg27: memref<!tpu.dma_semaphore, #tpu.memory_space<semaphore_mem>>, %arg28: memref<!tpu.dma_semaphore, #tpu.memory_space<semaphore_mem>>, %arg29: memref<!tpu.dma_semaphore, #tpu.memory_space<semaphore_mem>>, %arg30: memref<!tpu.dma_semaphore, #tpu.memory_space<semaphore_mem>>, %arg31: memref<!tpu.dma_semaphore, #tpu.memory_space<semaphore_mem>>, %arg32: memref<!tpu.dma_semaphore, #tpu.memory_space<semaphore_mem>>) attributes {dimension_semantics = [#tpu.dimension_semantics<core_parallel>, #tpu.dimension_semantics<subcore_parallel>], iteration_bounds = array<i64: 2, 16>, scalar_prefetch = 0 : i64, scratch_operands = 25 : i64, tpu.core_type = #tpu.core_type<sc_vector_subcore>, window_params = [{transform_indices = #map}, {transform_indices = #map1}, {transform_indices = #map1}, {transform_indices = #map}, {transform_indices = #map1}, {transform_indices = #map1}]} {
    %mul3A = arith.constant 16 : i32
    %mul3A_0 = arith.muli %arg0, %mul3A : i32
    %add3A = arith.addi %mul3A_0, %arg1 : i32
    %mul3A_1 = arith.constant 125 : i32
    %mul3A_2 = arith.muli %add3A, %mul3A_1 : i32
    %add3A_3 = arith.constant 0 : i32
    %add3A_4 = arith.addi %mul3A_2, %add3A_3 : i32
    %dma_start3A = arith.constant 0 : i32
    %dma_start3A_5 = arith.constant 0 : i32
    %dma_start3A_6 = tpu.memref_slice %arg3[%add3A_4, %dma_start3A, %dma_start3A_5] : memref<4000x1x80xi32, #tpu.memory_space<hbm>> -> memref<1x1x80xi32, #tpu.memory_space<hbm>>
    %dma_start3A_7 = tpu.memref_squeeze %dma_start3A_6 : memref<1x1x80xi32, #tpu.memory_space<hbm>> -> memref<80xi32, #tpu.memory_space<hbm>>
    %dma_start3A_8 = arith.constant 0 : i32
    %dma_start3A_9 = tpu.memref_slice %arg3[%add3A_4, %dma_start3A, %dma_start3A_8] : memref<4000x1x80xi32, #tpu.memory_space<hbm>> -> memref<1x1x80xi32, #tpu.memory_space<hbm>>
    %dma_start3A_10 = tpu.memref_squeeze %dma_start3A_9 : memref<1x1x80xi32, #tpu.memory_space<hbm>> -> memref<80xi32, #tpu.memory_space<hbm>>
    tpu.enqueue_dma source(%dma_start3A_10 : memref<80xi32, #tpu.memory_space<hbm>>) target(%arg8 : memref<80xi32, #tpu.memory_space<vmem>>) target_semaphore(%arg25 : memref<!tpu.dma_semaphore, #tpu.memory_space<semaphore_mem>>)
    %dma_start3A_11 = arith.constant 0 : i32
    %dma_start3A_12 = arith.constant 0 : i32
    %dma_start3A_13 = tpu.memref_slice %arg4[%add3A_4, %dma_start3A_11, %dma_start3A_12] : memref<4000x1x80xi32, #tpu.memory_space<hbm>> -> memref<1x1x80xi32, #tpu.memory_space<hbm>>
    %dma_start3A_14 = tpu.memref_squeeze %dma_start3A_13 : memref<1x1x80xi32, #tpu.memory_space<hbm>> -> memref<80xi32, #tpu.memory_space<hbm>>
    %dma_start3A_15 = arith.constant 0 : i32
    %dma_start3A_16 = tpu.memref_slice %arg4[%add3A_4, %dma_start3A_11, %dma_start3A_15] : memref<4000x1x80xi32, #tpu.memory_space<hbm>> -> memref<1x1x80xi32, #tpu.memory_space<hbm>>
    %dma_start3A_17 = tpu.memref_squeeze %dma_start3A_16 : memref<1x1x80xi32, #tpu.memory_space<hbm>> -> memref<80xi32, #tpu.memory_space<hbm>>
    tpu.enqueue_dma source(%dma_start3A_17 : memref<80xi32, #tpu.memory_space<hbm>>) target(%arg12 : memref<80xi32, #tpu.memory_space<vmem>>) target_semaphore(%arg25 : memref<!tpu.dma_semaphore, #tpu.memory_space<semaphore_mem>>)
    %mul3A_18 = arith.constant 125 : i32
    %mul3A_19 = arith.muli %add3A, %mul3A_18 : i32
    %add3A_20 = arith.constant 1 : i32
    %add3A_21 = arith.addi %mul3A_19, %add3A_20 : i32
    %dma_start3A_22 = arith.constant 0 : i32
    %dma_start3A_23 = arith.constant 0 : i32
    %dma_start3A_24 = tpu.memref_slice %arg3[%add3A_21, %dma_start3A_22, %dma_start3A_23] : memref<4000x1x80xi32, #tpu.memory_space<hbm>> -> memref<1x1x80xi32, #tpu.memory_space<hbm>>
    %dma_start3A_25 = tpu.memref_squeeze %dma_start3A_24 : memref<1x1x80xi32, #tpu.memory_space<hbm>> -> memref<80xi32, #tpu.memory_space<hbm>>
    %dma_start3A_26 = arith.constant 0 : i32
    %dma_start3A_27 = tpu.memref_slice %arg3[%add3A_21, %dma_start3A_22, %dma_start3A_26] : memref<4000x1x80xi32, #tpu.memory_space<hbm>> -> memref<1x1x80xi32, #tpu.memory_space<hbm>>
    %dma_start3A_28 = tpu.memref_squeeze %dma_start3A_27 : memref<1x1x80xi32, #tpu.memory_space<hbm>> -> memref<80xi32, #tpu.memory_space<hbm>>
    tpu.enqueue_dma source(%dma_start3A_28 : memref<80xi32, #tpu.memory_space<hbm>>) target(%arg9 : memref<80xi32, #tpu.memory_space<vmem>>) target_semaphore(%arg26 : memref<!tpu.dma_semaphore, #tpu.memory_space<semaphore_mem>>)
    %dma_start3A_29 = arith.constant 0 : i32
    %dma_start3A_30 = arith.constant 0 : i32
    %dma_start3A_31 = tpu.memref_slice %arg4[%add3A_21, %dma_start3A_29, %dma_start3A_30] : memref<4000x1x80xi32, #tpu.memory_space<hbm>> -> memref<1x1x80xi32, #tpu.memory_space<hbm>>
    %dma_start3A_32 = tpu.memref_squeeze %dma_start3A_31 : memref<1x1x80xi32, #tpu.memory_space<hbm>> -> memref<80xi32, #tpu.memory_space<hbm>>
    %dma_start3A_33 = arith.constant 0 : i32
    %dma_start3A_34 = tpu.memref_slice %arg4[%add3A_21, %dma_start3A_29, %dma_start3A_33] : memref<4000x1x80xi32, #tpu.memory_space<hbm>> -> memref<1x1x80xi32, #tpu.memory_space<hbm>>
    %dma_start3A_35 = tpu.memref_squeeze %dma_start3A_34 : memref<1x1x80xi32, #tpu.memory_space<hbm>> -> memref<80xi32, #tpu.memory_space<hbm>>
    tpu.enqueue_dma source(%dma_start3A_35 : memref<80xi32, #tpu.memory_space<hbm>>) target(%arg13 : memref<80xi32, #tpu.memory_space<vmem>>) target_semaphore(%arg26 : memref<!tpu.dma_semaphore, #tpu.memory_space<semaphore_mem>>)
    %mul3A_36 = arith.constant 125 : i32
    %mul3A_37 = arith.muli %add3A, %mul3A_36 : i32
    %add3A_38 = arith.constant 2 : i32
    %add3A_39 = arith.addi %mul3A_37, %add3A_38 : i32
    %dma_start3A_40 = arith.constant 0 : i32
    %dma_start3A_41 = arith.constant 0 : i32
    %dma_start3A_42 = tpu.memref_slice %arg3[%add3A_39, %dma_start3A_40, %dma_start3A_41] : memref<4000x1x80xi32, #tpu.memory_space<hbm>> -> memref<1x1x80xi32, #tpu.memory_space<hbm>>
    %dma_start3A_43 = tpu.memref_squeeze %dma_start3A_42 : memref<1x1x80xi32, #tpu.memory_space<hbm>> -> memref<80xi32, #tpu.memory_space<hbm>>
    %dma_start3A_44 = arith.constant 0 : i32
    %dma_start3A_45 = tpu.memref_slice %arg3[%add3A_39, %dma_start3A_40, %dma_start3A_44] : memref<4000x1x80xi32, #tpu.memory_space<hbm>> -> memref<1x1x80xi32, #tpu.memory_space<hbm>>
    %dma_start3A_46 = tpu.memref_squeeze %dma_start3A_45 : memref<1x1x80xi32, #tpu.memory_space<hbm>> -> memref<80xi32, #tpu.memory_space<hbm>>
    tpu.enqueue_dma source(%dma_start3A_46 : memref<80xi32, #tpu.memory_space<hbm>>) target(%arg10 : memref<80xi32, #tpu.memory_space<vmem>>) target_semaphore(%arg27 : memref<!tpu.dma_semaphore, #tpu.memory_space<semaphore_mem>>)
    %dma_start3A_47 = arith.constant 0 : i32
    %dma_start3A_48 = arith.constant 0 : i32
    %dma_start3A_49 = tpu.memref_slice %arg4[%add3A_39, %dma_start3A_47, %dma_start3A_48] : memref<4000x1x80xi32, #tpu.memory_space<hbm>> -> memref<1x1x80xi32, #tpu.memory_space<hbm>>
    %dma_start3A_50 = tpu.memref_squeeze %dma_start3A_49 : memref<1x1x80xi32, #tpu.memory_space<hbm>> -> memref<80xi32, #tpu.memory_space<hbm>>
    %dma_start3A_51 = arith.constant 0 : i32
    %dma_start3A_52 = tpu.memref_slice %arg4[%add3A_39, %dma_start3A_47, %dma_start3A_51] : memref<4000x1x80xi32, #tpu.memory_space<hbm>> -> memref<1x1x80xi32, #tpu.memory_space<hbm>>
    %dma_start3A_53 = tpu.memref_squeeze %dma_start3A_52 : memref<1x1x80xi32, #tpu.memory_space<hbm>> -> memref<80xi32, #tpu.memory_space<hbm>>
    tpu.enqueue_dma source(%dma_start3A_53 : memref<80xi32, #tpu.memory_space<hbm>>) target(%arg14 : memref<80xi32, #tpu.memory_space<vmem>>) target_semaphore(%arg27 : memref<!tpu.dma_semaphore, #tpu.memory_space<semaphore_mem>>)
    %dma_wait3A = arith.constant 0 : i32
    %dma_wait3A_54 = arith.constant 0 : i32
    %dma_wait3A_55 = arith.constant 0 : i32
    %dma_wait3A_56 = tpu.memref_slice %arg3[%dma_wait3A, %dma_wait3A_54, %dma_wait3A_55] : memref<4000x1x80xi32, #tpu.memory_space<hbm>> -> memref<1x1x80xi32, #tpu.memory_space<hbm>>
    %dma_wait3A_57 = tpu.memref_squeeze %dma_wait3A_56 : memref<1x1x80xi32, #tpu.memory_space<hbm>> -> memref<80xi32, #tpu.memory_space<hbm>>
    %dma_wait3A_58 = arith.constant 0 : i32
    %dma_wait3A_59 = tpu.memref_slice %arg3[%dma_wait3A, %dma_wait3A_54, %dma_wait3A_58] : memref<4000x1x80xi32, #tpu.memory_space<hbm>> -> memref<1x1x80xi32, #tpu.memory_space<hbm>>
    %dma_wait3A_60 = tpu.memref_squeeze %dma_wait3A_59 : memref<1x1x80xi32, #tpu.memory_space<hbm>> -> memref<80xi32, #tpu.memory_space<hbm>>
    tpu.wait_dma2 semaphore(%arg25 : memref<!tpu.dma_semaphore, #tpu.memory_space<semaphore_mem>>) src(%dma_wait3A_60 : memref<80xi32, #tpu.memory_space<hbm>>) dst(%arg8 : memref<80xi32, #tpu.memory_space<vmem>>)
    %dma_wait3A_61 = arith.constant 0 : i32
    %dma_wait3A_62 = arith.constant 0 : i32
    %dma_wait3A_63 = arith.constant 0 : i32
    %dma_wait3A_64 = tpu.memref_slice %arg4[%dma_wait3A_61, %dma_wait3A_62, %dma_wait3A_63] : memref<4000x1x80xi32, #tpu.memory_space<hbm>> -> memref<1x1x80xi32, #tpu.memory_space<hbm>>
    %dma_wait3A_65 = tpu.memref_squeeze %dma_wait3A_64 : memref<1x1x80xi32, #tpu.memory_space<hbm>> -> memref<80xi32, #tpu.memory_space<hbm>>
    %dma_wait3A_66 = arith.constant 0 : i32
    %dma_wait3A_67 = tpu.memref_slice %arg4[%dma_wait3A_61, %dma_wait3A_62, %dma_wait3A_66] : memref<4000x1x80xi32, #tpu.memory_space<hbm>> -> memref<1x1x80xi32, #tpu.memory_space<hbm>>
    %dma_wait3A_68 = tpu.memref_squeeze %dma_wait3A_67 : memref<1x1x80xi32, #tpu.memory_space<hbm>> -> memref<80xi32, #tpu.memory_space<hbm>>
    tpu.wait_dma2 semaphore(%arg25 : memref<!tpu.dma_semaphore, #tpu.memory_space<semaphore_mem>>) src(%dma_wait3A_68 : memref<80xi32, #tpu.memory_space<hbm>>) dst(%arg12 : memref<80xi32, #tpu.memory_space<vmem>>)
    %dma_start3A_69 = arith.constant 0 : i32
    %dma_start3A_70 = arith.constant 0 : i32
    %dma_start3A_71 = tpu.memref_slice %arg2[%dma_start3A_69, %dma_start3A_70] : memref<10000x128xf32, #tpu.memory_space<hbm>> -> memref<10000x128xf32, #tpu.memory_space<hbm>>
    tpu.enqueue_indirect_dma source(%dma_start3A_71 : memref<10000x128xf32, #tpu.memory_space<hbm>>) target(%arg16 : memref<80x128xf32, #tpu.memory_space<vmem>>) offsets(%arg8 : memref<80xi32, #tpu.memory_space<vmem>>) semaphore(%arg21 : memref<!tpu.dma_semaphore, #tpu.memory_space<semaphore_mem>>)
    %dma_wait3A_72 = arith.constant 0 : i32
    %dma_wait3A_73 = arith.constant 0 : i32
    %dma_wait3A_74 = arith.constant 0 : i32
    %dma_wait3A_75 = tpu.memref_slice %arg3[%dma_wait3A_72, %dma_wait3A_73, %dma_wait3A_74] : memref<4000x1x80xi32, #tpu.memory_space<hbm>> -> memref<1x1x80xi32, #tpu.memory_space<hbm>>
    %dma_wait3A_76 = tpu.memref_squeeze %dma_wait3A_75 : memref<1x1x80xi32, #tpu.memory_space<hbm>> -> memref<80xi32, #tpu.memory_space<hbm>>
    %dma_wait3A_77 = arith.constant 0 : i32
    %dma_wait3A_78 = tpu.memref_slice %arg3[%dma_wait3A_72, %dma_wait3A_73, %dma_wait3A_77] : memref<4000x1x80xi32, #tpu.memory_space<hbm>> -> memref<1x1x80xi32, #tpu.memory_space<hbm>>
    %dma_wait3A_79 = tpu.memref_squeeze %dma_wait3A_78 : memref<1x1x80xi32, #tpu.memory_space<hbm>> -> memref<80xi32, #tpu.memory_space<hbm>>
    tpu.wait_dma2 semaphore(%arg26 : memref<!tpu.dma_semaphore, #tpu.memory_space<semaphore_mem>>) src(%dma_wait3A_79 : memref<80xi32, #tpu.memory_space<hbm>>) dst(%arg9 : memref<80xi32, #tpu.memory_space<vmem>>)
    %dma_wait3A_80 = arith.constant 0 : i32
    %dma_wait3A_81 = arith.constant 0 : i32
    %dma_wait3A_82 = arith.constant 0 : i32
    %dma_wait3A_83 = tpu.memref_slice %arg4[%dma_wait3A_80, %dma_wait3A_81, %dma_wait3A_82] : memref<4000x1x80xi32, #tpu.memory_space<hbm>> -> memref<1x1x80xi32, #tpu.memory_space<hbm>>
    %dma_wait3A_84 = tpu.memref_squeeze %dma_wait3A_83 : memref<1x1x80xi32, #tpu.memory_space<hbm>> -> memref<80xi32, #tpu.memory_space<hbm>>
    %dma_wait3A_85 = arith.constant 0 : i32
    %dma_wait3A_86 = tpu.memref_slice %arg4[%dma_wait3A_80, %dma_wait3A_81, %dma_wait3A_85] : memref<4000x1x80xi32, #tpu.memory_space<hbm>> -> memref<1x1x80xi32, #tpu.memory_space<hbm>>
    %dma_wait3A_87 = tpu.memref_squeeze %dma_wait3A_86 : memref<1x1x80xi32, #tpu.memory_space<hbm>> -> memref<80xi32, #tpu.memory_space<hbm>>
    tpu.wait_dma2 semaphore(%arg26 : memref<!tpu.dma_semaphore, #tpu.memory_space<semaphore_mem>>) src(%dma_wait3A_87 : memref<80xi32, #tpu.memory_space<hbm>>) dst(%arg13 : memref<80xi32, #tpu.memory_space<vmem>>)
    %dma_start3A_88 = arith.constant 0 : i32
    %dma_start3A_89 = arith.constant 0 : i32
    %dma_start3A_90 = tpu.memref_slice %arg2[%dma_start3A_88, %dma_start3A_89] : memref<10000x128xf32, #tpu.memory_space<hbm>> -> memref<10000x128xf32, #tpu.memory_space<hbm>>
    tpu.enqueue_indirect_dma source(%dma_start3A_90 : memref<10000x128xf32, #tpu.memory_space<hbm>>) target(%arg17 : memref<80x128xf32, #tpu.memory_space<vmem>>) offsets(%arg9 : memref<80xi32, #tpu.memory_space<vmem>>) semaphore(%arg22 : memref<!tpu.dma_semaphore, #tpu.memory_space<semaphore_mem>>)
    %lt3A = arith.constant 15 : i32
    %lt3A_91 = arith.cmpi slt, %arg1, %lt3A : i32
    %convert_element_type3A = arith.extui %lt3A_91 : i1 to i32
    %cond3A = arith.constant 0 : i32
    %cond3A_92 = arith.cmpi ne, %convert_element_type3A, %cond3A : i32
    scf.if %cond3A_92 {
      %mul3A_124 = arith.constant 640 : i32
      %mul3A_125 = arith.muli %arg1, %mul3A_124 : i32
      %mul3A_126 = arith.constant 640 : i32
      %mul3A_127 = arith.muli %arg1, %mul3A_126 : i32
      "tpu.region"() ({
        %run_scoped3A = tpu.sem_alloc : memref<!tpu.dma_semaphore, #tpu.memory_space<semaphore_mem>>
        %dma_start3A_128 = arith.constant 0 : i32
        %dma_start3A_129 = tpu.memref_slice %arg20[%mul3A_127, %dma_start3A_128] : memref<10000x128xf32, #tpu.memory_space<vmem_shared>> -> memref<640x128xf32, #tpu.memory_space<vmem_shared>>
        %dma_start3A_130 = arith.constant 0 : i32
        %dma_start3A_131 = tpu.memref_slice %arg5[%mul3A_125, %dma_start3A_130] : memref<10000x128xf32, #tpu.memory_space<hbm>> -> memref<640x128xf32, #tpu.memory_space<hbm>>
        tpu.enqueue_dma source(%dma_start3A_131 : memref<640x128xf32, #tpu.memory_space<hbm>>) target(%dma_start3A_129 : memref<640x128xf32, #tpu.memory_space<vmem_shared>>) target_semaphore(%run_scoped3A : memref<!tpu.dma_semaphore, #tpu.memory_space<semaphore_mem>>)
        %dma_wait3A_132 = arith.constant 0 : i32
        %dma_wait3A_133 = tpu.memref_slice %arg20[%mul3A_127, %dma_wait3A_132] : memref<10000x128xf32, #tpu.memory_space<vmem_shared>> -> memref<640x128xf32, #tpu.memory_space<vmem_shared>>
        %dma_wait3A_134 = arith.constant 0 : i32
        %dma_wait3A_135 = tpu.memref_slice %arg5[%mul3A_125, %dma_wait3A_134] : memref<10000x128xf32, #tpu.memory_space<hbm>> -> memref<640x128xf32, #tpu.memory_space<hbm>>
        tpu.wait_dma2 semaphore(%run_scoped3A : memref<!tpu.dma_semaphore, #tpu.memory_space<semaphore_mem>>) src(%dma_wait3A_135 : memref<640x128xf32, #tpu.memory_space<hbm>>) dst(%dma_wait3A_133 : memref<640x128xf32, #tpu.memory_space<vmem_shared>>)
        tpu.yield
      }) : () -> ()
    } else {
    }
    %eq3A = arith.constant 15 : i32
    %eq3A_93 = arith.cmpi eq, %arg1, %eq3A : i32
    %convert_element_type3A_94 = arith.extui %eq3A_93 : i1 to i32
    %cond3A_95 = arith.constant 0 : i32
    %cond3A_96 = arith.cmpi ne, %convert_element_type3A_94, %cond3A_95 : i32
    scf.if %cond3A_96 {
      "tpu.region"() ({
        %run_scoped3A = tpu.sem_alloc : memref<!tpu.dma_semaphore, #tpu.memory_space<semaphore_mem>>
        %dma_start3A_124 = arith.constant 9600 : i32
        %dma_start3A_125 = arith.constant 0 : i32
        %dma_start3A_126 = tpu.memref_slice %arg20[%dma_start3A_124, %dma_start3A_125] : memref<10000x128xf32, #tpu.memory_space<vmem_shared>> -> memref<400x128xf32, #tpu.memory_space<vmem_shared>>
        %dma_start3A_127 = arith.constant 9600 : i32
        %dma_start3A_128 = arith.constant 0 : i32
        %dma_start3A_129 = tpu.memref_slice %arg5[%dma_start3A_127, %dma_start3A_128] : memref<10000x128xf32, #tpu.memory_space<hbm>> -> memref<400x128xf32, #tpu.memory_space<hbm>>
        tpu.enqueue_dma source(%dma_start3A_129 : memref<400x128xf32, #tpu.memory_space<hbm>>) target(%dma_start3A_126 : memref<400x128xf32, #tpu.memory_space<vmem_shared>>) target_semaphore(%run_scoped3A : memref<!tpu.dma_semaphore, #tpu.memory_space<semaphore_mem>>)
        %dma_wait3A_130 = arith.constant 9600 : i32
        %dma_wait3A_131 = arith.constant 0 : i32
        %dma_wait3A_132 = tpu.memref_slice %arg20[%dma_wait3A_130, %dma_wait3A_131] : memref<10000x128xf32, #tpu.memory_space<vmem_shared>> -> memref<400x128xf32, #tpu.memory_space<vmem_shared>>
        %dma_wait3A_133 = arith.constant 9600 : i32
        %dma_wait3A_134 = arith.constant 0 : i32
        %dma_wait3A_135 = tpu.memref_slice %arg5[%dma_wait3A_133, %dma_wait3A_134] : memref<10000x128xf32, #tpu.memory_space<hbm>> -> memref<400x128xf32, #tpu.memory_space<hbm>>
        tpu.wait_dma2 semaphore(%run_scoped3A : memref<!tpu.dma_semaphore, #tpu.memory_space<semaphore_mem>>) src(%dma_wait3A_135 : memref<400x128xf32, #tpu.memory_space<hbm>>) dst(%dma_wait3A_132 : memref<400x128xf32, #tpu.memory_space<vmem_shared>>)
        tpu.yield
      }) : () -> ()
    } else {
    }
    %barrier3A = arith.constant 0 : index
    tpu.barrier barrier_id(%barrier3A)
    %scan3A = arith.constant 0 : i32
    %scan3A_97 = arith.constant 31 : i32
    %scan3A_98 = arith.addi %scan3A, %scan3A_97 : i32
    %scan3A_99 = arith.constant 1 : i32
    scf.for %scan3A_124 = %scan3A to %scan3A_98 step %scan3A_99  : i32 {
      %mul3A_125 = arith.constant 1 : i32
      %mul3A_126 = arith.muli %scan3A_124, %mul3A_125 : i32
      %add3A_127 = arith.constant 0 : i32
      %add3A_128 = arith.addi %add3A_127, %mul3A_126 : i32
      %mul3A_129 = arith.constant 4 : i32
      %mul3A_130 = arith.muli %mul3A_129, %add3A_128 : i32
      %add3A_131 = arith.constant 0 : i32
      %add3A_132 = arith.addi %mul3A_130, %add3A_131 : i32
      %dma_wait3A_133 = arith.constant 0 : i32
      %dma_wait3A_134 = arith.constant 0 : i32
      %dma_wait3A_135 = tpu.memref_slice %arg2[%dma_wait3A_133, %dma_wait3A_134] : memref<10000x128xf32, #tpu.memory_space<hbm>> -> memref<10000x128xf32, #tpu.memory_space<hbm>>
      tpu.wait_indirect_dma semaphore(%arg21 : memref<!tpu.dma_semaphore, #tpu.memory_space<semaphore_mem>>) src(%dma_wait3A_135 : memref<10000x128xf32, #tpu.memory_space<hbm>>) dst(%arg16 : memref<80x128xf32, #tpu.memory_space<vmem>>)
      %dma_start3A_136 = arith.constant 0 : i32
      %dma_start3A_137 = arith.constant 0 : i32
      %dma_start3A_138 = tpu.memref_slice %arg20[%dma_start3A_136, %dma_start3A_137] : memref<10000x128xf32, #tpu.memory_space<vmem_shared>> -> memref<10000x128xf32, #tpu.memory_space<vmem_shared>>
      tpu.enqueue_indirect_dma source(%arg16 : memref<80x128xf32, #tpu.memory_space<vmem>>) target(%dma_start3A_138 : memref<10000x128xf32, #tpu.memory_space<vmem_shared>>) offsets(%arg12 : memref<80xi32, #tpu.memory_space<vmem>>) semaphore(%arg29 : memref<!tpu.dma_semaphore, #tpu.memory_space<semaphore_mem>>) {add = true}
      %gt3A = arith.constant 0 : i32
      %gt3A_139 = arith.cmpi sgt, %add3A_128, %gt3A : i32
      %convert_element_type3A_140 = arith.extui %gt3A_139 : i1 to i32
      %cond3A_141 = arith.constant 0 : i32
      %cond3A_142 = arith.cmpi ne, %convert_element_type3A_140, %cond3A_141 : i32
      scf.if %cond3A_142 {
        %dma_wait3A_238 = arith.constant 0 : i32
        %dma_wait3A_239 = arith.constant 0 : i32
        %dma_wait3A_240 = tpu.memref_slice %arg20[%dma_wait3A_238, %dma_wait3A_239] : memref<10000x128xf32, #tpu.memory_space<vmem_shared>> -> memref<10000x128xf32, #tpu.memory_space<vmem_shared>>
        tpu.wait_indirect_dma semaphore(%arg32 : memref<!tpu.dma_semaphore, #tpu.memory_space<semaphore_mem>>) src(%arg19 : memref<80x128xf32, #tpu.memory_space<vmem>>) dst(%dma_wait3A_240 : memref<10000x128xf32, #tpu.memory_space<vmem_shared>>)
      } else {
      }
      %add3A_143 = arith.constant 3 : i32
      %add3A_144 = arith.addi %add3A_132, %add3A_143 : i32
      %lt3A_145 = arith.constant 125 : i32
      %lt3A_146 = arith.cmpi slt, %add3A_144, %lt3A_145 : i32
      %convert_element_type3A_147 = arith.extui %lt3A_146 : i1 to i32
      %cond3A_148 = arith.constant 0 : i32
      %cond3A_149 = arith.cmpi ne, %convert_element_type3A_147, %cond3A_148 : i32
      scf.if %cond3A_149 {
        %add3A_238 = arith.constant 3 : i32
        %add3A_239 = arith.addi %add3A_132, %add3A_238 : i32
        %mul3A_240 = arith.constant 125 : i32
        %mul3A_241 = arith.muli %add3A, %mul3A_240 : i32
        %add3A_242 = arith.addi %mul3A_241, %add3A_239 : i32
        %dma_start3A_243 = arith.constant 0 : i32
        %dma_start3A_244 = arith.constant 0 : i32
        %dma_start3A_245 = tpu.memref_slice %arg3[%add3A_242, %dma_start3A_243, %dma_start3A_244] : memref<4000x1x80xi32, #tpu.memory_space<hbm>> -> memref<1x1x80xi32, #tpu.memory_space<hbm>>
        %dma_start3A_246 = tpu.memref_squeeze %dma_start3A_245 : memref<1x1x80xi32, #tpu.memory_space<hbm>> -> memref<80xi32, #tpu.memory_space<hbm>>
        %dma_start3A_247 = arith.constant 0 : i32
        %dma_start3A_248 = tpu.memref_slice %arg3[%add3A_242, %dma_start3A_243, %dma_start3A_247] : memref<4000x1x80xi32, #tpu.memory_space<hbm>> -> memref<1x1x80xi32, #tpu.memory_space<hbm>>
        %dma_start3A_249 = tpu.memref_squeeze %dma_start3A_248 : memref<1x1x80xi32, #tpu.memory_space<hbm>> -> memref<80xi32, #tpu.memory_space<hbm>>
        tpu.enqueue_dma source(%dma_start3A_249 : memref<80xi32, #tpu.memory_space<hbm>>) target(%arg11 : memref<80xi32, #tpu.memory_space<vmem>>) target_semaphore(%arg28 : memref<!tpu.dma_semaphore, #tpu.memory_space<semaphore_mem>>)
        %dma_start3A_250 = arith.constant 0 : i32
        %dma_start3A_251 = arith.constant 0 : i32
        %dma_start3A_252 = tpu.memref_slice %arg4[%add3A_242, %dma_start3A_250, %dma_start3A_251] : memref<4000x1x80xi32, #tpu.memory_space<hbm>> -> memref<1x1x80xi32, #tpu.memory_space<hbm>>
        %dma_start3A_253 = tpu.memref_squeeze %dma_start3A_252 : memref<1x1x80xi32, #tpu.memory_space<hbm>> -> memref<80xi32, #tpu.memory_space<hbm>>
        %dma_start3A_254 = arith.constant 0 : i32
        %dma_start3A_255 = tpu.memref_slice %arg4[%add3A_242, %dma_start3A_250, %dma_start3A_254] : memref<4000x1x80xi32, #tpu.memory_space<hbm>> -> memref<1x1x80xi32, #tpu.memory_space<hbm>>
        %dma_start3A_256 = tpu.memref_squeeze %dma_start3A_255 : memref<1x1x80xi32, #tpu.memory_space<hbm>> -> memref<80xi32, #tpu.memory_space<hbm>>
        tpu.enqueue_dma source(%dma_start3A_256 : memref<80xi32, #tpu.memory_space<hbm>>) target(%arg15 : memref<80xi32, #tpu.memory_space<vmem>>) target_semaphore(%arg28 : memref<!tpu.dma_semaphore, #tpu.memory_space<semaphore_mem>>)
      } else {
      }
      %add3A_150 = arith.constant 2 : i32
      %add3A_151 = arith.addi %add3A_132, %add3A_150 : i32
      %lt3A_152 = arith.constant 125 : i32
      %lt3A_153 = arith.cmpi slt, %add3A_151, %lt3A_152 : i32
      %convert_element_type3A_154 = arith.extui %lt3A_153 : i1 to i32
      %cond3A_155 = arith.constant 0 : i32
      %cond3A_156 = arith.cmpi ne, %convert_element_type3A_154, %cond3A_155 : i32
      scf.if %cond3A_156 {
        %dma_wait3A_238 = arith.constant 0 : i32
        %dma_wait3A_239 = arith.constant 0 : i32
        %dma_wait3A_240 = arith.constant 0 : i32
        %dma_wait3A_241 = tpu.memref_slice %arg3[%dma_wait3A_238, %dma_wait3A_239, %dma_wait3A_240] : memref<4000x1x80xi32, #tpu.memory_space<hbm>> -> memref<1x1x80xi32, #tpu.memory_space<hbm>>
        %dma_wait3A_242 = tpu.memref_squeeze %dma_wait3A_241 : memref<1x1x80xi32, #tpu.memory_space<hbm>> -> memref<80xi32, #tpu.memory_space<hbm>>
        %dma_wait3A_243 = arith.constant 0 : i32
        %dma_wait3A_244 = tpu.memref_slice %arg3[%dma_wait3A_238, %dma_wait3A_239, %dma_wait3A_243] : memref<4000x1x80xi32, #tpu.memory_space<hbm>> -> memref<1x1x80xi32, #tpu.memory_space<hbm>>
        %dma_wait3A_245 = tpu.memref_squeeze %dma_wait3A_244 : memref<1x1x80xi32, #tpu.memory_space<hbm>> -> memref<80xi32, #tpu.memory_space<hbm>>
        tpu.wait_dma2 semaphore(%arg27 : memref<!tpu.dma_semaphore, #tpu.memory_space<semaphore_mem>>) src(%dma_wait3A_245 : memref<80xi32, #tpu.memory_space<hbm>>) dst(%arg10 : memref<80xi32, #tpu.memory_space<vmem>>)
        %dma_wait3A_246 = arith.constant 0 : i32
        %dma_wait3A_247 = arith.constant 0 : i32
        %dma_wait3A_248 = arith.constant 0 : i32
        %dma_wait3A_249 = tpu.memref_slice %arg4[%dma_wait3A_246, %dma_wait3A_247, %dma_wait3A_248] : memref<4000x1x80xi32, #tpu.memory_space<hbm>> -> memref<1x1x80xi32, #tpu.memory_space<hbm>>
        %dma_wait3A_250 = tpu.memref_squeeze %dma_wait3A_249 : memref<1x1x80xi32, #tpu.memory_space<hbm>> -> memref<80xi32, #tpu.memory_space<hbm>>
        %dma_wait3A_251 = arith.constant 0 : i32
        %dma_wait3A_252 = tpu.memref_slice %arg4[%dma_wait3A_246, %dma_wait3A_247, %dma_wait3A_251] : memref<4000x1x80xi32, #tpu.memory_space<hbm>> -> memref<1x1x80xi32, #tpu.memory_space<hbm>>
        %dma_wait3A_253 = tpu.memref_squeeze %dma_wait3A_252 : memref<1x1x80xi32, #tpu.memory_space<hbm>> -> memref<80xi32, #tpu.memory_space<hbm>>
        tpu.wait_dma2 semaphore(%arg27 : memref<!tpu.dma_semaphore, #tpu.memory_space<semaphore_mem>>) src(%dma_wait3A_253 : memref<80xi32, #tpu.memory_space<hbm>>) dst(%arg14 : memref<80xi32, #tpu.memory_space<vmem>>)
        %dma_start3A_254 = arith.constant 0 : i32
        %dma_start3A_255 = arith.constant 0 : i32
        %dma_start3A_256 = tpu.memref_slice %arg2[%dma_start3A_254, %dma_start3A_255] : memref<10000x128xf32, #tpu.memory_space<hbm>> -> memref<10000x128xf32, #tpu.memory_space<hbm>>
        tpu.enqueue_indirect_dma source(%dma_start3A_256 : memref<10000x128xf32, #tpu.memory_space<hbm>>) target(%arg18 : memref<80x128xf32, #tpu.memory_space<vmem>>) offsets(%arg10 : memref<80xi32, #tpu.memory_space<vmem>>) semaphore(%arg23 : memref<!tpu.dma_semaphore, #tpu.memory_space<semaphore_mem>>)
      } else {
      }
      %mul3A_157 = arith.constant 4 : i32
      %mul3A_158 = arith.muli %mul3A_157, %add3A_128 : i32
      %add3A_159 = arith.constant 1 : i32
      %add3A_160 = arith.addi %mul3A_158, %add3A_159 : i32
      %dma_wait3A_161 = arith.constant 0 : i32
      %dma_wait3A_162 = arith.constant 0 : i32
      %dma_wait3A_163 = tpu.memref_slice %arg2[%dma_wait3A_161, %dma_wait3A_162] : memref<10000x128xf32, #tpu.memory_space<hbm>> -> memref<10000x128xf32, #tpu.memory_space<hbm>>
      tpu.wait_indirect_dma semaphore(%arg22 : memref<!tpu.dma_semaphore, #tpu.memory_space<semaphore_mem>>) src(%dma_wait3A_163 : memref<10000x128xf32, #tpu.memory_space<hbm>>) dst(%arg17 : memref<80x128xf32, #tpu.memory_space<vmem>>)
      %dma_start3A_164 = arith.constant 0 : i32
      %dma_start3A_165 = arith.constant 0 : i32
      %dma_start3A_166 = tpu.memref_slice %arg20[%dma_start3A_164, %dma_start3A_165] : memref<10000x128xf32, #tpu.memory_space<vmem_shared>> -> memref<10000x128xf32, #tpu.memory_space<vmem_shared>>
      tpu.enqueue_indirect_dma source(%arg17 : memref<80x128xf32, #tpu.memory_space<vmem>>) target(%dma_start3A_166 : memref<10000x128xf32, #tpu.memory_space<vmem_shared>>) offsets(%arg13 : memref<80xi32, #tpu.memory_space<vmem>>) semaphore(%arg30 : memref<!tpu.dma_semaphore, #tpu.memory_space<semaphore_mem>>) {add = true}
      %dma_wait3A_167 = arith.constant 0 : i32
      %dma_wait3A_168 = arith.constant 0 : i32
      %dma_wait3A_169 = tpu.memref_slice %arg20[%dma_wait3A_167, %dma_wait3A_168] : memref<10000x128xf32, #tpu.memory_space<vmem_shared>> -> memref<10000x128xf32, #tpu.memory_space<vmem_shared>>
      tpu.wait_indirect_dma semaphore(%arg29 : memref<!tpu.dma_semaphore, #tpu.memory_space<semaphore_mem>>) src(%arg16 : memref<80x128xf32, #tpu.memory_space<vmem>>) dst(%dma_wait3A_169 : memref<10000x128xf32, #tpu.memory_space<vmem_shared>>)
      %add3A_170 = arith.constant 3 : i32
      %add3A_171 = arith.addi %add3A_160, %add3A_170 : i32
      %lt3A_172 = arith.constant 125 : i32
      %lt3A_173 = arith.cmpi slt, %add3A_171, %lt3A_172 : i32
      %convert_element_type3A_174 = arith.extui %lt3A_173 : i1 to i32
      %cond3A_175 = arith.constant 0 : i32
      %cond3A_176 = arith.cmpi ne, %convert_element_type3A_174, %cond3A_175 : i32
      scf.if %cond3A_176 {
        %add3A_238 = arith.constant 3 : i32
        %add3A_239 = arith.addi %add3A_160, %add3A_238 : i32
        %mul3A_240 = arith.constant 125 : i32
        %mul3A_241 = arith.muli %add3A, %mul3A_240 : i32
        %add3A_242 = arith.addi %mul3A_241, %add3A_239 : i32
        %dma_start3A_243 = arith.constant 0 : i32
        %dma_start3A_244 = arith.constant 0 : i32
        %dma_start3A_245 = tpu.memref_slice %arg3[%add3A_242, %dma_start3A_243, %dma_start3A_244] : memref<4000x1x80xi32, #tpu.memory_space<hbm>> -> memref<1x1x80xi32, #tpu.memory_space<hbm>>
        %dma_start3A_246 = tpu.memref_squeeze %dma_start3A_245 : memref<1x1x80xi32, #tpu.memory_space<hbm>> -> memref<80xi32, #tpu.memory_space<hbm>>
        %dma_start3A_247 = arith.constant 0 : i32
        %dma_start3A_248 = tpu.memref_slice %arg3[%add3A_242, %dma_start3A_243, %dma_start3A_247] : memref<4000x1x80xi32, #tpu.memory_space<hbm>> -> memref<1x1x80xi32, #tpu.memory_space<hbm>>
        %dma_start3A_249 = tpu.memref_squeeze %dma_start3A_248 : memref<1x1x80xi32, #tpu.memory_space<hbm>> -> memref<80xi32, #tpu.memory_space<hbm>>
        tpu.enqueue_dma source(%dma_start3A_249 : memref<80xi32, #tpu.memory_space<hbm>>) target(%arg8 : memref<80xi32, #tpu.memory_space<vmem>>) target_semaphore(%arg25 : memref<!tpu.dma_semaphore, #tpu.memory_space<semaphore_mem>>)
        %dma_start3A_250 = arith.constant 0 : i32
        %dma_start3A_251 = arith.constant 0 : i32
        %dma_start3A_252 = tpu.memref_slice %arg4[%add3A_242, %dma_start3A_250, %dma_start3A_251] : memref<4000x1x80xi32, #tpu.memory_space<hbm>> -> memref<1x1x80xi32, #tpu.memory_space<hbm>>
        %dma_start3A_253 = tpu.memref_squeeze %dma_start3A_252 : memref<1x1x80xi32, #tpu.memory_space<hbm>> -> memref<80xi32, #tpu.memory_space<hbm>>
        %dma_start3A_254 = arith.constant 0 : i32
        %dma_start3A_255 = tpu.memref_slice %arg4[%add3A_242, %dma_start3A_250, %dma_start3A_254] : memref<4000x1x80xi32, #tpu.memory_space<hbm>> -> memref<1x1x80xi32, #tpu.memory_space<hbm>>
        %dma_start3A_256 = tpu.memref_squeeze %dma_start3A_255 : memref<1x1x80xi32, #tpu.memory_space<hbm>> -> memref<80xi32, #tpu.memory_space<hbm>>
        tpu.enqueue_dma source(%dma_start3A_256 : memref<80xi32, #tpu.memory_space<hbm>>) target(%arg12 : memref<80xi32, #tpu.memory_space<vmem>>) target_semaphore(%arg25 : memref<!tpu.dma_semaphore, #tpu.memory_space<semaphore_mem>>)
      } else {
      }
      %add3A_177 = arith.constant 2 : i32
      %add3A_178 = arith.addi %add3A_160, %add3A_177 : i32
      %lt3A_179 = arith.constant 125 : i32
      %lt3A_180 = arith.cmpi slt, %add3A_178, %lt3A_179 : i32
      %convert_element_type3A_181 = arith.extui %lt3A_180 : i1 to i32
      %cond3A_182 = arith.constant 0 : i32
      %cond3A_183 = arith.cmpi ne, %convert_element_type3A_181, %cond3A_182 : i32
      scf.if %cond3A_183 {
        %dma_wait3A_238 = arith.constant 0 : i32
        %dma_wait3A_239 = arith.constant 0 : i32
        %dma_wait3A_240 = arith.constant 0 : i32
        %dma_wait3A_241 = tpu.memref_slice %arg3[%dma_wait3A_238, %dma_wait3A_239, %dma_wait3A_240] : memref<4000x1x80xi32, #tpu.memory_space<hbm>> -> memref<1x1x80xi32, #tpu.memory_space<hbm>>
        %dma_wait3A_242 = tpu.memref_squeeze %dma_wait3A_241 : memref<1x1x80xi32, #tpu.memory_space<hbm>> -> memref<80xi32, #tpu.memory_space<hbm>>
        %dma_wait3A_243 = arith.constant 0 : i32
        %dma_wait3A_244 = tpu.memref_slice %arg3[%dma_wait3A_238, %dma_wait3A_239, %dma_wait3A_243] : memref<4000x1x80xi32, #tpu.memory_space<hbm>> -> memref<1x1x80xi32, #tpu.memory_space<hbm>>
        %dma_wait3A_245 = tpu.memref_squeeze %dma_wait3A_244 : memref<1x1x80xi32, #tpu.memory_space<hbm>> -> memref<80xi32, #tpu.memory_space<hbm>>
        tpu.wait_dma2 semaphore(%arg28 : memref<!tpu.dma_semaphore, #tpu.memory_space<semaphore_mem>>) src(%dma_wait3A_245 : memref<80xi32, #tpu.memory_space<hbm>>) dst(%arg11 : memref<80xi32, #tpu.memory_space<vmem>>)
        %dma_wait3A_246 = arith.constant 0 : i32
        %dma_wait3A_247 = arith.constant 0 : i32
        %dma_wait3A_248 = arith.constant 0 : i32
        %dma_wait3A_249 = tpu.memref_slice %arg4[%dma_wait3A_246, %dma_wait3A_247, %dma_wait3A_248] : memref<4000x1x80xi32, #tpu.memory_space<hbm>> -> memref<1x1x80xi32, #tpu.memory_space<hbm>>
        %dma_wait3A_250 = tpu.memref_squeeze %dma_wait3A_249 : memref<1x1x80xi32, #tpu.memory_space<hbm>> -> memref<80xi32, #tpu.memory_space<hbm>>
        %dma_wait3A_251 = arith.constant 0 : i32
        %dma_wait3A_252 = tpu.memref_slice %arg4[%dma_wait3A_246, %dma_wait3A_247, %dma_wait3A_251] : memref<4000x1x80xi32, #tpu.memory_space<hbm>> -> memref<1x1x80xi32, #tpu.memory_space<hbm>>
        %dma_wait3A_253 = tpu.memref_squeeze %dma_wait3A_252 : memref<1x1x80xi32, #tpu.memory_space<hbm>> -> memref<80xi32, #tpu.memory_space<hbm>>
        tpu.wait_dma2 semaphore(%arg28 : memref<!tpu.dma_semaphore, #tpu.memory_space<semaphore_mem>>) src(%dma_wait3A_253 : memref<80xi32, #tpu.memory_space<hbm>>) dst(%arg15 : memref<80xi32, #tpu.memory_space<vmem>>)
        %dma_start3A_254 = arith.constant 0 : i32
        %dma_start3A_255 = arith.constant 0 : i32
        %dma_start3A_256 = tpu.memref_slice %arg2[%dma_start3A_254, %dma_start3A_255] : memref<10000x128xf32, #tpu.memory_space<hbm>> -> memref<10000x128xf32, #tpu.memory_space<hbm>>
        tpu.enqueue_indirect_dma source(%dma_start3A_256 : memref<10000x128xf32, #tpu.memory_space<hbm>>) target(%arg19 : memref<80x128xf32, #tpu.memory_space<vmem>>) offsets(%arg11 : memref<80xi32, #tpu.memory_space<vmem>>) semaphore(%arg24 : memref<!tpu.dma_semaphore, #tpu.memory_space<semaphore_mem>>)
      } else {
      }
      %mul3A_184 = arith.constant 4 : i32
      %mul3A_185 = arith.muli %mul3A_184, %add3A_128 : i32
      %add3A_186 = arith.constant 2 : i32
      %add3A_187 = arith.addi %mul3A_185, %add3A_186 : i32
      %dma_wait3A_188 = arith.constant 0 : i32
      %dma_wait3A_189 = arith.constant 0 : i32
      %dma_wait3A_190 = tpu.memref_slice %arg2[%dma_wait3A_188, %dma_wait3A_189] : memref<10000x128xf32, #tpu.memory_space<hbm>> -> memref<10000x128xf32, #tpu.memory_space<hbm>>
      tpu.wait_indirect_dma semaphore(%arg23 : memref<!tpu.dma_semaphore, #tpu.memory_space<semaphore_mem>>) src(%dma_wait3A_190 : memref<10000x128xf32, #tpu.memory_space<hbm>>) dst(%arg18 : memref<80x128xf32, #tpu.memory_space<vmem>>)
      %dma_start3A_191 = arith.constant 0 : i32
      %dma_start3A_192 = arith.constant 0 : i32
      %dma_start3A_193 = tpu.memref_slice %arg20[%dma_start3A_191, %dma_start3A_192] : memref<10000x128xf32, #tpu.memory_space<vmem_shared>> -> memref<10000x128xf32, #tpu.memory_space<vmem_shared>>
      tpu.enqueue_indirect_dma source(%arg18 : memref<80x128xf32, #tpu.memory_space<vmem>>) target(%dma_start3A_193 : memref<10000x128xf32, #tpu.memory_space<vmem_shared>>) offsets(%arg14 : memref<80xi32, #tpu.memory_space<vmem>>) semaphore(%arg31 : memref<!tpu.dma_semaphore, #tpu.memory_space<semaphore_mem>>) {add = true}
      %dma_wait3A_194 = arith.constant 0 : i32
      %dma_wait3A_195 = arith.constant 0 : i32
      %dma_wait3A_196 = tpu.memref_slice %arg20[%dma_wait3A_194, %dma_wait3A_195] : memref<10000x128xf32, #tpu.memory_space<vmem_shared>> -> memref<10000x128xf32, #tpu.memory_space<vmem_shared>>
      tpu.wait_indirect_dma semaphore(%arg30 : memref<!tpu.dma_semaphore, #tpu.memory_space<semaphore_mem>>) src(%arg17 : memref<80x128xf32, #tpu.memory_space<vmem>>) dst(%dma_wait3A_196 : memref<10000x128xf32, #tpu.memory_space<vmem_shared>>)
      %add3A_197 = arith.constant 3 : i32
      %add3A_198 = arith.addi %add3A_187, %add3A_197 : i32
      %lt3A_199 = arith.constant 125 : i32
      %lt3A_200 = arith.cmpi slt, %add3A_198, %lt3A_199 : i32
      %convert_element_type3A_201 = arith.extui %lt3A_200 : i1 to i32
      %cond3A_202 = arith.constant 0 : i32
      %cond3A_203 = arith.cmpi ne, %convert_element_type3A_201, %cond3A_202 : i32
      scf.if %cond3A_203 {
        %add3A_238 = arith.constant 3 : i32
        %add3A_239 = arith.addi %add3A_187, %add3A_238 : i32
        %mul3A_240 = arith.constant 125 : i32
        %mul3A_241 = arith.muli %add3A, %mul3A_240 : i32
        %add3A_242 = arith.addi %mul3A_241, %add3A_239 : i32
        %dma_start3A_243 = arith.constant 0 : i32
        %dma_start3A_244 = arith.constant 0 : i32
        %dma_start3A_245 = tpu.memref_slice %arg3[%add3A_242, %dma_start3A_243, %dma_start3A_244] : memref<4000x1x80xi32, #tpu.memory_space<hbm>> -> memref<1x1x80xi32, #tpu.memory_space<hbm>>
        %dma_start3A_246 = tpu.memref_squeeze %dma_start3A_245 : memref<1x1x80xi32, #tpu.memory_space<hbm>> -> memref<80xi32, #tpu.memory_space<hbm>>
        %dma_start3A_247 = arith.constant 0 : i32
        %dma_start3A_248 = tpu.memref_slice %arg3[%add3A_242, %dma_start3A_243, %dma_start3A_247] : memref<4000x1x80xi32, #tpu.memory_space<hbm>> -> memref<1x1x80xi32, #tpu.memory_space<hbm>>
        %dma_start3A_249 = tpu.memref_squeeze %dma_start3A_248 : memref<1x1x80xi32, #tpu.memory_space<hbm>> -> memref<80xi32, #tpu.memory_space<hbm>>
        tpu.enqueue_dma source(%dma_start3A_249 : memref<80xi32, #tpu.memory_space<hbm>>) target(%arg9 : memref<80xi32, #tpu.memory_space<vmem>>) target_semaphore(%arg26 : memref<!tpu.dma_semaphore, #tpu.memory_space<semaphore_mem>>)
        %dma_start3A_250 = arith.constant 0 : i32
        %dma_start3A_251 = arith.constant 0 : i32
        %dma_start3A_252 = tpu.memref_slice %arg4[%add3A_242, %dma_start3A_250, %dma_start3A_251] : memref<4000x1x80xi32, #tpu.memory_space<hbm>> -> memref<1x1x80xi32, #tpu.memory_space<hbm>>
        %dma_start3A_253 = tpu.memref_squeeze %dma_start3A_252 : memref<1x1x80xi32, #tpu.memory_space<hbm>> -> memref<80xi32, #tpu.memory_space<hbm>>
        %dma_start3A_254 = arith.constant 0 : i32
        %dma_start3A_255 = tpu.memref_slice %arg4[%add3A_242, %dma_start3A_250, %dma_start3A_254] : memref<4000x1x80xi32, #tpu.memory_space<hbm>> -> memref<1x1x80xi32, #tpu.memory_space<hbm>>
        %dma_start3A_256 = tpu.memref_squeeze %dma_start3A_255 : memref<1x1x80xi32, #tpu.memory_space<hbm>> -> memref<80xi32, #tpu.memory_space<hbm>>
        tpu.enqueue_dma source(%dma_start3A_256 : memref<80xi32, #tpu.memory_space<hbm>>) target(%arg13 : memref<80xi32, #tpu.memory_space<vmem>>) target_semaphore(%arg26 : memref<!tpu.dma_semaphore, #tpu.memory_space<semaphore_mem>>)
      } else {
      }
      %add3A_204 = arith.constant 2 : i32
      %add3A_205 = arith.addi %add3A_187, %add3A_204 : i32
      %lt3A_206 = arith.constant 125 : i32
      %lt3A_207 = arith.cmpi slt, %add3A_205, %lt3A_206 : i32
      %convert_element_type3A_208 = arith.extui %lt3A_207 : i1 to i32
      %cond3A_209 = arith.constant 0 : i32
      %cond3A_210 = arith.cmpi ne, %convert_element_type3A_208, %cond3A_209 : i32
      scf.if %cond3A_210 {
        %dma_wait3A_238 = arith.constant 0 : i32
        %dma_wait3A_239 = arith.constant 0 : i32
        %dma_wait3A_240 = arith.constant 0 : i32
        %dma_wait3A_241 = tpu.memref_slice %arg3[%dma_wait3A_238, %dma_wait3A_239, %dma_wait3A_240] : memref<4000x1x80xi32, #tpu.memory_space<hbm>> -> memref<1x1x80xi32, #tpu.memory_space<hbm>>
        %dma_wait3A_242 = tpu.memref_squeeze %dma_wait3A_241 : memref<1x1x80xi32, #tpu.memory_space<hbm>> -> memref<80xi32, #tpu.memory_space<hbm>>
        %dma_wait3A_243 = arith.constant 0 : i32
        %dma_wait3A_244 = tpu.memref_slice %arg3[%dma_wait3A_238, %dma_wait3A_239, %dma_wait3A_243] : memref<4000x1x80xi32, #tpu.memory_space<hbm>> -> memref<1x1x80xi32, #tpu.memory_space<hbm>>
        %dma_wait3A_245 = tpu.memref_squeeze %dma_wait3A_244 : memref<1x1x80xi32, #tpu.memory_space<hbm>> -> memref<80xi32, #tpu.memory_space<hbm>>
        tpu.wait_dma2 semaphore(%arg25 : memref<!tpu.dma_semaphore, #tpu.memory_space<semaphore_mem>>) src(%dma_wait3A_245 : memref<80xi32, #tpu.memory_space<hbm>>) dst(%arg8 : memref<80xi32, #tpu.memory_space<vmem>>)
        %dma_wait3A_246 = arith.constant 0 : i32
        %dma_wait3A_247 = arith.constant 0 : i32
        %dma_wait3A_248 = arith.constant 0 : i32
        %dma_wait3A_249 = tpu.memref_slice %arg4[%dma_wait3A_246, %dma_wait3A_247, %dma_wait3A_248] : memref<4000x1x80xi32, #tpu.memory_space<hbm>> -> memref<1x1x80xi32, #tpu.memory_space<hbm>>
        %dma_wait3A_250 = tpu.memref_squeeze %dma_wait3A_249 : memref<1x1x80xi32, #tpu.memory_space<hbm>> -> memref<80xi32, #tpu.memory_space<hbm>>
        %dma_wait3A_251 = arith.constant 0 : i32
        %dma_wait3A_252 = tpu.memref_slice %arg4[%dma_wait3A_246, %dma_wait3A_247, %dma_wait3A_251] : memref<4000x1x80xi32, #tpu.memory_space<hbm>> -> memref<1x1x80xi32, #tpu.memory_space<hbm>>
        %dma_wait3A_253 = tpu.memref_squeeze %dma_wait3A_252 : memref<1x1x80xi32, #tpu.memory_space<hbm>> -> memref<80xi32, #tpu.memory_space<hbm>>
        tpu.wait_dma2 semaphore(%arg25 : memref<!tpu.dma_semaphore, #tpu.memory_space<semaphore_mem>>) src(%dma_wait3A_253 : memref<80xi32, #tpu.memory_space<hbm>>) dst(%arg12 : memref<80xi32, #tpu.memory_space<vmem>>)
        %dma_start3A_254 = arith.constant 0 : i32
        %dma_start3A_255 = arith.constant 0 : i32
        %dma_start3A_256 = tpu.memref_slice %arg2[%dma_start3A_254, %dma_start3A_255] : memref<10000x128xf32, #tpu.memory_space<hbm>> -> memref<10000x128xf32, #tpu.memory_space<hbm>>
        tpu.enqueue_indirect_dma source(%dma_start3A_256 : memref<10000x128xf32, #tpu.memory_space<hbm>>) target(%arg16 : memref<80x128xf32, #tpu.memory_space<vmem>>) offsets(%arg8 : memref<80xi32, #tpu.memory_space<vmem>>) semaphore(%arg21 : memref<!tpu.dma_semaphore, #tpu.memory_space<semaphore_mem>>)
      } else {
      }
      %mul3A_211 = arith.constant 4 : i32
      %mul3A_212 = arith.muli %mul3A_211, %add3A_128 : i32
      %add3A_213 = arith.constant 3 : i32
      %add3A_214 = arith.addi %mul3A_212, %add3A_213 : i32
      %dma_wait3A_215 = arith.constant 0 : i32
      %dma_wait3A_216 = arith.constant 0 : i32
      %dma_wait3A_217 = tpu.memref_slice %arg2[%dma_wait3A_215, %dma_wait3A_216] : memref<10000x128xf32, #tpu.memory_space<hbm>> -> memref<10000x128xf32, #tpu.memory_space<hbm>>
      tpu.wait_indirect_dma semaphore(%arg24 : memref<!tpu.dma_semaphore, #tpu.memory_space<semaphore_mem>>) src(%dma_wait3A_217 : memref<10000x128xf32, #tpu.memory_space<hbm>>) dst(%arg19 : memref<80x128xf32, #tpu.memory_space<vmem>>)
      %dma_start3A_218 = arith.constant 0 : i32
      %dma_start3A_219 = arith.constant 0 : i32
      %dma_start3A_220 = tpu.memref_slice %arg20[%dma_start3A_218, %dma_start3A_219] : memref<10000x128xf32, #tpu.memory_space<vmem_shared>> -> memref<10000x128xf32, #tpu.memory_space<vmem_shared>>
      tpu.enqueue_indirect_dma source(%arg19 : memref<80x128xf32, #tpu.memory_space<vmem>>) target(%dma_start3A_220 : memref<10000x128xf32, #tpu.memory_space<vmem_shared>>) offsets(%arg15 : memref<80xi32, #tpu.memory_space<vmem>>) semaphore(%arg32 : memref<!tpu.dma_semaphore, #tpu.memory_space<semaphore_mem>>) {add = true}
      %dma_wait3A_221 = arith.constant 0 : i32
      %dma_wait3A_222 = arith.constant 0 : i32
      %dma_wait3A_223 = tpu.memref_slice %arg20[%dma_wait3A_221, %dma_wait3A_222] : memref<10000x128xf32, #tpu.memory_space<vmem_shared>> -> memref<10000x128xf32, #tpu.memory_space<vmem_shared>>
      tpu.wait_indirect_dma semaphore(%arg31 : memref<!tpu.dma_semaphore, #tpu.memory_space<semaphore_mem>>) src(%arg18 : memref<80x128xf32, #tpu.memory_space<vmem>>) dst(%dma_wait3A_223 : memref<10000x128xf32, #tpu.memory_space<vmem_shared>>)
      %add3A_224 = arith.constant 3 : i32
      %add3A_225 = arith.addi %add3A_214, %add3A_224 : i32
      %lt3A_226 = arith.constant 125 : i32
      %lt3A_227 = arith.cmpi slt, %add3A_225, %lt3A_226 : i32
      %convert_element_type3A_228 = arith.extui %lt3A_227 : i1 to i32
      %cond3A_229 = arith.constant 0 : i32
      %cond3A_230 = arith.cmpi ne, %convert_element_type3A_228, %cond3A_229 : i32
      scf.if %cond3A_230 {
        %add3A_238 = arith.constant 3 : i32
        %add3A_239 = arith.addi %add3A_214, %add3A_238 : i32
        %mul3A_240 = arith.constant 125 : i32
        %mul3A_241 = arith.muli %add3A, %mul3A_240 : i32
        %add3A_242 = arith.addi %mul3A_241, %add3A_239 : i32
        %dma_start3A_243 = arith.constant 0 : i32
        %dma_start3A_244 = arith.constant 0 : i32
        %dma_start3A_245 = tpu.memref_slice %arg3[%add3A_242, %dma_start3A_243, %dma_start3A_244] : memref<4000x1x80xi32, #tpu.memory_space<hbm>> -> memref<1x1x80xi32, #tpu.memory_space<hbm>>
        %dma_start3A_246 = tpu.memref_squeeze %dma_start3A_245 : memref<1x1x80xi32, #tpu.memory_space<hbm>> -> memref<80xi32, #tpu.memory_space<hbm>>
        %dma_start3A_247 = arith.constant 0 : i32
        %dma_start3A_248 = tpu.memref_slice %arg3[%add3A_242, %dma_start3A_243, %dma_start3A_247] : memref<4000x1x80xi32, #tpu.memory_space<hbm>> -> memref<1x1x80xi32, #tpu.memory_space<hbm>>
        %dma_start3A_249 = tpu.memref_squeeze %dma_start3A_248 : memref<1x1x80xi32, #tpu.memory_space<hbm>> -> memref<80xi32, #tpu.memory_space<hbm>>
        tpu.enqueue_dma source(%dma_start3A_249 : memref<80xi32, #tpu.memory_space<hbm>>) target(%arg10 : memref<80xi32, #tpu.memory_space<vmem>>) target_semaphore(%arg27 : memref<!tpu.dma_semaphore, #tpu.memory_space<semaphore_mem>>)
        %dma_start3A_250 = arith.constant 0 : i32
        %dma_start3A_251 = arith.constant 0 : i32
        %dma_start3A_252 = tpu.memref_slice %arg4[%add3A_242, %dma_start3A_250, %dma_start3A_251] : memref<4000x1x80xi32, #tpu.memory_space<hbm>> -> memref<1x1x80xi32, #tpu.memory_space<hbm>>
        %dma_start3A_253 = tpu.memref_squeeze %dma_start3A_252 : memref<1x1x80xi32, #tpu.memory_space<hbm>> -> memref<80xi32, #tpu.memory_space<hbm>>
        %dma_start3A_254 = arith.constant 0 : i32
        %dma_start3A_255 = tpu.memref_slice %arg4[%add3A_242, %dma_start3A_250, %dma_start3A_254] : memref<4000x1x80xi32, #tpu.memory_space<hbm>> -> memref<1x1x80xi32, #tpu.memory_space<hbm>>
        %dma_start3A_256 = tpu.memref_squeeze %dma_start3A_255 : memref<1x1x80xi32, #tpu.memory_space<hbm>> -> memref<80xi32, #tpu.memory_space<hbm>>
        tpu.enqueue_dma source(%dma_start3A_256 : memref<80xi32, #tpu.memory_space<hbm>>) target(%arg14 : memref<80xi32, #tpu.memory_space<vmem>>) target_semaphore(%arg27 : memref<!tpu.dma_semaphore, #tpu.memory_space<semaphore_mem>>)
      } else {
      }
      %add3A_231 = arith.constant 2 : i32
      %add3A_232 = arith.addi %add3A_214, %add3A_231 : i32
      %lt3A_233 = arith.constant 125 : i32
      %lt3A_234 = arith.cmpi slt, %add3A_232, %lt3A_233 : i32
      %convert_element_type3A_235 = arith.extui %lt3A_234 : i1 to i32
      %cond3A_236 = arith.constant 0 : i32
      %cond3A_237 = arith.cmpi ne, %convert_element_type3A_235, %cond3A_236 : i32
      scf.if %cond3A_237 {
        %dma_wait3A_238 = arith.constant 0 : i32
        %dma_wait3A_239 = arith.constant 0 : i32
        %dma_wait3A_240 = arith.constant 0 : i32
        %dma_wait3A_241 = tpu.memref_slice %arg3[%dma_wait3A_238, %dma_wait3A_239, %dma_wait3A_240] : memref<4000x1x80xi32, #tpu.memory_space<hbm>> -> memref<1x1x80xi32, #tpu.memory_space<hbm>>
        %dma_wait3A_242 = tpu.memref_squeeze %dma_wait3A_241 : memref<1x1x80xi32, #tpu.memory_space<hbm>> -> memref<80xi32, #tpu.memory_space<hbm>>
        %dma_wait3A_243 = arith.constant 0 : i32
        %dma_wait3A_244 = tpu.memref_slice %arg3[%dma_wait3A_238, %dma_wait3A_239, %dma_wait3A_243] : memref<4000x1x80xi32, #tpu.memory_space<hbm>> -> memref<1x1x80xi32, #tpu.memory_space<hbm>>
        %dma_wait3A_245 = tpu.memref_squeeze %dma_wait3A_244 : memref<1x1x80xi32, #tpu.memory_space<hbm>> -> memref<80xi32, #tpu.memory_space<hbm>>
        tpu.wait_dma2 semaphore(%arg26 : memref<!tpu.dma_semaphore, #tpu.memory_space<semaphore_mem>>) src(%dma_wait3A_245 : memref<80xi32, #tpu.memory_space<hbm>>) dst(%arg9 : memref<80xi32, #tpu.memory_space<vmem>>)
        %dma_wait3A_246 = arith.constant 0 : i32
        %dma_wait3A_247 = arith.constant 0 : i32
        %dma_wait3A_248 = arith.constant 0 : i32
        %dma_wait3A_249 = tpu.memref_slice %arg4[%dma_wait3A_246, %dma_wait3A_247, %dma_wait3A_248] : memref<4000x1x80xi32, #tpu.memory_space<hbm>> -> memref<1x1x80xi32, #tpu.memory_space<hbm>>
        %dma_wait3A_250 = tpu.memref_squeeze %dma_wait3A_249 : memref<1x1x80xi32, #tpu.memory_space<hbm>> -> memref<80xi32, #tpu.memory_space<hbm>>
        %dma_wait3A_251 = arith.constant 0 : i32
        %dma_wait3A_252 = tpu.memref_slice %arg4[%dma_wait3A_246, %dma_wait3A_247, %dma_wait3A_251] : memref<4000x1x80xi32, #tpu.memory_space<hbm>> -> memref<1x1x80xi32, #tpu.memory_space<hbm>>
        %dma_wait3A_253 = tpu.memref_squeeze %dma_wait3A_252 : memref<1x1x80xi32, #tpu.memory_space<hbm>> -> memref<80xi32, #tpu.memory_space<hbm>>
        tpu.wait_dma2 semaphore(%arg26 : memref<!tpu.dma_semaphore, #tpu.memory_space<semaphore_mem>>) src(%dma_wait3A_253 : memref<80xi32, #tpu.memory_space<hbm>>) dst(%arg13 : memref<80xi32, #tpu.memory_space<vmem>>)
        %dma_start3A_254 = arith.constant 0 : i32
        %dma_start3A_255 = arith.constant 0 : i32
        %dma_start3A_256 = tpu.memref_slice %arg2[%dma_start3A_254, %dma_start3A_255] : memref<10000x128xf32, #tpu.memory_space<hbm>> -> memref<10000x128xf32, #tpu.memory_space<hbm>>
        tpu.enqueue_indirect_dma source(%dma_start3A_256 : memref<10000x128xf32, #tpu.memory_space<hbm>>) target(%arg17 : memref<80x128xf32, #tpu.memory_space<vmem>>) offsets(%arg9 : memref<80xi32, #tpu.memory_space<vmem>>) semaphore(%arg22 : memref<!tpu.dma_semaphore, #tpu.memory_space<semaphore_mem>>)
      } else {
      }
    }
    %scan3A_100 = arith.constant 31 : i32
    %dma_wait3A_101 = arith.constant 0 : i32
    %dma_wait3A_102 = arith.constant 0 : i32
    %dma_wait3A_103 = tpu.memref_slice %arg2[%dma_wait3A_101, %dma_wait3A_102] : memref<10000x128xf32, #tpu.memory_space<hbm>> -> memref<10000x128xf32, #tpu.memory_space<hbm>>
    tpu.wait_indirect_dma semaphore(%arg21 : memref<!tpu.dma_semaphore, #tpu.memory_space<semaphore_mem>>) src(%dma_wait3A_103 : memref<10000x128xf32, #tpu.memory_space<hbm>>) dst(%arg16 : memref<80x128xf32, #tpu.memory_space<vmem>>)
    %dma_start3A_104 = arith.constant 0 : i32
    %dma_start3A_105 = arith.constant 0 : i32
    %dma_start3A_106 = tpu.memref_slice %arg20[%dma_start3A_104, %dma_start3A_105] : memref<10000x128xf32, #tpu.memory_space<vmem_shared>> -> memref<10000x128xf32, #tpu.memory_space<vmem_shared>>
    tpu.enqueue_indirect_dma source(%arg16 : memref<80x128xf32, #tpu.memory_space<vmem>>) target(%dma_start3A_106 : memref<10000x128xf32, #tpu.memory_space<vmem_shared>>) offsets(%arg12 : memref<80xi32, #tpu.memory_space<vmem>>) semaphore(%arg29 : memref<!tpu.dma_semaphore, #tpu.memory_space<semaphore_mem>>) {add = true}
    %dma_wait3A_107 = arith.constant 0 : i32
    %dma_wait3A_108 = arith.constant 0 : i32
    %dma_wait3A_109 = tpu.memref_slice %arg20[%dma_wait3A_107, %dma_wait3A_108] : memref<10000x128xf32, #tpu.memory_space<vmem_shared>> -> memref<10000x128xf32, #tpu.memory_space<vmem_shared>>
    tpu.wait_indirect_dma semaphore(%arg32 : memref<!tpu.dma_semaphore, #tpu.memory_space<semaphore_mem>>) src(%arg19 : memref<80x128xf32, #tpu.memory_space<vmem>>) dst(%dma_wait3A_109 : memref<10000x128xf32, #tpu.memory_space<vmem_shared>>)
    %dma_wait3A_110 = arith.constant 0 : i32
    %dma_wait3A_111 = arith.constant 0 : i32
    %dma_wait3A_112 = tpu.memref_slice %arg20[%dma_wait3A_110, %dma_wait3A_111] : memref<10000x128xf32, #tpu.memory_space<vmem_shared>> -> memref<10000x128xf32, #tpu.memory_space<vmem_shared>>
    tpu.wait_indirect_dma semaphore(%arg29 : memref<!tpu.dma_semaphore, #tpu.memory_space<semaphore_mem>>) src(%arg16 : memref<80x128xf32, #tpu.memory_space<vmem>>) dst(%dma_wait3A_112 : memref<10000x128xf32, #tpu.memory_space<vmem_shared>>)
    %barrier3A_113 = arith.constant 0 : index
    tpu.barrier barrier_id(%barrier3A_113)
    %lt3A_114 = arith.constant 15 : i32
    %lt3A_115 = arith.cmpi slt, %arg1, %lt3A_114 : i32
    %convert_element_type3A_116 = arith.extui %lt3A_115 : i1 to i32
    %cond3A_117 = arith.constant 0 : i32
    %cond3A_118 = arith.cmpi ne, %convert_element_type3A_116, %cond3A_117 : i32
    scf.if %cond3A_118 {
      %mul3A_124 = arith.constant 640 : i32
      %mul3A_125 = arith.muli %arg1, %mul3A_124 : i32
      %mul3A_126 = arith.constant 640 : i32
      %mul3A_127 = arith.muli %arg1, %mul3A_126 : i32
      "tpu.region"() ({
        %run_scoped3A = tpu.sem_alloc : memref<!tpu.dma_semaphore, #tpu.memory_space<semaphore_mem>>
        %dma_start3A_128 = arith.constant 0 : i32
        %dma_start3A_129 = tpu.memref_slice %arg7[%arg0, %mul3A_127, %dma_start3A_128] : memref<2x10000x128xf32, #tpu.memory_space<hbm>> -> memref<1x640x128xf32, #tpu.memory_space<hbm>>
        %dma_start3A_130 = tpu.memref_squeeze %dma_start3A_129 : memref<1x640x128xf32, #tpu.memory_space<hbm>> -> memref<640x128xf32, #tpu.memory_space<hbm>>
        %dma_start3A_131 = arith.constant 0 : i32
        %dma_start3A_132 = tpu.memref_slice %arg20[%mul3A_125, %dma_start3A_131] : memref<10000x128xf32, #tpu.memory_space<vmem_shared>> -> memref<640x128xf32, #tpu.memory_space<vmem_shared>>
        tpu.enqueue_dma source(%dma_start3A_132 : memref<640x128xf32, #tpu.memory_space<vmem_shared>>) target(%dma_start3A_130 : memref<640x128xf32, #tpu.memory_space<hbm>>) target_semaphore(%run_scoped3A : memref<!tpu.dma_semaphore, #tpu.memory_space<semaphore_mem>>)
        %dma_wait3A_133 = arith.constant 0 : i32
        %dma_wait3A_134 = tpu.memref_slice %arg7[%arg0, %mul3A_127, %dma_wait3A_133] : memref<2x10000x128xf32, #tpu.memory_space<hbm>> -> memref<1x640x128xf32, #tpu.memory_space<hbm>>
        %dma_wait3A_135 = tpu.memref_squeeze %dma_wait3A_134 : memref<1x640x128xf32, #tpu.memory_space<hbm>> -> memref<640x128xf32, #tpu.memory_space<hbm>>
        %dma_wait3A_136 = arith.constant 0 : i32
        %dma_wait3A_137 = tpu.memref_slice %arg20[%mul3A_125, %dma_wait3A_136] : memref<10000x128xf32, #tpu.memory_space<vmem_shared>> -> memref<640x128xf32, #tpu.memory_space<vmem_shared>>
        tpu.wait_dma2 semaphore(%run_scoped3A : memref<!tpu.dma_semaphore, #tpu.memory_space<semaphore_mem>>) src(%dma_wait3A_137 : memref<640x128xf32, #tpu.memory_space<vmem_shared>>) dst(%dma_wait3A_135 : memref<640x128xf32, #tpu.memory_space<hbm>>)
        tpu.yield
      }) : () -> ()
    } else {
    }
    %eq3A_119 = arith.constant 15 : i32
    %eq3A_120 = arith.cmpi eq, %arg1, %eq3A_119 : i32
    %convert_element_type3A_121 = arith.extui %eq3A_120 : i1 to i32
    %cond3A_122 = arith.constant 0 : i32
    %cond3A_123 = arith.cmpi ne, %convert_element_type3A_121, %cond3A_122 : i32
    scf.if %cond3A_123 {
      "tpu.region"() ({
        %run_scoped3A = tpu.sem_alloc : memref<!tpu.dma_semaphore, #tpu.memory_space<semaphore_mem>>
        %dma_start3A_124 = arith.constant 9600 : i32
        %dma_start3A_125 = arith.constant 0 : i32
        %dma_start3A_126 = tpu.memref_slice %arg7[%arg0, %dma_start3A_124, %dma_start3A_125] : memref<2x10000x128xf32, #tpu.memory_space<hbm>> -> memref<1x400x128xf32, #tpu.memory_space<hbm>>
        %dma_start3A_127 = tpu.memref_squeeze %dma_start3A_126 : memref<1x400x128xf32, #tpu.memory_space<hbm>> -> memref<400x128xf32, #tpu.memory_space<hbm>>
        %dma_start3A_128 = arith.constant 9600 : i32
        %dma_start3A_129 = arith.constant 0 : i32
        %dma_start3A_130 = tpu.memref_slice %arg20[%dma_start3A_128, %dma_start3A_129] : memref<10000x128xf32, #tpu.memory_space<vmem_shared>> -> memref<400x128xf32, #tpu.memory_space<vmem_shared>>
        tpu.enqueue_dma source(%dma_start3A_130 : memref<400x128xf32, #tpu.memory_space<vmem_shared>>) target(%dma_start3A_127 : memref<400x128xf32, #tpu.memory_space<hbm>>) target_semaphore(%run_scoped3A : memref<!tpu.dma_semaphore, #tpu.memory_space<semaphore_mem>>)
        %dma_wait3A_131 = arith.constant 9600 : i32
        %dma_wait3A_132 = arith.constant 0 : i32
        %dma_wait3A_133 = tpu.memref_slice %arg7[%arg0, %dma_wait3A_131, %dma_wait3A_132] : memref<2x10000x128xf32, #tpu.memory_space<hbm>> -> memref<1x400x128xf32, #tpu.memory_space<hbm>>
        %dma_wait3A_134 = tpu.memref_squeeze %dma_wait3A_133 : memref<1x400x128xf32, #tpu.memory_space<hbm>> -> memref<400x128xf32, #tpu.memory_space<hbm>>
        %dma_wait3A_135 = arith.constant 9600 : i32
        %dma_wait3A_136 = arith.constant 0 : i32
        %dma_wait3A_137 = tpu.memref_slice %arg20[%dma_wait3A_135, %dma_wait3A_136] : memref<10000x128xf32, #tpu.memory_space<vmem_shared>> -> memref<400x128xf32, #tpu.memory_space<vmem_shared>>
        tpu.wait_dma2 semaphore(%run_scoped3A : memref<!tpu.dma_semaphore, #tpu.memory_space<semaphore_mem>>) src(%dma_wait3A_137 : memref<400x128xf32, #tpu.memory_space<vmem_shared>>) dst(%dma_wait3A_134 : memref<400x128xf32, #tpu.memory_space<hbm>>)
        tpu.yield
      }) : () -> ()
    } else {
    }
    return
  }
}

#map = affine_map<(d0, d1) -> (0, 0)>
#map1 = affine_map<(d0, d1) -> (0, 0, 0)>
module attributes {stable_mosaic.version = 14 : i64} {
  func.func @_sc_agg(%arg0: i32, %arg1: i32, %arg2: memref<10000x128xf32, #tpu.memory_space<hbm>>, %arg3: memref<4000x1x80xi32, #tpu.memory_space<hbm>>, %arg4: memref<4000x1x80xi32, #tpu.memory_space<hbm>>, %arg5: memref<10000x128xf32, #tpu.memory_space<hbm>>, %arg6: memref<2x10000x128xf32, #tpu.memory_space<hbm>>, %arg7: memref<2x10000x128xf32, #tpu.memory_space<hbm>>, %arg8: memref<80xi32, #tpu.memory_space<vmem>>, %arg9: memref<80xi32, #tpu.memory_space<vmem>>, %arg10: memref<80xi32, #tpu.memory_space<vmem>>, %arg11: memref<80xi32, #tpu.memory_space<vmem>>, %arg12: memref<80xi32, #tpu.memory_space<vmem>>, %arg13: memref<80xi32, #tpu.memory_space<vmem>>, %arg14: memref<80xi32, #tpu.memory_space<vmem>>, %arg15: memref<80xi32, #tpu.memory_space<vmem>>, %arg16: memref<80x128xf32, #tpu.memory_space<vmem>>, %arg17: memref<80x128xf32, #tpu.memory_space<vmem>>, %arg18: memref<80x128xf32, #tpu.memory_space<vmem>>, %arg19: memref<80x128xf32, #tpu.memory_space<vmem>>, %arg20: memref<10000x128xf32, #tpu.memory_space<vmem_shared>>, %arg21: memref<!tpu.dma_semaphore, #tpu.memory_space<semaphore_mem>>, %arg22: memref<!tpu.dma_semaphore, #tpu.memory_space<semaphore_mem>>, %arg23: memref<!tpu.dma_semaphore, #tpu.memory_space<semaphore_mem>>, %arg24: memref<!tpu.dma_semaphore, #tpu.memory_space<semaphore_mem>>, %arg25: memref<!tpu.dma_semaphore, #tpu.memory_space<semaphore_mem>>, %arg26: memref<!tpu.dma_semaphore, #tpu.memory_space<semaphore_mem>>, %arg27: memref<!tpu.dma_semaphore, #tpu.memory_space<semaphore_mem>>, %arg28: memref<!tpu.dma_semaphore, #tpu.memory_space<semaphore_mem>>, %arg29: memref<!tpu.dma_semaphore, #tpu.memory_space<semaphore_mem>>, %arg30: memref<!tpu.dma_semaphore, #tpu.memory_space<semaphore_mem>>, %arg31: memref<!tpu.dma_semaphore, #tpu.memory_space<semaphore_mem>>, %arg32: memref<!tpu.dma_semaphore, #tpu.memory_space<semaphore_mem>>) attributes {dimension_semantics = [#tpu.dimension_semantics<core_parallel>, #tpu.dimension_semantics<subcore_parallel>], iteration_bounds = array<i64: 2, 16>, scalar_prefetch = 0 : i64, scratch_operands = 25 : i64, tpu.core_type = #tpu.core_type<sc_vector_subcore>, window_params = [{transform_indices = #map}, {transform_indices = #map1}, {transform_indices = #map1}, {transform_indices = #map}, {transform_indices = #map1}, {transform_indices = #map1}]} {
    %mul3A = arith.constant 16 : i32
    %mul3A_0 = arith.muli %arg0, %mul3A : i32
    %add3A = arith.addi %mul3A_0, %arg1 : i32
    %mul3A_1 = arith.constant 125 : i32
    %mul3A_2 = arith.muli %add3A, %mul3A_1 : i32
    %add3A_3 = arith.constant 0 : i32
    %add3A_4 = arith.addi %mul3A_2, %add3A_3 : i32
    %dma_start3A = arith.constant 0 : i32
    %dma_start3A_5 = arith.constant 0 : i32
    %dma_start3A_6 = tpu.memref_slice %arg3[%add3A_4, %dma_start3A, %dma_start3A_5] : memref<4000x1x80xi32, #tpu.memory_space<hbm>> -> memref<1x1x80xi32, #tpu.memory_space<hbm>>
    %dma_start3A_7 = tpu.memref_squeeze %dma_start3A_6 : memref<1x1x80xi32, #tpu.memory_space<hbm>> -> memref<80xi32, #tpu.memory_space<hbm>>
    %dma_start3A_8 = arith.constant 0 : i32
    %dma_start3A_9 = tpu.memref_slice %arg3[%add3A_4, %dma_start3A, %dma_start3A_8] : memref<4000x1x80xi32, #tpu.memory_space<hbm>> -> memref<1x1x80xi32, #tpu.memory_space<hbm>>
    %dma_start3A_10 = tpu.memref_squeeze %dma_start3A_9 : memref<1x1x80xi32, #tpu.memory_space<hbm>> -> memref<80xi32, #tpu.memory_space<hbm>>
    tpu.enqueue_dma source(%dma_start3A_10 : memref<80xi32, #tpu.memory_space<hbm>>) target(%arg8 : memref<80xi32, #tpu.memory_space<vmem>>) target_semaphore(%arg25 : memref<!tpu.dma_semaphore, #tpu.memory_space<semaphore_mem>>)
    %dma_start3A_11 = arith.constant 0 : i32
    %dma_start3A_12 = arith.constant 0 : i32
    %dma_start3A_13 = tpu.memref_slice %arg4[%add3A_4, %dma_start3A_11, %dma_start3A_12] : memref<4000x1x80xi32, #tpu.memory_space<hbm>> -> memref<1x1x80xi32, #tpu.memory_space<hbm>>
    %dma_start3A_14 = tpu.memref_squeeze %dma_start3A_13 : memref<1x1x80xi32, #tpu.memory_space<hbm>> -> memref<80xi32, #tpu.memory_space<hbm>>
    %dma_start3A_15 = arith.constant 0 : i32
    %dma_start3A_16 = tpu.memref_slice %arg4[%add3A_4, %dma_start3A_11, %dma_start3A_15] : memref<4000x1x80xi32, #tpu.memory_space<hbm>> -> memref<1x1x80xi32, #tpu.memory_space<hbm>>
    %dma_start3A_17 = tpu.memref_squeeze %dma_start3A_16 : memref<1x1x80xi32, #tpu.memory_space<hbm>> -> memref<80xi32, #tpu.memory_space<hbm>>
    tpu.enqueue_dma source(%dma_start3A_17 : memref<80xi32, #tpu.memory_space<hbm>>) target(%arg12 : memref<80xi32, #tpu.memory_space<vmem>>) target_semaphore(%arg25 : memref<!tpu.dma_semaphore, #tpu.memory_space<semaphore_mem>>)
    %mul3A_18 = arith.constant 125 : i32
    %mul3A_19 = arith.muli %add3A, %mul3A_18 : i32
    %add3A_20 = arith.constant 1 : i32
    %add3A_21 = arith.addi %mul3A_19, %add3A_20 : i32
    %dma_start3A_22 = arith.constant 0 : i32
    %dma_start3A_23 = arith.constant 0 : i32
    %dma_start3A_24 = tpu.memref_slice %arg3[%add3A_21, %dma_start3A_22, %dma_start3A_23] : memref<4000x1x80xi32, #tpu.memory_space<hbm>> -> memref<1x1x80xi32, #tpu.memory_space<hbm>>
    %dma_start3A_25 = tpu.memref_squeeze %dma_start3A_24 : memref<1x1x80xi32, #tpu.memory_space<hbm>> -> memref<80xi32, #tpu.memory_space<hbm>>
    %dma_start3A_26 = arith.constant 0 : i32
    %dma_start3A_27 = tpu.memref_slice %arg3[%add3A_21, %dma_start3A_22, %dma_start3A_26] : memref<4000x1x80xi32, #tpu.memory_space<hbm>> -> memref<1x1x80xi32, #tpu.memory_space<hbm>>
    %dma_start3A_28 = tpu.memref_squeeze %dma_start3A_27 : memref<1x1x80xi32, #tpu.memory_space<hbm>> -> memref<80xi32, #tpu.memory_space<hbm>>
    tpu.enqueue_dma source(%dma_start3A_28 : memref<80xi32, #tpu.memory_space<hbm>>) target(%arg9 : memref<80xi32, #tpu.memory_space<vmem>>) target_semaphore(%arg26 : memref<!tpu.dma_semaphore, #tpu.memory_space<semaphore_mem>>)
    %dma_start3A_29 = arith.constant 0 : i32
    %dma_start3A_30 = arith.constant 0 : i32
    %dma_start3A_31 = tpu.memref_slice %arg4[%add3A_21, %dma_start3A_29, %dma_start3A_30] : memref<4000x1x80xi32, #tpu.memory_space<hbm>> -> memref<1x1x80xi32, #tpu.memory_space<hbm>>
    %dma_start3A_32 = tpu.memref_squeeze %dma_start3A_31 : memref<1x1x80xi32, #tpu.memory_space<hbm>> -> memref<80xi32, #tpu.memory_space<hbm>>
    %dma_start3A_33 = arith.constant 0 : i32
    %dma_start3A_34 = tpu.memref_slice %arg4[%add3A_21, %dma_start3A_29, %dma_start3A_33] : memref<4000x1x80xi32, #tpu.memory_space<hbm>> -> memref<1x1x80xi32, #tpu.memory_space<hbm>>
    %dma_start3A_35 = tpu.memref_squeeze %dma_start3A_34 : memref<1x1x80xi32, #tpu.memory_space<hbm>> -> memref<80xi32, #tpu.memory_space<hbm>>
    tpu.enqueue_dma source(%dma_start3A_35 : memref<80xi32, #tpu.memory_space<hbm>>) target(%arg13 : memref<80xi32, #tpu.memory_space<vmem>>) target_semaphore(%arg26 : memref<!tpu.dma_semaphore, #tpu.memory_space<semaphore_mem>>)
    %mul3A_36 = arith.constant 125 : i32
    %mul3A_37 = arith.muli %add3A, %mul3A_36 : i32
    %add3A_38 = arith.constant 2 : i32
    %add3A_39 = arith.addi %mul3A_37, %add3A_38 : i32
    %dma_start3A_40 = arith.constant 0 : i32
    %dma_start3A_41 = arith.constant 0 : i32
    %dma_start3A_42 = tpu.memref_slice %arg3[%add3A_39, %dma_start3A_40, %dma_start3A_41] : memref<4000x1x80xi32, #tpu.memory_space<hbm>> -> memref<1x1x80xi32, #tpu.memory_space<hbm>>
    %dma_start3A_43 = tpu.memref_squeeze %dma_start3A_42 : memref<1x1x80xi32, #tpu.memory_space<hbm>> -> memref<80xi32, #tpu.memory_space<hbm>>
    %dma_start3A_44 = arith.constant 0 : i32
    %dma_start3A_45 = tpu.memref_slice %arg3[%add3A_39, %dma_start3A_40, %dma_start3A_44] : memref<4000x1x80xi32, #tpu.memory_space<hbm>> -> memref<1x1x80xi32, #tpu.memory_space<hbm>>
    %dma_start3A_46 = tpu.memref_squeeze %dma_start3A_45 : memref<1x1x80xi32, #tpu.memory_space<hbm>> -> memref<80xi32, #tpu.memory_space<hbm>>
    tpu.enqueue_dma source(%dma_start3A_46 : memref<80xi32, #tpu.memory_space<hbm>>) target(%arg10 : memref<80xi32, #tpu.memory_space<vmem>>) target_semaphore(%arg27 : memref<!tpu.dma_semaphore, #tpu.memory_space<semaphore_mem>>)
    %dma_start3A_47 = arith.constant 0 : i32
    %dma_start3A_48 = arith.constant 0 : i32
    %dma_start3A_49 = tpu.memref_slice %arg4[%add3A_39, %dma_start3A_47, %dma_start3A_48] : memref<4000x1x80xi32, #tpu.memory_space<hbm>> -> memref<1x1x80xi32, #tpu.memory_space<hbm>>
    %dma_start3A_50 = tpu.memref_squeeze %dma_start3A_49 : memref<1x1x80xi32, #tpu.memory_space<hbm>> -> memref<80xi32, #tpu.memory_space<hbm>>
    %dma_start3A_51 = arith.constant 0 : i32
    %dma_start3A_52 = tpu.memref_slice %arg4[%add3A_39, %dma_start3A_47, %dma_start3A_51] : memref<4000x1x80xi32, #tpu.memory_space<hbm>> -> memref<1x1x80xi32, #tpu.memory_space<hbm>>
    %dma_start3A_53 = tpu.memref_squeeze %dma_start3A_52 : memref<1x1x80xi32, #tpu.memory_space<hbm>> -> memref<80xi32, #tpu.memory_space<hbm>>
    tpu.enqueue_dma source(%dma_start3A_53 : memref<80xi32, #tpu.memory_space<hbm>>) target(%arg14 : memref<80xi32, #tpu.memory_space<vmem>>) target_semaphore(%arg27 : memref<!tpu.dma_semaphore, #tpu.memory_space<semaphore_mem>>)
    %dma_wait3A = arith.constant 0 : i32
    %dma_wait3A_54 = arith.constant 0 : i32
    %dma_wait3A_55 = arith.constant 0 : i32
    %dma_wait3A_56 = tpu.memref_slice %arg3[%dma_wait3A, %dma_wait3A_54, %dma_wait3A_55] : memref<4000x1x80xi32, #tpu.memory_space<hbm>> -> memref<1x1x80xi32, #tpu.memory_space<hbm>>
    %dma_wait3A_57 = tpu.memref_squeeze %dma_wait3A_56 : memref<1x1x80xi32, #tpu.memory_space<hbm>> -> memref<80xi32, #tpu.memory_space<hbm>>
    %dma_wait3A_58 = arith.constant 0 : i32
    %dma_wait3A_59 = tpu.memref_slice %arg3[%dma_wait3A, %dma_wait3A_54, %dma_wait3A_58] : memref<4000x1x80xi32, #tpu.memory_space<hbm>> -> memref<1x1x80xi32, #tpu.memory_space<hbm>>
    %dma_wait3A_60 = tpu.memref_squeeze %dma_wait3A_59 : memref<1x1x80xi32, #tpu.memory_space<hbm>> -> memref<80xi32, #tpu.memory_space<hbm>>
    tpu.wait_dma2 semaphore(%arg25 : memref<!tpu.dma_semaphore, #tpu.memory_space<semaphore_mem>>) src(%dma_wait3A_60 : memref<80xi32, #tpu.memory_space<hbm>>) dst(%arg8 : memref<80xi32, #tpu.memory_space<vmem>>)
    %dma_wait3A_61 = arith.constant 0 : i32
    %dma_wait3A_62 = arith.constant 0 : i32
    %dma_wait3A_63 = arith.constant 0 : i32
    %dma_wait3A_64 = tpu.memref_slice %arg4[%dma_wait3A_61, %dma_wait3A_62, %dma_wait3A_63] : memref<4000x1x80xi32, #tpu.memory_space<hbm>> -> memref<1x1x80xi32, #tpu.memory_space<hbm>>
    %dma_wait3A_65 = tpu.memref_squeeze %dma_wait3A_64 : memref<1x1x80xi32, #tpu.memory_space<hbm>> -> memref<80xi32, #tpu.memory_space<hbm>>
    %dma_wait3A_66 = arith.constant 0 : i32
    %dma_wait3A_67 = tpu.memref_slice %arg4[%dma_wait3A_61, %dma_wait3A_62, %dma_wait3A_66] : memref<4000x1x80xi32, #tpu.memory_space<hbm>> -> memref<1x1x80xi32, #tpu.memory_space<hbm>>
    %dma_wait3A_68 = tpu.memref_squeeze %dma_wait3A_67 : memref<1x1x80xi32, #tpu.memory_space<hbm>> -> memref<80xi32, #tpu.memory_space<hbm>>
    tpu.wait_dma2 semaphore(%arg25 : memref<!tpu.dma_semaphore, #tpu.memory_space<semaphore_mem>>) src(%dma_wait3A_68 : memref<80xi32, #tpu.memory_space<hbm>>) dst(%arg12 : memref<80xi32, #tpu.memory_space<vmem>>)
    %dma_start3A_69 = arith.constant 0 : i32
    %dma_start3A_70 = arith.constant 0 : i32
    %dma_start3A_71 = tpu.memref_slice %arg2[%dma_start3A_69, %dma_start3A_70] : memref<10000x128xf32, #tpu.memory_space<hbm>> -> memref<10000x128xf32, #tpu.memory_space<hbm>>
    tpu.enqueue_indirect_dma source(%dma_start3A_71 : memref<10000x128xf32, #tpu.memory_space<hbm>>) target(%arg16 : memref<80x128xf32, #tpu.memory_space<vmem>>) offsets(%arg8 : memref<80xi32, #tpu.memory_space<vmem>>) semaphore(%arg21 : memref<!tpu.dma_semaphore, #tpu.memory_space<semaphore_mem>>)
    %dma_wait3A_72 = arith.constant 0 : i32
    %dma_wait3A_73 = arith.constant 0 : i32
    %dma_wait3A_74 = arith.constant 0 : i32
    %dma_wait3A_75 = tpu.memref_slice %arg3[%dma_wait3A_72, %dma_wait3A_73, %dma_wait3A_74] : memref<4000x1x80xi32, #tpu.memory_space<hbm>> -> memref<1x1x80xi32, #tpu.memory_space<hbm>>
    %dma_wait3A_76 = tpu.memref_squeeze %dma_wait3A_75 : memref<1x1x80xi32, #tpu.memory_space<hbm>> -> memref<80xi32, #tpu.memory_space<hbm>>
    %dma_wait3A_77 = arith.constant 0 : i32
    %dma_wait3A_78 = tpu.memref_slice %arg3[%dma_wait3A_72, %dma_wait3A_73, %dma_wait3A_77] : memref<4000x1x80xi32, #tpu.memory_space<hbm>> -> memref<1x1x80xi32, #tpu.memory_space<hbm>>
    %dma_wait3A_79 = tpu.memref_squeeze %dma_wait3A_78 : memref<1x1x80xi32, #tpu.memory_space<hbm>> -> memref<80xi32, #tpu.memory_space<hbm>>
    tpu.wait_dma2 semaphore(%arg26 : memref<!tpu.dma_semaphore, #tpu.memory_space<semaphore_mem>>) src(%dma_wait3A_79 : memref<80xi32, #tpu.memory_space<hbm>>) dst(%arg9 : memref<80xi32, #tpu.memory_space<vmem>>)
    %dma_wait3A_80 = arith.constant 0 : i32
    %dma_wait3A_81 = arith.constant 0 : i32
    %dma_wait3A_82 = arith.constant 0 : i32
    %dma_wait3A_83 = tpu.memref_slice %arg4[%dma_wait3A_80, %dma_wait3A_81, %dma_wait3A_82] : memref<4000x1x80xi32, #tpu.memory_space<hbm>> -> memref<1x1x80xi32, #tpu.memory_space<hbm>>
    %dma_wait3A_84 = tpu.memref_squeeze %dma_wait3A_83 : memref<1x1x80xi32, #tpu.memory_space<hbm>> -> memref<80xi32, #tpu.memory_space<hbm>>
    %dma_wait3A_85 = arith.constant 0 : i32
    %dma_wait3A_86 = tpu.memref_slice %arg4[%dma_wait3A_80, %dma_wait3A_81, %dma_wait3A_85] : memref<4000x1x80xi32, #tpu.memory_space<hbm>> -> memref<1x1x80xi32, #tpu.memory_space<hbm>>
    %dma_wait3A_87 = tpu.memref_squeeze %dma_wait3A_86 : memref<1x1x80xi32, #tpu.memory_space<hbm>> -> memref<80xi32, #tpu.memory_space<hbm>>
    tpu.wait_dma2 semaphore(%arg26 : memref<!tpu.dma_semaphore, #tpu.memory_space<semaphore_mem>>) src(%dma_wait3A_87 : memref<80xi32, #tpu.memory_space<hbm>>) dst(%arg13 : memref<80xi32, #tpu.memory_space<vmem>>)
    %dma_start3A_88 = arith.constant 0 : i32
    %dma_start3A_89 = arith.constant 0 : i32
    %dma_start3A_90 = tpu.memref_slice %arg2[%dma_start3A_88, %dma_start3A_89] : memref<10000x128xf32, #tpu.memory_space<hbm>> -> memref<10000x128xf32, #tpu.memory_space<hbm>>
    tpu.enqueue_indirect_dma source(%dma_start3A_90 : memref<10000x128xf32, #tpu.memory_space<hbm>>) target(%arg17 : memref<80x128xf32, #tpu.memory_space<vmem>>) offsets(%arg9 : memref<80xi32, #tpu.memory_space<vmem>>) semaphore(%arg22 : memref<!tpu.dma_semaphore, #tpu.memory_space<semaphore_mem>>)
    %lt3A = arith.constant 15 : i32
    %lt3A_91 = arith.cmpi slt, %arg1, %lt3A : i32
    %convert_element_type3A = arith.extui %lt3A_91 : i1 to i32
    %cond3A = arith.constant 0 : i32
    %cond3A_92 = arith.cmpi ne, %convert_element_type3A, %cond3A : i32
    scf.if %cond3A_92 {
      %mul3A_124 = arith.constant 640 : i32
      %mul3A_125 = arith.muli %arg1, %mul3A_124 : i32
      %mul3A_126 = arith.constant 640 : i32
      %mul3A_127 = arith.muli %arg1, %mul3A_126 : i32
      "tpu.region"() ({
        %run_scoped3A = tpu.sem_alloc : memref<!tpu.dma_semaphore, #tpu.memory_space<semaphore_mem>>
        %dma_start3A_128 = arith.constant 0 : i32
        %dma_start3A_129 = tpu.memref_slice %arg20[%mul3A_127, %dma_start3A_128] : memref<10000x128xf32, #tpu.memory_space<vmem_shared>> -> memref<640x128xf32, #tpu.memory_space<vmem_shared>>
        %dma_start3A_130 = arith.constant 0 : i32
        %dma_start3A_131 = tpu.memref_slice %arg5[%mul3A_125, %dma_start3A_130] : memref<10000x128xf32, #tpu.memory_space<hbm>> -> memref<640x128xf32, #tpu.memory_space<hbm>>
        tpu.enqueue_dma source(%dma_start3A_131 : memref<640x128xf32, #tpu.memory_space<hbm>>) target(%dma_start3A_129 : memref<640x128xf32, #tpu.memory_space<vmem_shared>>) target_semaphore(%run_scoped3A : memref<!tpu.dma_semaphore, #tpu.memory_space<semaphore_mem>>)
        %dma_wait3A_132 = arith.constant 0 : i32
        %dma_wait3A_133 = tpu.memref_slice %arg20[%mul3A_127, %dma_wait3A_132] : memref<10000x128xf32, #tpu.memory_space<vmem_shared>> -> memref<640x128xf32, #tpu.memory_space<vmem_shared>>
        %dma_wait3A_134 = arith.constant 0 : i32
        %dma_wait3A_135 = tpu.memref_slice %arg5[%mul3A_125, %dma_wait3A_134] : memref<10000x128xf32, #tpu.memory_space<hbm>> -> memref<640x128xf32, #tpu.memory_space<hbm>>
        tpu.wait_dma2 semaphore(%run_scoped3A : memref<!tpu.dma_semaphore, #tpu.memory_space<semaphore_mem>>) src(%dma_wait3A_135 : memref<640x128xf32, #tpu.memory_space<hbm>>) dst(%dma_wait3A_133 : memref<640x128xf32, #tpu.memory_space<vmem_shared>>)
        tpu.yield
      }) : () -> ()
    } else {
    }
    %eq3A = arith.constant 15 : i32
    %eq3A_93 = arith.cmpi eq, %arg1, %eq3A : i32
    %convert_element_type3A_94 = arith.extui %eq3A_93 : i1 to i32
    %cond3A_95 = arith.constant 0 : i32
    %cond3A_96 = arith.cmpi ne, %convert_element_type3A_94, %cond3A_95 : i32
    scf.if %cond3A_96 {
      "tpu.region"() ({
        %run_scoped3A = tpu.sem_alloc : memref<!tpu.dma_semaphore, #tpu.memory_space<semaphore_mem>>
        %dma_start3A_124 = arith.constant 9600 : i32
        %dma_start3A_125 = arith.constant 0 : i32
        %dma_start3A_126 = tpu.memref_slice %arg20[%dma_start3A_124, %dma_start3A_125] : memref<10000x128xf32, #tpu.memory_space<vmem_shared>> -> memref<400x128xf32, #tpu.memory_space<vmem_shared>>
        %dma_start3A_127 = arith.constant 9600 : i32
        %dma_start3A_128 = arith.constant 0 : i32
        %dma_start3A_129 = tpu.memref_slice %arg5[%dma_start3A_127, %dma_start3A_128] : memref<10000x128xf32, #tpu.memory_space<hbm>> -> memref<400x128xf32, #tpu.memory_space<hbm>>
        tpu.enqueue_dma source(%dma_start3A_129 : memref<400x128xf32, #tpu.memory_space<hbm>>) target(%dma_start3A_126 : memref<400x128xf32, #tpu.memory_space<vmem_shared>>) target_semaphore(%run_scoped3A : memref<!tpu.dma_semaphore, #tpu.memory_space<semaphore_mem>>)
        %dma_wait3A_130 = arith.constant 9600 : i32
        %dma_wait3A_131 = arith.constant 0 : i32
        %dma_wait3A_132 = tpu.memref_slice %arg20[%dma_wait3A_130, %dma_wait3A_131] : memref<10000x128xf32, #tpu.memory_space<vmem_shared>> -> memref<400x128xf32, #tpu.memory_space<vmem_shared>>
        %dma_wait3A_133 = arith.constant 9600 : i32
        %dma_wait3A_134 = arith.constant 0 : i32
        %dma_wait3A_135 = tpu.memref_slice %arg5[%dma_wait3A_133, %dma_wait3A_134] : memref<10000x128xf32, #tpu.memory_space<hbm>> -> memref<400x128xf32, #tpu.memory_space<hbm>>
        tpu.wait_dma2 semaphore(%run_scoped3A : memref<!tpu.dma_semaphore, #tpu.memory_space<semaphore_mem>>) src(%dma_wait3A_135 : memref<400x128xf32, #tpu.memory_space<hbm>>) dst(%dma_wait3A_132 : memref<400x128xf32, #tpu.memory_space<vmem_shared>>)
        tpu.yield
      }) : () -> ()
    } else {
    }
    %barrier3A = arith.constant 0 : index
    tpu.barrier barrier_id(%barrier3A)
    %scan3A = arith.constant 0 : i32
    %scan3A_97 = arith.constant 31 : i32
    %scan3A_98 = arith.addi %scan3A, %scan3A_97 : i32
    %scan3A_99 = arith.constant 1 : i32
    scf.for %scan3A_124 = %scan3A to %scan3A_98 step %scan3A_99  : i32 {
      %mul3A_125 = arith.constant 1 : i32
      %mul3A_126 = arith.muli %scan3A_124, %mul3A_125 : i32
      %add3A_127 = arith.constant 0 : i32
      %add3A_128 = arith.addi %add3A_127, %mul3A_126 : i32
      %mul3A_129 = arith.constant 4 : i32
      %mul3A_130 = arith.muli %mul3A_129, %add3A_128 : i32
      %add3A_131 = arith.constant 0 : i32
      %add3A_132 = arith.addi %mul3A_130, %add3A_131 : i32
      %dma_wait3A_133 = arith.constant 0 : i32
      %dma_wait3A_134 = arith.constant 0 : i32
      %dma_wait3A_135 = tpu.memref_slice %arg2[%dma_wait3A_133, %dma_wait3A_134] : memref<10000x128xf32, #tpu.memory_space<hbm>> -> memref<10000x128xf32, #tpu.memory_space<hbm>>
      tpu.wait_indirect_dma semaphore(%arg21 : memref<!tpu.dma_semaphore, #tpu.memory_space<semaphore_mem>>) src(%dma_wait3A_135 : memref<10000x128xf32, #tpu.memory_space<hbm>>) dst(%arg16 : memref<80x128xf32, #tpu.memory_space<vmem>>)
      %dma_start3A_136 = arith.constant 0 : i32
      %dma_start3A_137 = arith.constant 0 : i32
      %dma_start3A_138 = tpu.memref_slice %arg20[%dma_start3A_136, %dma_start3A_137] : memref<10000x128xf32, #tpu.memory_space<vmem_shared>> -> memref<10000x128xf32, #tpu.memory_space<vmem_shared>>
      tpu.enqueue_indirect_dma source(%arg16 : memref<80x128xf32, #tpu.memory_space<vmem>>) target(%dma_start3A_138 : memref<10000x128xf32, #tpu.memory_space<vmem_shared>>) offsets(%arg12 : memref<80xi32, #tpu.memory_space<vmem>>) semaphore(%arg29 : memref<!tpu.dma_semaphore, #tpu.memory_space<semaphore_mem>>) {add = true}
      %gt3A = arith.constant 0 : i32
      %gt3A_139 = arith.cmpi sgt, %add3A_128, %gt3A : i32
      %convert_element_type3A_140 = arith.extui %gt3A_139 : i1 to i32
      %cond3A_141 = arith.constant 0 : i32
      %cond3A_142 = arith.cmpi ne, %convert_element_type3A_140, %cond3A_141 : i32
      scf.if %cond3A_142 {
        %dma_wait3A_238 = arith.constant 0 : i32
        %dma_wait3A_239 = arith.constant 0 : i32
        %dma_wait3A_240 = tpu.memref_slice %arg20[%dma_wait3A_238, %dma_wait3A_239] : memref<10000x128xf32, #tpu.memory_space<vmem_shared>> -> memref<10000x128xf32, #tpu.memory_space<vmem_shared>>
        tpu.wait_indirect_dma semaphore(%arg32 : memref<!tpu.dma_semaphore, #tpu.memory_space<semaphore_mem>>) src(%arg19 : memref<80x128xf32, #tpu.memory_space<vmem>>) dst(%dma_wait3A_240 : memref<10000x128xf32, #tpu.memory_space<vmem_shared>>)
      } else {
      }
      %add3A_143 = arith.constant 3 : i32
      %add3A_144 = arith.addi %add3A_132, %add3A_143 : i32
      %lt3A_145 = arith.constant 125 : i32
      %lt3A_146 = arith.cmpi slt, %add3A_144, %lt3A_145 : i32
      %convert_element_type3A_147 = arith.extui %lt3A_146 : i1 to i32
      %cond3A_148 = arith.constant 0 : i32
      %cond3A_149 = arith.cmpi ne, %convert_element_type3A_147, %cond3A_148 : i32
      scf.if %cond3A_149 {
        %add3A_238 = arith.constant 3 : i32
        %add3A_239 = arith.addi %add3A_132, %add3A_238 : i32
        %mul3A_240 = arith.constant 125 : i32
        %mul3A_241 = arith.muli %add3A, %mul3A_240 : i32
        %add3A_242 = arith.addi %mul3A_241, %add3A_239 : i32
        %dma_start3A_243 = arith.constant 0 : i32
        %dma_start3A_244 = arith.constant 0 : i32
        %dma_start3A_245 = tpu.memref_slice %arg3[%add3A_242, %dma_start3A_243, %dma_start3A_244] : memref<4000x1x80xi32, #tpu.memory_space<hbm>> -> memref<1x1x80xi32, #tpu.memory_space<hbm>>
        %dma_start3A_246 = tpu.memref_squeeze %dma_start3A_245 : memref<1x1x80xi32, #tpu.memory_space<hbm>> -> memref<80xi32, #tpu.memory_space<hbm>>
        %dma_start3A_247 = arith.constant 0 : i32
        %dma_start3A_248 = tpu.memref_slice %arg3[%add3A_242, %dma_start3A_243, %dma_start3A_247] : memref<4000x1x80xi32, #tpu.memory_space<hbm>> -> memref<1x1x80xi32, #tpu.memory_space<hbm>>
        %dma_start3A_249 = tpu.memref_squeeze %dma_start3A_248 : memref<1x1x80xi32, #tpu.memory_space<hbm>> -> memref<80xi32, #tpu.memory_space<hbm>>
        tpu.enqueue_dma source(%dma_start3A_249 : memref<80xi32, #tpu.memory_space<hbm>>) target(%arg11 : memref<80xi32, #tpu.memory_space<vmem>>) target_semaphore(%arg28 : memref<!tpu.dma_semaphore, #tpu.memory_space<semaphore_mem>>)
        %dma_start3A_250 = arith.constant 0 : i32
        %dma_start3A_251 = arith.constant 0 : i32
        %dma_start3A_252 = tpu.memref_slice %arg4[%add3A_242, %dma_start3A_250, %dma_start3A_251] : memref<4000x1x80xi32, #tpu.memory_space<hbm>> -> memref<1x1x80xi32, #tpu.memory_space<hbm>>
        %dma_start3A_253 = tpu.memref_squeeze %dma_start3A_252 : memref<1x1x80xi32, #tpu.memory_space<hbm>> -> memref<80xi32, #tpu.memory_space<hbm>>
        %dma_start3A_254 = arith.constant 0 : i32
        %dma_start3A_255 = tpu.memref_slice %arg4[%add3A_242, %dma_start3A_250, %dma_start3A_254] : memref<4000x1x80xi32, #tpu.memory_space<hbm>> -> memref<1x1x80xi32, #tpu.memory_space<hbm>>
        %dma_start3A_256 = tpu.memref_squeeze %dma_start3A_255 : memref<1x1x80xi32, #tpu.memory_space<hbm>> -> memref<80xi32, #tpu.memory_space<hbm>>
        tpu.enqueue_dma source(%dma_start3A_256 : memref<80xi32, #tpu.memory_space<hbm>>) target(%arg15 : memref<80xi32, #tpu.memory_space<vmem>>) target_semaphore(%arg28 : memref<!tpu.dma_semaphore, #tpu.memory_space<semaphore_mem>>)
      } else {
      }
      %add3A_150 = arith.constant 2 : i32
      %add3A_151 = arith.addi %add3A_132, %add3A_150 : i32
      %lt3A_152 = arith.constant 125 : i32
      %lt3A_153 = arith.cmpi slt, %add3A_151, %lt3A_152 : i32
      %convert_element_type3A_154 = arith.extui %lt3A_153 : i1 to i32
      %cond3A_155 = arith.constant 0 : i32
      %cond3A_156 = arith.cmpi ne, %convert_element_type3A_154, %cond3A_155 : i32
      scf.if %cond3A_156 {
        %dma_wait3A_238 = arith.constant 0 : i32
        %dma_wait3A_239 = arith.constant 0 : i32
        %dma_wait3A_240 = arith.constant 0 : i32
        %dma_wait3A_241 = tpu.memref_slice %arg3[%dma_wait3A_238, %dma_wait3A_239, %dma_wait3A_240] : memref<4000x1x80xi32, #tpu.memory_space<hbm>> -> memref<1x1x80xi32, #tpu.memory_space<hbm>>
        %dma_wait3A_242 = tpu.memref_squeeze %dma_wait3A_241 : memref<1x1x80xi32, #tpu.memory_space<hbm>> -> memref<80xi32, #tpu.memory_space<hbm>>
        %dma_wait3A_243 = arith.constant 0 : i32
        %dma_wait3A_244 = tpu.memref_slice %arg3[%dma_wait3A_238, %dma_wait3A_239, %dma_wait3A_243] : memref<4000x1x80xi32, #tpu.memory_space<hbm>> -> memref<1x1x80xi32, #tpu.memory_space<hbm>>
        %dma_wait3A_245 = tpu.memref_squeeze %dma_wait3A_244 : memref<1x1x80xi32, #tpu.memory_space<hbm>> -> memref<80xi32, #tpu.memory_space<hbm>>
        tpu.wait_dma2 semaphore(%arg27 : memref<!tpu.dma_semaphore, #tpu.memory_space<semaphore_mem>>) src(%dma_wait3A_245 : memref<80xi32, #tpu.memory_space<hbm>>) dst(%arg10 : memref<80xi32, #tpu.memory_space<vmem>>)
        %dma_wait3A_246 = arith.constant 0 : i32
        %dma_wait3A_247 = arith.constant 0 : i32
        %dma_wait3A_248 = arith.constant 0 : i32
        %dma_wait3A_249 = tpu.memref_slice %arg4[%dma_wait3A_246, %dma_wait3A_247, %dma_wait3A_248] : memref<4000x1x80xi32, #tpu.memory_space<hbm>> -> memref<1x1x80xi32, #tpu.memory_space<hbm>>
        %dma_wait3A_250 = tpu.memref_squeeze %dma_wait3A_249 : memref<1x1x80xi32, #tpu.memory_space<hbm>> -> memref<80xi32, #tpu.memory_space<hbm>>
        %dma_wait3A_251 = arith.constant 0 : i32
        %dma_wait3A_252 = tpu.memref_slice %arg4[%dma_wait3A_246, %dma_wait3A_247, %dma_wait3A_251] : memref<4000x1x80xi32, #tpu.memory_space<hbm>> -> memref<1x1x80xi32, #tpu.memory_space<hbm>>
        %dma_wait3A_253 = tpu.memref_squeeze %dma_wait3A_252 : memref<1x1x80xi32, #tpu.memory_space<hbm>> -> memref<80xi32, #tpu.memory_space<hbm>>
        tpu.wait_dma2 semaphore(%arg27 : memref<!tpu.dma_semaphore, #tpu.memory_space<semaphore_mem>>) src(%dma_wait3A_253 : memref<80xi32, #tpu.memory_space<hbm>>) dst(%arg14 : memref<80xi32, #tpu.memory_space<vmem>>)
        %dma_start3A_254 = arith.constant 0 : i32
        %dma_start3A_255 = arith.constant 0 : i32
        %dma_start3A_256 = tpu.memref_slice %arg2[%dma_start3A_254, %dma_start3A_255] : memref<10000x128xf32, #tpu.memory_space<hbm>> -> memref<10000x128xf32, #tpu.memory_space<hbm>>
        tpu.enqueue_indirect_dma source(%dma_start3A_256 : memref<10000x128xf32, #tpu.memory_space<hbm>>) target(%arg18 : memref<80x128xf32, #tpu.memory_space<vmem>>) offsets(%arg10 : memref<80xi32, #tpu.memory_space<vmem>>) semaphore(%arg23 : memref<!tpu.dma_semaphore, #tpu.memory_space<semaphore_mem>>)
      } else {
      }
      %mul3A_157 = arith.constant 4 : i32
      %mul3A_158 = arith.muli %mul3A_157, %add3A_128 : i32
      %add3A_159 = arith.constant 1 : i32
      %add3A_160 = arith.addi %mul3A_158, %add3A_159 : i32
      %dma_wait3A_161 = arith.constant 0 : i32
      %dma_wait3A_162 = arith.constant 0 : i32
      %dma_wait3A_163 = tpu.memref_slice %arg2[%dma_wait3A_161, %dma_wait3A_162] : memref<10000x128xf32, #tpu.memory_space<hbm>> -> memref<10000x128xf32, #tpu.memory_space<hbm>>
      tpu.wait_indirect_dma semaphore(%arg22 : memref<!tpu.dma_semaphore, #tpu.memory_space<semaphore_mem>>) src(%dma_wait3A_163 : memref<10000x128xf32, #tpu.memory_space<hbm>>) dst(%arg17 : memref<80x128xf32, #tpu.memory_space<vmem>>)
      %dma_start3A_164 = arith.constant 0 : i32
      %dma_start3A_165 = arith.constant 0 : i32
      %dma_start3A_166 = tpu.memref_slice %arg20[%dma_start3A_164, %dma_start3A_165] : memref<10000x128xf32, #tpu.memory_space<vmem_shared>> -> memref<10000x128xf32, #tpu.memory_space<vmem_shared>>
      tpu.enqueue_indirect_dma source(%arg17 : memref<80x128xf32, #tpu.memory_space<vmem>>) target(%dma_start3A_166 : memref<10000x128xf32, #tpu.memory_space<vmem_shared>>) offsets(%arg13 : memref<80xi32, #tpu.memory_space<vmem>>) semaphore(%arg30 : memref<!tpu.dma_semaphore, #tpu.memory_space<semaphore_mem>>) {add = true}
      %dma_wait3A_167 = arith.constant 0 : i32
      %dma_wait3A_168 = arith.constant 0 : i32
      %dma_wait3A_169 = tpu.memref_slice %arg20[%dma_wait3A_167, %dma_wait3A_168] : memref<10000x128xf32, #tpu.memory_space<vmem_shared>> -> memref<10000x128xf32, #tpu.memory_space<vmem_shared>>
      tpu.wait_indirect_dma semaphore(%arg29 : memref<!tpu.dma_semaphore, #tpu.memory_space<semaphore_mem>>) src(%arg16 : memref<80x128xf32, #tpu.memory_space<vmem>>) dst(%dma_wait3A_169 : memref<10000x128xf32, #tpu.memory_space<vmem_shared>>)
      %add3A_170 = arith.constant 3 : i32
      %add3A_171 = arith.addi %add3A_160, %add3A_170 : i32
      %lt3A_172 = arith.constant 125 : i32
      %lt3A_173 = arith.cmpi slt, %add3A_171, %lt3A_172 : i32
      %convert_element_type3A_174 = arith.extui %lt3A_173 : i1 to i32
      %cond3A_175 = arith.constant 0 : i32
      %cond3A_176 = arith.cmpi ne, %convert_element_type3A_174, %cond3A_175 : i32
      scf.if %cond3A_176 {
        %add3A_238 = arith.constant 3 : i32
        %add3A_239 = arith.addi %add3A_160, %add3A_238 : i32
        %mul3A_240 = arith.constant 125 : i32
        %mul3A_241 = arith.muli %add3A, %mul3A_240 : i32
        %add3A_242 = arith.addi %mul3A_241, %add3A_239 : i32
        %dma_start3A_243 = arith.constant 0 : i32
        %dma_start3A_244 = arith.constant 0 : i32
        %dma_start3A_245 = tpu.memref_slice %arg3[%add3A_242, %dma_start3A_243, %dma_start3A_244] : memref<4000x1x80xi32, #tpu.memory_space<hbm>> -> memref<1x1x80xi32, #tpu.memory_space<hbm>>
        %dma_start3A_246 = tpu.memref_squeeze %dma_start3A_245 : memref<1x1x80xi32, #tpu.memory_space<hbm>> -> memref<80xi32, #tpu.memory_space<hbm>>
        %dma_start3A_247 = arith.constant 0 : i32
        %dma_start3A_248 = tpu.memref_slice %arg3[%add3A_242, %dma_start3A_243, %dma_start3A_247] : memref<4000x1x80xi32, #tpu.memory_space<hbm>> -> memref<1x1x80xi32, #tpu.memory_space<hbm>>
        %dma_start3A_249 = tpu.memref_squeeze %dma_start3A_248 : memref<1x1x80xi32, #tpu.memory_space<hbm>> -> memref<80xi32, #tpu.memory_space<hbm>>
        tpu.enqueue_dma source(%dma_start3A_249 : memref<80xi32, #tpu.memory_space<hbm>>) target(%arg8 : memref<80xi32, #tpu.memory_space<vmem>>) target_semaphore(%arg25 : memref<!tpu.dma_semaphore, #tpu.memory_space<semaphore_mem>>)
        %dma_start3A_250 = arith.constant 0 : i32
        %dma_start3A_251 = arith.constant 0 : i32
        %dma_start3A_252 = tpu.memref_slice %arg4[%add3A_242, %dma_start3A_250, %dma_start3A_251] : memref<4000x1x80xi32, #tpu.memory_space<hbm>> -> memref<1x1x80xi32, #tpu.memory_space<hbm>>
        %dma_start3A_253 = tpu.memref_squeeze %dma_start3A_252 : memref<1x1x80xi32, #tpu.memory_space<hbm>> -> memref<80xi32, #tpu.memory_space<hbm>>
        %dma_start3A_254 = arith.constant 0 : i32
        %dma_start3A_255 = tpu.memref_slice %arg4[%add3A_242, %dma_start3A_250, %dma_start3A_254] : memref<4000x1x80xi32, #tpu.memory_space<hbm>> -> memref<1x1x80xi32, #tpu.memory_space<hbm>>
        %dma_start3A_256 = tpu.memref_squeeze %dma_start3A_255 : memref<1x1x80xi32, #tpu.memory_space<hbm>> -> memref<80xi32, #tpu.memory_space<hbm>>
        tpu.enqueue_dma source(%dma_start3A_256 : memref<80xi32, #tpu.memory_space<hbm>>) target(%arg12 : memref<80xi32, #tpu.memory_space<vmem>>) target_semaphore(%arg25 : memref<!tpu.dma_semaphore, #tpu.memory_space<semaphore_mem>>)
      } else {
      }
      %add3A_177 = arith.constant 2 : i32
      %add3A_178 = arith.addi %add3A_160, %add3A_177 : i32
      %lt3A_179 = arith.constant 125 : i32
      %lt3A_180 = arith.cmpi slt, %add3A_178, %lt3A_179 : i32
      %convert_element_type3A_181 = arith.extui %lt3A_180 : i1 to i32
      %cond3A_182 = arith.constant 0 : i32
      %cond3A_183 = arith.cmpi ne, %convert_element_type3A_181, %cond3A_182 : i32
      scf.if %cond3A_183 {
        %dma_wait3A_238 = arith.constant 0 : i32
        %dma_wait3A_239 = arith.constant 0 : i32
        %dma_wait3A_240 = arith.constant 0 : i32
        %dma_wait3A_241 = tpu.memref_slice %arg3[%dma_wait3A_238, %dma_wait3A_239, %dma_wait3A_240] : memref<4000x1x80xi32, #tpu.memory_space<hbm>> -> memref<1x1x80xi32, #tpu.memory_space<hbm>>
        %dma_wait3A_242 = tpu.memref_squeeze %dma_wait3A_241 : memref<1x1x80xi32, #tpu.memory_space<hbm>> -> memref<80xi32, #tpu.memory_space<hbm>>
        %dma_wait3A_243 = arith.constant 0 : i32
        %dma_wait3A_244 = tpu.memref_slice %arg3[%dma_wait3A_238, %dma_wait3A_239, %dma_wait3A_243] : memref<4000x1x80xi32, #tpu.memory_space<hbm>> -> memref<1x1x80xi32, #tpu.memory_space<hbm>>
        %dma_wait3A_245 = tpu.memref_squeeze %dma_wait3A_244 : memref<1x1x80xi32, #tpu.memory_space<hbm>> -> memref<80xi32, #tpu.memory_space<hbm>>
        tpu.wait_dma2 semaphore(%arg28 : memref<!tpu.dma_semaphore, #tpu.memory_space<semaphore_mem>>) src(%dma_wait3A_245 : memref<80xi32, #tpu.memory_space<hbm>>) dst(%arg11 : memref<80xi32, #tpu.memory_space<vmem>>)
        %dma_wait3A_246 = arith.constant 0 : i32
        %dma_wait3A_247 = arith.constant 0 : i32
        %dma_wait3A_248 = arith.constant 0 : i32
        %dma_wait3A_249 = tpu.memref_slice %arg4[%dma_wait3A_246, %dma_wait3A_247, %dma_wait3A_248] : memref<4000x1x80xi32, #tpu.memory_space<hbm>> -> memref<1x1x80xi32, #tpu.memory_space<hbm>>
        %dma_wait3A_250 = tpu.memref_squeeze %dma_wait3A_249 : memref<1x1x80xi32, #tpu.memory_space<hbm>> -> memref<80xi32, #tpu.memory_space<hbm>>
        %dma_wait3A_251 = arith.constant 0 : i32
        %dma_wait3A_252 = tpu.memref_slice %arg4[%dma_wait3A_246, %dma_wait3A_247, %dma_wait3A_251] : memref<4000x1x80xi32, #tpu.memory_space<hbm>> -> memref<1x1x80xi32, #tpu.memory_space<hbm>>
        %dma_wait3A_253 = tpu.memref_squeeze %dma_wait3A_252 : memref<1x1x80xi32, #tpu.memory_space<hbm>> -> memref<80xi32, #tpu.memory_space<hbm>>
        tpu.wait_dma2 semaphore(%arg28 : memref<!tpu.dma_semaphore, #tpu.memory_space<semaphore_mem>>) src(%dma_wait3A_253 : memref<80xi32, #tpu.memory_space<hbm>>) dst(%arg15 : memref<80xi32, #tpu.memory_space<vmem>>)
        %dma_start3A_254 = arith.constant 0 : i32
        %dma_start3A_255 = arith.constant 0 : i32
        %dma_start3A_256 = tpu.memref_slice %arg2[%dma_start3A_254, %dma_start3A_255] : memref<10000x128xf32, #tpu.memory_space<hbm>> -> memref<10000x128xf32, #tpu.memory_space<hbm>>
        tpu.enqueue_indirect_dma source(%dma_start3A_256 : memref<10000x128xf32, #tpu.memory_space<hbm>>) target(%arg19 : memref<80x128xf32, #tpu.memory_space<vmem>>) offsets(%arg11 : memref<80xi32, #tpu.memory_space<vmem>>) semaphore(%arg24 : memref<!tpu.dma_semaphore, #tpu.memory_space<semaphore_mem>>)
      } else {
      }
      %mul3A_184 = arith.constant 4 : i32
      %mul3A_185 = arith.muli %mul3A_184, %add3A_128 : i32
      %add3A_186 = arith.constant 2 : i32
      %add3A_187 = arith.addi %mul3A_185, %add3A_186 : i32
      %dma_wait3A_188 = arith.constant 0 : i32
      %dma_wait3A_189 = arith.constant 0 : i32
      %dma_wait3A_190 = tpu.memref_slice %arg2[%dma_wait3A_188, %dma_wait3A_189] : memref<10000x128xf32, #tpu.memory_space<hbm>> -> memref<10000x128xf32, #tpu.memory_space<hbm>>
      tpu.wait_indirect_dma semaphore(%arg23 : memref<!tpu.dma_semaphore, #tpu.memory_space<semaphore_mem>>) src(%dma_wait3A_190 : memref<10000x128xf32, #tpu.memory_space<hbm>>) dst(%arg18 : memref<80x128xf32, #tpu.memory_space<vmem>>)
      %dma_start3A_191 = arith.constant 0 : i32
      %dma_start3A_192 = arith.constant 0 : i32
      %dma_start3A_193 = tpu.memref_slice %arg20[%dma_start3A_191, %dma_start3A_192] : memref<10000x128xf32, #tpu.memory_space<vmem_shared>> -> memref<10000x128xf32, #tpu.memory_space<vmem_shared>>
      tpu.enqueue_indirect_dma source(%arg18 : memref<80x128xf32, #tpu.memory_space<vmem>>) target(%dma_start3A_193 : memref<10000x128xf32, #tpu.memory_space<vmem_shared>>) offsets(%arg14 : memref<80xi32, #tpu.memory_space<vmem>>) semaphore(%arg31 : memref<!tpu.dma_semaphore, #tpu.memory_space<semaphore_mem>>) {add = true}
      %dma_wait3A_194 = arith.constant 0 : i32
      %dma_wait3A_195 = arith.constant 0 : i32
      %dma_wait3A_196 = tpu.memref_slice %arg20[%dma_wait3A_194, %dma_wait3A_195] : memref<10000x128xf32, #tpu.memory_space<vmem_shared>> -> memref<10000x128xf32, #tpu.memory_space<vmem_shared>>
      tpu.wait_indirect_dma semaphore(%arg30 : memref<!tpu.dma_semaphore, #tpu.memory_space<semaphore_mem>>) src(%arg17 : memref<80x128xf32, #tpu.memory_space<vmem>>) dst(%dma_wait3A_196 : memref<10000x128xf32, #tpu.memory_space<vmem_shared>>)
      %add3A_197 = arith.constant 3 : i32
      %add3A_198 = arith.addi %add3A_187, %add3A_197 : i32
      %lt3A_199 = arith.constant 125 : i32
      %lt3A_200 = arith.cmpi slt, %add3A_198, %lt3A_199 : i32
      %convert_element_type3A_201 = arith.extui %lt3A_200 : i1 to i32
      %cond3A_202 = arith.constant 0 : i32
      %cond3A_203 = arith.cmpi ne, %convert_element_type3A_201, %cond3A_202 : i32
      scf.if %cond3A_203 {
        %add3A_238 = arith.constant 3 : i32
        %add3A_239 = arith.addi %add3A_187, %add3A_238 : i32
        %mul3A_240 = arith.constant 125 : i32
        %mul3A_241 = arith.muli %add3A, %mul3A_240 : i32
        %add3A_242 = arith.addi %mul3A_241, %add3A_239 : i32
        %dma_start3A_243 = arith.constant 0 : i32
        %dma_start3A_244 = arith.constant 0 : i32
        %dma_start3A_245 = tpu.memref_slice %arg3[%add3A_242, %dma_start3A_243, %dma_start3A_244] : memref<4000x1x80xi32, #tpu.memory_space<hbm>> -> memref<1x1x80xi32, #tpu.memory_space<hbm>>
        %dma_start3A_246 = tpu.memref_squeeze %dma_start3A_245 : memref<1x1x80xi32, #tpu.memory_space<hbm>> -> memref<80xi32, #tpu.memory_space<hbm>>
        %dma_start3A_247 = arith.constant 0 : i32
        %dma_start3A_248 = tpu.memref_slice %arg3[%add3A_242, %dma_start3A_243, %dma_start3A_247] : memref<4000x1x80xi32, #tpu.memory_space<hbm>> -> memref<1x1x80xi32, #tpu.memory_space<hbm>>
        %dma_start3A_249 = tpu.memref_squeeze %dma_start3A_248 : memref<1x1x80xi32, #tpu.memory_space<hbm>> -> memref<80xi32, #tpu.memory_space<hbm>>
        tpu.enqueue_dma source(%dma_start3A_249 : memref<80xi32, #tpu.memory_space<hbm>>) target(%arg9 : memref<80xi32, #tpu.memory_space<vmem>>) target_semaphore(%arg26 : memref<!tpu.dma_semaphore, #tpu.memory_space<semaphore_mem>>)
        %dma_start3A_250 = arith.constant 0 : i32
        %dma_start3A_251 = arith.constant 0 : i32
        %dma_start3A_252 = tpu.memref_slice %arg4[%add3A_242, %dma_start3A_250, %dma_start3A_251] : memref<4000x1x80xi32, #tpu.memory_space<hbm>> -> memref<1x1x80xi32, #tpu.memory_space<hbm>>
        %dma_start3A_253 = tpu.memref_squeeze %dma_start3A_252 : memref<1x1x80xi32, #tpu.memory_space<hbm>> -> memref<80xi32, #tpu.memory_space<hbm>>
        %dma_start3A_254 = arith.constant 0 : i32
        %dma_start3A_255 = tpu.memref_slice %arg4[%add3A_242, %dma_start3A_250, %dma_start3A_254] : memref<4000x1x80xi32, #tpu.memory_space<hbm>> -> memref<1x1x80xi32, #tpu.memory_space<hbm>>
        %dma_start3A_256 = tpu.memref_squeeze %dma_start3A_255 : memref<1x1x80xi32, #tpu.memory_space<hbm>> -> memref<80xi32, #tpu.memory_space<hbm>>
        tpu.enqueue_dma source(%dma_start3A_256 : memref<80xi32, #tpu.memory_space<hbm>>) target(%arg13 : memref<80xi32, #tpu.memory_space<vmem>>) target_semaphore(%arg26 : memref<!tpu.dma_semaphore, #tpu.memory_space<semaphore_mem>>)
      } else {
      }
      %add3A_204 = arith.constant 2 : i32
      %add3A_205 = arith.addi %add3A_187, %add3A_204 : i32
      %lt3A_206 = arith.constant 125 : i32
      %lt3A_207 = arith.cmpi slt, %add3A_205, %lt3A_206 : i32
      %convert_element_type3A_208 = arith.extui %lt3A_207 : i1 to i32
      %cond3A_209 = arith.constant 0 : i32
      %cond3A_210 = arith.cmpi ne, %convert_element_type3A_208, %cond3A_209 : i32
      scf.if %cond3A_210 {
        %dma_wait3A_238 = arith.constant 0 : i32
        %dma_wait3A_239 = arith.constant 0 : i32
        %dma_wait3A_240 = arith.constant 0 : i32
        %dma_wait3A_241 = tpu.memref_slice %arg3[%dma_wait3A_238, %dma_wait3A_239, %dma_wait3A_240] : memref<4000x1x80xi32, #tpu.memory_space<hbm>> -> memref<1x1x80xi32, #tpu.memory_space<hbm>>
        %dma_wait3A_242 = tpu.memref_squeeze %dma_wait3A_241 : memref<1x1x80xi32, #tpu.memory_space<hbm>> -> memref<80xi32, #tpu.memory_space<hbm>>
        %dma_wait3A_243 = arith.constant 0 : i32
        %dma_wait3A_244 = tpu.memref_slice %arg3[%dma_wait3A_238, %dma_wait3A_239, %dma_wait3A_243] : memref<4000x1x80xi32, #tpu.memory_space<hbm>> -> memref<1x1x80xi32, #tpu.memory_space<hbm>>
        %dma_wait3A_245 = tpu.memref_squeeze %dma_wait3A_244 : memref<1x1x80xi32, #tpu.memory_space<hbm>> -> memref<80xi32, #tpu.memory_space<hbm>>
        tpu.wait_dma2 semaphore(%arg25 : memref<!tpu.dma_semaphore, #tpu.memory_space<semaphore_mem>>) src(%dma_wait3A_245 : memref<80xi32, #tpu.memory_space<hbm>>) dst(%arg8 : memref<80xi32, #tpu.memory_space<vmem>>)
        %dma_wait3A_246 = arith.constant 0 : i32
        %dma_wait3A_247 = arith.constant 0 : i32
        %dma_wait3A_248 = arith.constant 0 : i32
        %dma_wait3A_249 = tpu.memref_slice %arg4[%dma_wait3A_246, %dma_wait3A_247, %dma_wait3A_248] : memref<4000x1x80xi32, #tpu.memory_space<hbm>> -> memref<1x1x80xi32, #tpu.memory_space<hbm>>
        %dma_wait3A_250 = tpu.memref_squeeze %dma_wait3A_249 : memref<1x1x80xi32, #tpu.memory_space<hbm>> -> memref<80xi32, #tpu.memory_space<hbm>>
        %dma_wait3A_251 = arith.constant 0 : i32
        %dma_wait3A_252 = tpu.memref_slice %arg4[%dma_wait3A_246, %dma_wait3A_247, %dma_wait3A_251] : memref<4000x1x80xi32, #tpu.memory_space<hbm>> -> memref<1x1x80xi32, #tpu.memory_space<hbm>>
        %dma_wait3A_253 = tpu.memref_squeeze %dma_wait3A_252 : memref<1x1x80xi32, #tpu.memory_space<hbm>> -> memref<80xi32, #tpu.memory_space<hbm>>
        tpu.wait_dma2 semaphore(%arg25 : memref<!tpu.dma_semaphore, #tpu.memory_space<semaphore_mem>>) src(%dma_wait3A_253 : memref<80xi32, #tpu.memory_space<hbm>>) dst(%arg12 : memref<80xi32, #tpu.memory_space<vmem>>)
        %dma_start3A_254 = arith.constant 0 : i32
        %dma_start3A_255 = arith.constant 0 : i32
        %dma_start3A_256 = tpu.memref_slice %arg2[%dma_start3A_254, %dma_start3A_255] : memref<10000x128xf32, #tpu.memory_space<hbm>> -> memref<10000x128xf32, #tpu.memory_space<hbm>>
        tpu.enqueue_indirect_dma source(%dma_start3A_256 : memref<10000x128xf32, #tpu.memory_space<hbm>>) target(%arg16 : memref<80x128xf32, #tpu.memory_space<vmem>>) offsets(%arg8 : memref<80xi32, #tpu.memory_space<vmem>>) semaphore(%arg21 : memref<!tpu.dma_semaphore, #tpu.memory_space<semaphore_mem>>)
      } else {
      }
      %mul3A_211 = arith.constant 4 : i32
      %mul3A_212 = arith.muli %mul3A_211, %add3A_128 : i32
      %add3A_213 = arith.constant 3 : i32
      %add3A_214 = arith.addi %mul3A_212, %add3A_213 : i32
      %dma_wait3A_215 = arith.constant 0 : i32
      %dma_wait3A_216 = arith.constant 0 : i32
      %dma_wait3A_217 = tpu.memref_slice %arg2[%dma_wait3A_215, %dma_wait3A_216] : memref<10000x128xf32, #tpu.memory_space<hbm>> -> memref<10000x128xf32, #tpu.memory_space<hbm>>
      tpu.wait_indirect_dma semaphore(%arg24 : memref<!tpu.dma_semaphore, #tpu.memory_space<semaphore_mem>>) src(%dma_wait3A_217 : memref<10000x128xf32, #tpu.memory_space<hbm>>) dst(%arg19 : memref<80x128xf32, #tpu.memory_space<vmem>>)
      %dma_start3A_218 = arith.constant 0 : i32
      %dma_start3A_219 = arith.constant 0 : i32
      %dma_start3A_220 = tpu.memref_slice %arg20[%dma_start3A_218, %dma_start3A_219] : memref<10000x128xf32, #tpu.memory_space<vmem_shared>> -> memref<10000x128xf32, #tpu.memory_space<vmem_shared>>
      tpu.enqueue_indirect_dma source(%arg19 : memref<80x128xf32, #tpu.memory_space<vmem>>) target(%dma_start3A_220 : memref<10000x128xf32, #tpu.memory_space<vmem_shared>>) offsets(%arg15 : memref<80xi32, #tpu.memory_space<vmem>>) semaphore(%arg32 : memref<!tpu.dma_semaphore, #tpu.memory_space<semaphore_mem>>) {add = true}
      %dma_wait3A_221 = arith.constant 0 : i32
      %dma_wait3A_222 = arith.constant 0 : i32
      %dma_wait3A_223 = tpu.memref_slice %arg20[%dma_wait3A_221, %dma_wait3A_222] : memref<10000x128xf32, #tpu.memory_space<vmem_shared>> -> memref<10000x128xf32, #tpu.memory_space<vmem_shared>>
      tpu.wait_indirect_dma semaphore(%arg31 : memref<!tpu.dma_semaphore, #tpu.memory_space<semaphore_mem>>) src(%arg18 : memref<80x128xf32, #tpu.memory_space<vmem>>) dst(%dma_wait3A_223 : memref<10000x128xf32, #tpu.memory_space<vmem_shared>>)
      %add3A_224 = arith.constant 3 : i32
      %add3A_225 = arith.addi %add3A_214, %add3A_224 : i32
      %lt3A_226 = arith.constant 125 : i32
      %lt3A_227 = arith.cmpi slt, %add3A_225, %lt3A_226 : i32
      %convert_element_type3A_228 = arith.extui %lt3A_227 : i1 to i32
      %cond3A_229 = arith.constant 0 : i32
      %cond3A_230 = arith.cmpi ne, %convert_element_type3A_228, %cond3A_229 : i32
      scf.if %cond3A_230 {
        %add3A_238 = arith.constant 3 : i32
        %add3A_239 = arith.addi %add3A_214, %add3A_238 : i32
        %mul3A_240 = arith.constant 125 : i32
        %mul3A_241 = arith.muli %add3A, %mul3A_240 : i32
        %add3A_242 = arith.addi %mul3A_241, %add3A_239 : i32
        %dma_start3A_243 = arith.constant 0 : i32
        %dma_start3A_244 = arith.constant 0 : i32
        %dma_start3A_245 = tpu.memref_slice %arg3[%add3A_242, %dma_start3A_243, %dma_start3A_244] : memref<4000x1x80xi32, #tpu.memory_space<hbm>> -> memref<1x1x80xi32, #tpu.memory_space<hbm>>
        %dma_start3A_246 = tpu.memref_squeeze %dma_start3A_245 : memref<1x1x80xi32, #tpu.memory_space<hbm>> -> memref<80xi32, #tpu.memory_space<hbm>>
        %dma_start3A_247 = arith.constant 0 : i32
        %dma_start3A_248 = tpu.memref_slice %arg3[%add3A_242, %dma_start3A_243, %dma_start3A_247] : memref<4000x1x80xi32, #tpu.memory_space<hbm>> -> memref<1x1x80xi32, #tpu.memory_space<hbm>>
        %dma_start3A_249 = tpu.memref_squeeze %dma_start3A_248 : memref<1x1x80xi32, #tpu.memory_space<hbm>> -> memref<80xi32, #tpu.memory_space<hbm>>
        tpu.enqueue_dma source(%dma_start3A_249 : memref<80xi32, #tpu.memory_space<hbm>>) target(%arg10 : memref<80xi32, #tpu.memory_space<vmem>>) target_semaphore(%arg27 : memref<!tpu.dma_semaphore, #tpu.memory_space<semaphore_mem>>)
        %dma_start3A_250 = arith.constant 0 : i32
        %dma_start3A_251 = arith.constant 0 : i32
        %dma_start3A_252 = tpu.memref_slice %arg4[%add3A_242, %dma_start3A_250, %dma_start3A_251] : memref<4000x1x80xi32, #tpu.memory_space<hbm>> -> memref<1x1x80xi32, #tpu.memory_space<hbm>>
        %dma_start3A_253 = tpu.memref_squeeze %dma_start3A_252 : memref<1x1x80xi32, #tpu.memory_space<hbm>> -> memref<80xi32, #tpu.memory_space<hbm>>
        %dma_start3A_254 = arith.constant 0 : i32
        %dma_start3A_255 = tpu.memref_slice %arg4[%add3A_242, %dma_start3A_250, %dma_start3A_254] : memref<4000x1x80xi32, #tpu.memory_space<hbm>> -> memref<1x1x80xi32, #tpu.memory_space<hbm>>
        %dma_start3A_256 = tpu.memref_squeeze %dma_start3A_255 : memref<1x1x80xi32, #tpu.memory_space<hbm>> -> memref<80xi32, #tpu.memory_space<hbm>>
        tpu.enqueue_dma source(%dma_start3A_256 : memref<80xi32, #tpu.memory_space<hbm>>) target(%arg14 : memref<80xi32, #tpu.memory_space<vmem>>) target_semaphore(%arg27 : memref<!tpu.dma_semaphore, #tpu.memory_space<semaphore_mem>>)
      } else {
      }
      %add3A_231 = arith.constant 2 : i32
      %add3A_232 = arith.addi %add3A_214, %add3A_231 : i32
      %lt3A_233 = arith.constant 125 : i32
      %lt3A_234 = arith.cmpi slt, %add3A_232, %lt3A_233 : i32
      %convert_element_type3A_235 = arith.extui %lt3A_234 : i1 to i32
      %cond3A_236 = arith.constant 0 : i32
      %cond3A_237 = arith.cmpi ne, %convert_element_type3A_235, %cond3A_236 : i32
      scf.if %cond3A_237 {
        %dma_wait3A_238 = arith.constant 0 : i32
        %dma_wait3A_239 = arith.constant 0 : i32
        %dma_wait3A_240 = arith.constant 0 : i32
        %dma_wait3A_241 = tpu.memref_slice %arg3[%dma_wait3A_238, %dma_wait3A_239, %dma_wait3A_240] : memref<4000x1x80xi32, #tpu.memory_space<hbm>> -> memref<1x1x80xi32, #tpu.memory_space<hbm>>
        %dma_wait3A_242 = tpu.memref_squeeze %dma_wait3A_241 : memref<1x1x80xi32, #tpu.memory_space<hbm>> -> memref<80xi32, #tpu.memory_space<hbm>>
        %dma_wait3A_243 = arith.constant 0 : i32
        %dma_wait3A_244 = tpu.memref_slice %arg3[%dma_wait3A_238, %dma_wait3A_239, %dma_wait3A_243] : memref<4000x1x80xi32, #tpu.memory_space<hbm>> -> memref<1x1x80xi32, #tpu.memory_space<hbm>>
        %dma_wait3A_245 = tpu.memref_squeeze %dma_wait3A_244 : memref<1x1x80xi32, #tpu.memory_space<hbm>> -> memref<80xi32, #tpu.memory_space<hbm>>
        tpu.wait_dma2 semaphore(%arg26 : memref<!tpu.dma_semaphore, #tpu.memory_space<semaphore_mem>>) src(%dma_wait3A_245 : memref<80xi32, #tpu.memory_space<hbm>>) dst(%arg9 : memref<80xi32, #tpu.memory_space<vmem>>)
        %dma_wait3A_246 = arith.constant 0 : i32
        %dma_wait3A_247 = arith.constant 0 : i32
        %dma_wait3A_248 = arith.constant 0 : i32
        %dma_wait3A_249 = tpu.memref_slice %arg4[%dma_wait3A_246, %dma_wait3A_247, %dma_wait3A_248] : memref<4000x1x80xi32, #tpu.memory_space<hbm>> -> memref<1x1x80xi32, #tpu.memory_space<hbm>>
        %dma_wait3A_250 = tpu.memref_squeeze %dma_wait3A_249 : memref<1x1x80xi32, #tpu.memory_space<hbm>> -> memref<80xi32, #tpu.memory_space<hbm>>
        %dma_wait3A_251 = arith.constant 0 : i32
        %dma_wait3A_252 = tpu.memref_slice %arg4[%dma_wait3A_246, %dma_wait3A_247, %dma_wait3A_251] : memref<4000x1x80xi32, #tpu.memory_space<hbm>> -> memref<1x1x80xi32, #tpu.memory_space<hbm>>
        %dma_wait3A_253 = tpu.memref_squeeze %dma_wait3A_252 : memref<1x1x80xi32, #tpu.memory_space<hbm>> -> memref<80xi32, #tpu.memory_space<hbm>>
        tpu.wait_dma2 semaphore(%arg26 : memref<!tpu.dma_semaphore, #tpu.memory_space<semaphore_mem>>) src(%dma_wait3A_253 : memref<80xi32, #tpu.memory_space<hbm>>) dst(%arg13 : memref<80xi32, #tpu.memory_space<vmem>>)
        %dma_start3A_254 = arith.constant 0 : i32
        %dma_start3A_255 = arith.constant 0 : i32
        %dma_start3A_256 = tpu.memref_slice %arg2[%dma_start3A_254, %dma_start3A_255] : memref<10000x128xf32, #tpu.memory_space<hbm>> -> memref<10000x128xf32, #tpu.memory_space<hbm>>
        tpu.enqueue_indirect_dma source(%dma_start3A_256 : memref<10000x128xf32, #tpu.memory_space<hbm>>) target(%arg17 : memref<80x128xf32, #tpu.memory_space<vmem>>) offsets(%arg9 : memref<80xi32, #tpu.memory_space<vmem>>) semaphore(%arg22 : memref<!tpu.dma_semaphore, #tpu.memory_space<semaphore_mem>>)
      } else {
      }
    }
    %scan3A_100 = arith.constant 31 : i32
    %dma_wait3A_101 = arith.constant 0 : i32
    %dma_wait3A_102 = arith.constant 0 : i32
    %dma_wait3A_103 = tpu.memref_slice %arg2[%dma_wait3A_101, %dma_wait3A_102] : memref<10000x128xf32, #tpu.memory_space<hbm>> -> memref<10000x128xf32, #tpu.memory_space<hbm>>
    tpu.wait_indirect_dma semaphore(%arg21 : memref<!tpu.dma_semaphore, #tpu.memory_space<semaphore_mem>>) src(%dma_wait3A_103 : memref<10000x128xf32, #tpu.memory_space<hbm>>) dst(%arg16 : memref<80x128xf32, #tpu.memory_space<vmem>>)
    %dma_start3A_104 = arith.constant 0 : i32
    %dma_start3A_105 = arith.constant 0 : i32
    %dma_start3A_106 = tpu.memref_slice %arg20[%dma_start3A_104, %dma_start3A_105] : memref<10000x128xf32, #tpu.memory_space<vmem_shared>> -> memref<10000x128xf32, #tpu.memory_space<vmem_shared>>
    tpu.enqueue_indirect_dma source(%arg16 : memref<80x128xf32, #tpu.memory_space<vmem>>) target(%dma_start3A_106 : memref<10000x128xf32, #tpu.memory_space<vmem_shared>>) offsets(%arg12 : memref<80xi32, #tpu.memory_space<vmem>>) semaphore(%arg29 : memref<!tpu.dma_semaphore, #tpu.memory_space<semaphore_mem>>) {add = true}
    %dma_wait3A_107 = arith.constant 0 : i32
    %dma_wait3A_108 = arith.constant 0 : i32
    %dma_wait3A_109 = tpu.memref_slice %arg20[%dma_wait3A_107, %dma_wait3A_108] : memref<10000x128xf32, #tpu.memory_space<vmem_shared>> -> memref<10000x128xf32, #tpu.memory_space<vmem_shared>>
    tpu.wait_indirect_dma semaphore(%arg32 : memref<!tpu.dma_semaphore, #tpu.memory_space<semaphore_mem>>) src(%arg19 : memref<80x128xf32, #tpu.memory_space<vmem>>) dst(%dma_wait3A_109 : memref<10000x128xf32, #tpu.memory_space<vmem_shared>>)
    %dma_wait3A_110 = arith.constant 0 : i32
    %dma_wait3A_111 = arith.constant 0 : i32
    %dma_wait3A_112 = tpu.memref_slice %arg20[%dma_wait3A_110, %dma_wait3A_111] : memref<10000x128xf32, #tpu.memory_space<vmem_shared>> -> memref<10000x128xf32, #tpu.memory_space<vmem_shared>>
    tpu.wait_indirect_dma semaphore(%arg29 : memref<!tpu.dma_semaphore, #tpu.memory_space<semaphore_mem>>) src(%arg16 : memref<80x128xf32, #tpu.memory_space<vmem>>) dst(%dma_wait3A_112 : memref<10000x128xf32, #tpu.memory_space<vmem_shared>>)
    %barrier3A_113 = arith.constant 0 : index
    tpu.barrier barrier_id(%barrier3A_113)
    %lt3A_114 = arith.constant 15 : i32
    %lt3A_115 = arith.cmpi slt, %arg1, %lt3A_114 : i32
    %convert_element_type3A_116 = arith.extui %lt3A_115 : i1 to i32
    %cond3A_117 = arith.constant 0 : i32
    %cond3A_118 = arith.cmpi ne, %convert_element_type3A_116, %cond3A_117 : i32
    scf.if %cond3A_118 {
      %mul3A_124 = arith.constant 640 : i32
      %mul3A_125 = arith.muli %arg1, %mul3A_124 : i32
      %mul3A_126 = arith.constant 640 : i32
      %mul3A_127 = arith.muli %arg1, %mul3A_126 : i32
      "tpu.region"() ({
        %run_scoped3A = tpu.sem_alloc : memref<!tpu.dma_semaphore, #tpu.memory_space<semaphore_mem>>
        %dma_start3A_128 = arith.constant 0 : i32
        %dma_start3A_129 = tpu.memref_slice %arg7[%arg0, %mul3A_127, %dma_start3A_128] : memref<2x10000x128xf32, #tpu.memory_space<hbm>> -> memref<1x640x128xf32, #tpu.memory_space<hbm>>
        %dma_start3A_130 = tpu.memref_squeeze %dma_start3A_129 : memref<1x640x128xf32, #tpu.memory_space<hbm>> -> memref<640x128xf32, #tpu.memory_space<hbm>>
        %dma_start3A_131 = arith.constant 0 : i32
        %dma_start3A_132 = tpu.memref_slice %arg20[%mul3A_125, %dma_start3A_131] : memref<10000x128xf32, #tpu.memory_space<vmem_shared>> -> memref<640x128xf32, #tpu.memory_space<vmem_shared>>
        tpu.enqueue_dma source(%dma_start3A_132 : memref<640x128xf32, #tpu.memory_space<vmem_shared>>) target(%dma_start3A_130 : memref<640x128xf32, #tpu.memory_space<hbm>>) target_semaphore(%run_scoped3A : memref<!tpu.dma_semaphore, #tpu.memory_space<semaphore_mem>>)
        %dma_wait3A_133 = arith.constant 0 : i32
        %dma_wait3A_134 = tpu.memref_slice %arg7[%arg0, %mul3A_127, %dma_wait3A_133] : memref<2x10000x128xf32, #tpu.memory_space<hbm>> -> memref<1x640x128xf32, #tpu.memory_space<hbm>>
        %dma_wait3A_135 = tpu.memref_squeeze %dma_wait3A_134 : memref<1x640x128xf32, #tpu.memory_space<hbm>> -> memref<640x128xf32, #tpu.memory_space<hbm>>
        %dma_wait3A_136 = arith.constant 0 : i32
        %dma_wait3A_137 = tpu.memref_slice %arg20[%mul3A_125, %dma_wait3A_136] : memref<10000x128xf32, #tpu.memory_space<vmem_shared>> -> memref<640x128xf32, #tpu.memory_space<vmem_shared>>
        tpu.wait_dma2 semaphore(%run_scoped3A : memref<!tpu.dma_semaphore, #tpu.memory_space<semaphore_mem>>) src(%dma_wait3A_137 : memref<640x128xf32, #tpu.memory_space<vmem_shared>>) dst(%dma_wait3A_135 : memref<640x128xf32, #tpu.memory_space<hbm>>)
        tpu.yield
      }) : () -> ()
    } else {
    }
    %eq3A_119 = arith.constant 15 : i32
    %eq3A_120 = arith.cmpi eq, %arg1, %eq3A_119 : i32
    %convert_element_type3A_121 = arith.extui %eq3A_120 : i1 to i32
    %cond3A_122 = arith.constant 0 : i32
    %cond3A_123 = arith.cmpi ne, %convert_element_type3A_121, %cond3A_122 : i32
    scf.if %cond3A_123 {
      "tpu.region"() ({
        %run_scoped3A = tpu.sem_alloc : memref<!tpu.dma_semaphore, #tpu.memory_space<semaphore_mem>>
        %dma_start3A_124 = arith.constant 9600 : i32
        %dma_start3A_125 = arith.constant 0 : i32
        %dma_start3A_126 = tpu.memref_slice %arg7[%arg0, %dma_start3A_124, %dma_start3A_125] : memref<2x10000x128xf32, #tpu.memory_space<hbm>> -> memref<1x400x128xf32, #tpu.memory_space<hbm>>
        %dma_start3A_127 = tpu.memref_squeeze %dma_start3A_126 : memref<1x400x128xf32, #tpu.memory_space<hbm>> -> memref<400x128xf32, #tpu.memory_space<hbm>>
        %dma_start3A_128 = arith.constant 9600 : i32
        %dma_start3A_129 = arith.constant 0 : i32
        %dma_start3A_130 = tpu.memref_slice %arg20[%dma_start3A_128, %dma_start3A_129] : memref<10000x128xf32, #tpu.memory_space<vmem_shared>> -> memref<400x128xf32, #tpu.memory_space<vmem_shared>>
        tpu.enqueue_dma source(%dma_start3A_130 : memref<400x128xf32, #tpu.memory_space<vmem_shared>>) target(%dma_start3A_127 : memref<400x128xf32, #tpu.memory_space<hbm>>) target_semaphore(%run_scoped3A : memref<!tpu.dma_semaphore, #tpu.memory_space<semaphore_mem>>)
        %dma_wait3A_131 = arith.constant 9600 : i32
        %dma_wait3A_132 = arith.constant 0 : i32
        %dma_wait3A_133 = tpu.memref_slice %arg7[%arg0, %dma_wait3A_131, %dma_wait3A_132] : memref<2x10000x128xf32, #tpu.memory_space<hbm>> -> memref<1x400x128xf32, #tpu.memory_space<hbm>>
        %dma_wait3A_134 = tpu.memref_squeeze %dma_wait3A_133 : memref<1x400x128xf32, #tpu.memory_space<hbm>> -> memref<400x128xf32, #tpu.memory_space<hbm>>
        %dma_wait3A_135 = arith.constant 9600 : i32
        %dma_wait3A_136 = arith.constant 0 : i32
        %dma_wait3A_137 = tpu.memref_slice %arg20[%dma_wait3A_135, %dma_wait3A_136] : memref<10000x128xf32, #tpu.memory_space<vmem_shared>> -> memref<400x128xf32, #tpu.memory_space<vmem_shared>>
        tpu.wait_dma2 semaphore(%run_scoped3A : memref<!tpu.dma_semaphore, #tpu.memory_space<semaphore_mem>>) src(%dma_wait3A_137 : memref<400x128xf32, #tpu.memory_space<vmem_shared>>) dst(%dma_wait3A_134 : memref<400x128xf32, #tpu.memory_space<hbm>>)
        tpu.yield
      }) : () -> ()
    } else {
    }
    return
  }
}

#map = affine_map<(d0, d1) -> (0, 0)>
#map1 = affine_map<(d0, d1) -> (0, 0, 0)>
module attributes {stable_mosaic.version = 14 : i64} {
  func.func @_sc_agg(%arg0: i32, %arg1: i32, %arg2: memref<10000x128xf32, #tpu.memory_space<hbm>>, %arg3: memref<4000x1x80xi32, #tpu.memory_space<hbm>>, %arg4: memref<4000x1x80xi32, #tpu.memory_space<hbm>>, %arg5: memref<10000x128xf32, #tpu.memory_space<hbm>>, %arg6: memref<2x10000x128xf32, #tpu.memory_space<hbm>>, %arg7: memref<2x10000x128xf32, #tpu.memory_space<hbm>>, %arg8: memref<80xi32, #tpu.memory_space<vmem>>, %arg9: memref<80xi32, #tpu.memory_space<vmem>>, %arg10: memref<80xi32, #tpu.memory_space<vmem>>, %arg11: memref<80xi32, #tpu.memory_space<vmem>>, %arg12: memref<80xi32, #tpu.memory_space<vmem>>, %arg13: memref<80xi32, #tpu.memory_space<vmem>>, %arg14: memref<80xi32, #tpu.memory_space<vmem>>, %arg15: memref<80xi32, #tpu.memory_space<vmem>>, %arg16: memref<80x128xf32, #tpu.memory_space<vmem>>, %arg17: memref<80x128xf32, #tpu.memory_space<vmem>>, %arg18: memref<80x128xf32, #tpu.memory_space<vmem>>, %arg19: memref<80x128xf32, #tpu.memory_space<vmem>>, %arg20: memref<10000x128xf32, #tpu.memory_space<vmem_shared>>, %arg21: memref<!tpu.dma_semaphore, #tpu.memory_space<semaphore_mem>>, %arg22: memref<!tpu.dma_semaphore, #tpu.memory_space<semaphore_mem>>, %arg23: memref<!tpu.dma_semaphore, #tpu.memory_space<semaphore_mem>>, %arg24: memref<!tpu.dma_semaphore, #tpu.memory_space<semaphore_mem>>, %arg25: memref<!tpu.dma_semaphore, #tpu.memory_space<semaphore_mem>>, %arg26: memref<!tpu.dma_semaphore, #tpu.memory_space<semaphore_mem>>, %arg27: memref<!tpu.dma_semaphore, #tpu.memory_space<semaphore_mem>>, %arg28: memref<!tpu.dma_semaphore, #tpu.memory_space<semaphore_mem>>, %arg29: memref<!tpu.dma_semaphore, #tpu.memory_space<semaphore_mem>>, %arg30: memref<!tpu.dma_semaphore, #tpu.memory_space<semaphore_mem>>, %arg31: memref<!tpu.dma_semaphore, #tpu.memory_space<semaphore_mem>>, %arg32: memref<!tpu.dma_semaphore, #tpu.memory_space<semaphore_mem>>) attributes {dimension_semantics = [#tpu.dimension_semantics<core_parallel>, #tpu.dimension_semantics<subcore_parallel>], iteration_bounds = array<i64: 2, 16>, scalar_prefetch = 0 : i64, scratch_operands = 25 : i64, tpu.core_type = #tpu.core_type<sc_vector_subcore>, window_params = [{transform_indices = #map}, {transform_indices = #map1}, {transform_indices = #map1}, {transform_indices = #map}, {transform_indices = #map1}, {transform_indices = #map1}]} {
    %mul3A = arith.constant 16 : i32
    %mul3A_0 = arith.muli %arg0, %mul3A : i32
    %add3A = arith.addi %mul3A_0, %arg1 : i32
    %mul3A_1 = arith.constant 125 : i32
    %mul3A_2 = arith.muli %add3A, %mul3A_1 : i32
    %add3A_3 = arith.constant 0 : i32
    %add3A_4 = arith.addi %mul3A_2, %add3A_3 : i32
    %dma_start3A = arith.constant 0 : i32
    %dma_start3A_5 = arith.constant 0 : i32
    %dma_start3A_6 = tpu.memref_slice %arg3[%add3A_4, %dma_start3A, %dma_start3A_5] : memref<4000x1x80xi32, #tpu.memory_space<hbm>> -> memref<1x1x80xi32, #tpu.memory_space<hbm>>
    %dma_start3A_7 = tpu.memref_squeeze %dma_start3A_6 : memref<1x1x80xi32, #tpu.memory_space<hbm>> -> memref<80xi32, #tpu.memory_space<hbm>>
    %dma_start3A_8 = arith.constant 0 : i32
    %dma_start3A_9 = tpu.memref_slice %arg3[%add3A_4, %dma_start3A, %dma_start3A_8] : memref<4000x1x80xi32, #tpu.memory_space<hbm>> -> memref<1x1x80xi32, #tpu.memory_space<hbm>>
    %dma_start3A_10 = tpu.memref_squeeze %dma_start3A_9 : memref<1x1x80xi32, #tpu.memory_space<hbm>> -> memref<80xi32, #tpu.memory_space<hbm>>
    tpu.enqueue_dma source(%dma_start3A_10 : memref<80xi32, #tpu.memory_space<hbm>>) target(%arg8 : memref<80xi32, #tpu.memory_space<vmem>>) target_semaphore(%arg25 : memref<!tpu.dma_semaphore, #tpu.memory_space<semaphore_mem>>)
    %dma_start3A_11 = arith.constant 0 : i32
    %dma_start3A_12 = arith.constant 0 : i32
    %dma_start3A_13 = tpu.memref_slice %arg4[%add3A_4, %dma_start3A_11, %dma_start3A_12] : memref<4000x1x80xi32, #tpu.memory_space<hbm>> -> memref<1x1x80xi32, #tpu.memory_space<hbm>>
    %dma_start3A_14 = tpu.memref_squeeze %dma_start3A_13 : memref<1x1x80xi32, #tpu.memory_space<hbm>> -> memref<80xi32, #tpu.memory_space<hbm>>
    %dma_start3A_15 = arith.constant 0 : i32
    %dma_start3A_16 = tpu.memref_slice %arg4[%add3A_4, %dma_start3A_11, %dma_start3A_15] : memref<4000x1x80xi32, #tpu.memory_space<hbm>> -> memref<1x1x80xi32, #tpu.memory_space<hbm>>
    %dma_start3A_17 = tpu.memref_squeeze %dma_start3A_16 : memref<1x1x80xi32, #tpu.memory_space<hbm>> -> memref<80xi32, #tpu.memory_space<hbm>>
    tpu.enqueue_dma source(%dma_start3A_17 : memref<80xi32, #tpu.memory_space<hbm>>) target(%arg12 : memref<80xi32, #tpu.memory_space<vmem>>) target_semaphore(%arg25 : memref<!tpu.dma_semaphore, #tpu.memory_space<semaphore_mem>>)
    %mul3A_18 = arith.constant 125 : i32
    %mul3A_19 = arith.muli %add3A, %mul3A_18 : i32
    %add3A_20 = arith.constant 1 : i32
    %add3A_21 = arith.addi %mul3A_19, %add3A_20 : i32
    %dma_start3A_22 = arith.constant 0 : i32
    %dma_start3A_23 = arith.constant 0 : i32
    %dma_start3A_24 = tpu.memref_slice %arg3[%add3A_21, %dma_start3A_22, %dma_start3A_23] : memref<4000x1x80xi32, #tpu.memory_space<hbm>> -> memref<1x1x80xi32, #tpu.memory_space<hbm>>
    %dma_start3A_25 = tpu.memref_squeeze %dma_start3A_24 : memref<1x1x80xi32, #tpu.memory_space<hbm>> -> memref<80xi32, #tpu.memory_space<hbm>>
    %dma_start3A_26 = arith.constant 0 : i32
    %dma_start3A_27 = tpu.memref_slice %arg3[%add3A_21, %dma_start3A_22, %dma_start3A_26] : memref<4000x1x80xi32, #tpu.memory_space<hbm>> -> memref<1x1x80xi32, #tpu.memory_space<hbm>>
    %dma_start3A_28 = tpu.memref_squeeze %dma_start3A_27 : memref<1x1x80xi32, #tpu.memory_space<hbm>> -> memref<80xi32, #tpu.memory_space<hbm>>
    tpu.enqueue_dma source(%dma_start3A_28 : memref<80xi32, #tpu.memory_space<hbm>>) target(%arg9 : memref<80xi32, #tpu.memory_space<vmem>>) target_semaphore(%arg26 : memref<!tpu.dma_semaphore, #tpu.memory_space<semaphore_mem>>)
    %dma_start3A_29 = arith.constant 0 : i32
    %dma_start3A_30 = arith.constant 0 : i32
    %dma_start3A_31 = tpu.memref_slice %arg4[%add3A_21, %dma_start3A_29, %dma_start3A_30] : memref<4000x1x80xi32, #tpu.memory_space<hbm>> -> memref<1x1x80xi32, #tpu.memory_space<hbm>>
    %dma_start3A_32 = tpu.memref_squeeze %dma_start3A_31 : memref<1x1x80xi32, #tpu.memory_space<hbm>> -> memref<80xi32, #tpu.memory_space<hbm>>
    %dma_start3A_33 = arith.constant 0 : i32
    %dma_start3A_34 = tpu.memref_slice %arg4[%add3A_21, %dma_start3A_29, %dma_start3A_33] : memref<4000x1x80xi32, #tpu.memory_space<hbm>> -> memref<1x1x80xi32, #tpu.memory_space<hbm>>
    %dma_start3A_35 = tpu.memref_squeeze %dma_start3A_34 : memref<1x1x80xi32, #tpu.memory_space<hbm>> -> memref<80xi32, #tpu.memory_space<hbm>>
    tpu.enqueue_dma source(%dma_start3A_35 : memref<80xi32, #tpu.memory_space<hbm>>) target(%arg13 : memref<80xi32, #tpu.memory_space<vmem>>) target_semaphore(%arg26 : memref<!tpu.dma_semaphore, #tpu.memory_space<semaphore_mem>>)
    %mul3A_36 = arith.constant 125 : i32
    %mul3A_37 = arith.muli %add3A, %mul3A_36 : i32
    %add3A_38 = arith.constant 2 : i32
    %add3A_39 = arith.addi %mul3A_37, %add3A_38 : i32
    %dma_start3A_40 = arith.constant 0 : i32
    %dma_start3A_41 = arith.constant 0 : i32
    %dma_start3A_42 = tpu.memref_slice %arg3[%add3A_39, %dma_start3A_40, %dma_start3A_41] : memref<4000x1x80xi32, #tpu.memory_space<hbm>> -> memref<1x1x80xi32, #tpu.memory_space<hbm>>
    %dma_start3A_43 = tpu.memref_squeeze %dma_start3A_42 : memref<1x1x80xi32, #tpu.memory_space<hbm>> -> memref<80xi32, #tpu.memory_space<hbm>>
    %dma_start3A_44 = arith.constant 0 : i32
    %dma_start3A_45 = tpu.memref_slice %arg3[%add3A_39, %dma_start3A_40, %dma_start3A_44] : memref<4000x1x80xi32, #tpu.memory_space<hbm>> -> memref<1x1x80xi32, #tpu.memory_space<hbm>>
    %dma_start3A_46 = tpu.memref_squeeze %dma_start3A_45 : memref<1x1x80xi32, #tpu.memory_space<hbm>> -> memref<80xi32, #tpu.memory_space<hbm>>
    tpu.enqueue_dma source(%dma_start3A_46 : memref<80xi32, #tpu.memory_space<hbm>>) target(%arg10 : memref<80xi32, #tpu.memory_space<vmem>>) target_semaphore(%arg27 : memref<!tpu.dma_semaphore, #tpu.memory_space<semaphore_mem>>)
    %dma_start3A_47 = arith.constant 0 : i32
    %dma_start3A_48 = arith.constant 0 : i32
    %dma_start3A_49 = tpu.memref_slice %arg4[%add3A_39, %dma_start3A_47, %dma_start3A_48] : memref<4000x1x80xi32, #tpu.memory_space<hbm>> -> memref<1x1x80xi32, #tpu.memory_space<hbm>>
    %dma_start3A_50 = tpu.memref_squeeze %dma_start3A_49 : memref<1x1x80xi32, #tpu.memory_space<hbm>> -> memref<80xi32, #tpu.memory_space<hbm>>
    %dma_start3A_51 = arith.constant 0 : i32
    %dma_start3A_52 = tpu.memref_slice %arg4[%add3A_39, %dma_start3A_47, %dma_start3A_51] : memref<4000x1x80xi32, #tpu.memory_space<hbm>> -> memref<1x1x80xi32, #tpu.memory_space<hbm>>
    %dma_start3A_53 = tpu.memref_squeeze %dma_start3A_52 : memref<1x1x80xi32, #tpu.memory_space<hbm>> -> memref<80xi32, #tpu.memory_space<hbm>>
    tpu.enqueue_dma source(%dma_start3A_53 : memref<80xi32, #tpu.memory_space<hbm>>) target(%arg14 : memref<80xi32, #tpu.memory_space<vmem>>) target_semaphore(%arg27 : memref<!tpu.dma_semaphore, #tpu.memory_space<semaphore_mem>>)
    %dma_wait3A = arith.constant 0 : i32
    %dma_wait3A_54 = arith.constant 0 : i32
    %dma_wait3A_55 = arith.constant 0 : i32
    %dma_wait3A_56 = tpu.memref_slice %arg3[%dma_wait3A, %dma_wait3A_54, %dma_wait3A_55] : memref<4000x1x80xi32, #tpu.memory_space<hbm>> -> memref<1x1x80xi32, #tpu.memory_space<hbm>>
    %dma_wait3A_57 = tpu.memref_squeeze %dma_wait3A_56 : memref<1x1x80xi32, #tpu.memory_space<hbm>> -> memref<80xi32, #tpu.memory_space<hbm>>
    %dma_wait3A_58 = arith.constant 0 : i32
    %dma_wait3A_59 = tpu.memref_slice %arg3[%dma_wait3A, %dma_wait3A_54, %dma_wait3A_58] : memref<4000x1x80xi32, #tpu.memory_space<hbm>> -> memref<1x1x80xi32, #tpu.memory_space<hbm>>
    %dma_wait3A_60 = tpu.memref_squeeze %dma_wait3A_59 : memref<1x1x80xi32, #tpu.memory_space<hbm>> -> memref<80xi32, #tpu.memory_space<hbm>>
    tpu.wait_dma2 semaphore(%arg25 : memref<!tpu.dma_semaphore, #tpu.memory_space<semaphore_mem>>) src(%dma_wait3A_60 : memref<80xi32, #tpu.memory_space<hbm>>) dst(%arg8 : memref<80xi32, #tpu.memory_space<vmem>>)
    %dma_wait3A_61 = arith.constant 0 : i32
    %dma_wait3A_62 = arith.constant 0 : i32
    %dma_wait3A_63 = arith.constant 0 : i32
    %dma_wait3A_64 = tpu.memref_slice %arg4[%dma_wait3A_61, %dma_wait3A_62, %dma_wait3A_63] : memref<4000x1x80xi32, #tpu.memory_space<hbm>> -> memref<1x1x80xi32, #tpu.memory_space<hbm>>
    %dma_wait3A_65 = tpu.memref_squeeze %dma_wait3A_64 : memref<1x1x80xi32, #tpu.memory_space<hbm>> -> memref<80xi32, #tpu.memory_space<hbm>>
    %dma_wait3A_66 = arith.constant 0 : i32
    %dma_wait3A_67 = tpu.memref_slice %arg4[%dma_wait3A_61, %dma_wait3A_62, %dma_wait3A_66] : memref<4000x1x80xi32, #tpu.memory_space<hbm>> -> memref<1x1x80xi32, #tpu.memory_space<hbm>>
    %dma_wait3A_68 = tpu.memref_squeeze %dma_wait3A_67 : memref<1x1x80xi32, #tpu.memory_space<hbm>> -> memref<80xi32, #tpu.memory_space<hbm>>
    tpu.wait_dma2 semaphore(%arg25 : memref<!tpu.dma_semaphore, #tpu.memory_space<semaphore_mem>>) src(%dma_wait3A_68 : memref<80xi32, #tpu.memory_space<hbm>>) dst(%arg12 : memref<80xi32, #tpu.memory_space<vmem>>)
    %dma_start3A_69 = arith.constant 0 : i32
    %dma_start3A_70 = arith.constant 0 : i32
    %dma_start3A_71 = tpu.memref_slice %arg2[%dma_start3A_69, %dma_start3A_70] : memref<10000x128xf32, #tpu.memory_space<hbm>> -> memref<10000x128xf32, #tpu.memory_space<hbm>>
    tpu.enqueue_indirect_dma source(%dma_start3A_71 : memref<10000x128xf32, #tpu.memory_space<hbm>>) target(%arg16 : memref<80x128xf32, #tpu.memory_space<vmem>>) offsets(%arg8 : memref<80xi32, #tpu.memory_space<vmem>>) semaphore(%arg21 : memref<!tpu.dma_semaphore, #tpu.memory_space<semaphore_mem>>)
    %dma_wait3A_72 = arith.constant 0 : i32
    %dma_wait3A_73 = arith.constant 0 : i32
    %dma_wait3A_74 = arith.constant 0 : i32
    %dma_wait3A_75 = tpu.memref_slice %arg3[%dma_wait3A_72, %dma_wait3A_73, %dma_wait3A_74] : memref<4000x1x80xi32, #tpu.memory_space<hbm>> -> memref<1x1x80xi32, #tpu.memory_space<hbm>>
    %dma_wait3A_76 = tpu.memref_squeeze %dma_wait3A_75 : memref<1x1x80xi32, #tpu.memory_space<hbm>> -> memref<80xi32, #tpu.memory_space<hbm>>
    %dma_wait3A_77 = arith.constant 0 : i32
    %dma_wait3A_78 = tpu.memref_slice %arg3[%dma_wait3A_72, %dma_wait3A_73, %dma_wait3A_77] : memref<4000x1x80xi32, #tpu.memory_space<hbm>> -> memref<1x1x80xi32, #tpu.memory_space<hbm>>
    %dma_wait3A_79 = tpu.memref_squeeze %dma_wait3A_78 : memref<1x1x80xi32, #tpu.memory_space<hbm>> -> memref<80xi32, #tpu.memory_space<hbm>>
    tpu.wait_dma2 semaphore(%arg26 : memref<!tpu.dma_semaphore, #tpu.memory_space<semaphore_mem>>) src(%dma_wait3A_79 : memref<80xi32, #tpu.memory_space<hbm>>) dst(%arg9 : memref<80xi32, #tpu.memory_space<vmem>>)
    %dma_wait3A_80 = arith.constant 0 : i32
    %dma_wait3A_81 = arith.constant 0 : i32
    %dma_wait3A_82 = arith.constant 0 : i32
    %dma_wait3A_83 = tpu.memref_slice %arg4[%dma_wait3A_80, %dma_wait3A_81, %dma_wait3A_82] : memref<4000x1x80xi32, #tpu.memory_space<hbm>> -> memref<1x1x80xi32, #tpu.memory_space<hbm>>
    %dma_wait3A_84 = tpu.memref_squeeze %dma_wait3A_83 : memref<1x1x80xi32, #tpu.memory_space<hbm>> -> memref<80xi32, #tpu.memory_space<hbm>>
    %dma_wait3A_85 = arith.constant 0 : i32
    %dma_wait3A_86 = tpu.memref_slice %arg4[%dma_wait3A_80, %dma_wait3A_81, %dma_wait3A_85] : memref<4000x1x80xi32, #tpu.memory_space<hbm>> -> memref<1x1x80xi32, #tpu.memory_space<hbm>>
    %dma_wait3A_87 = tpu.memref_squeeze %dma_wait3A_86 : memref<1x1x80xi32, #tpu.memory_space<hbm>> -> memref<80xi32, #tpu.memory_space<hbm>>
    tpu.wait_dma2 semaphore(%arg26 : memref<!tpu.dma_semaphore, #tpu.memory_space<semaphore_mem>>) src(%dma_wait3A_87 : memref<80xi32, #tpu.memory_space<hbm>>) dst(%arg13 : memref<80xi32, #tpu.memory_space<vmem>>)
    %dma_start3A_88 = arith.constant 0 : i32
    %dma_start3A_89 = arith.constant 0 : i32
    %dma_start3A_90 = tpu.memref_slice %arg2[%dma_start3A_88, %dma_start3A_89] : memref<10000x128xf32, #tpu.memory_space<hbm>> -> memref<10000x128xf32, #tpu.memory_space<hbm>>
    tpu.enqueue_indirect_dma source(%dma_start3A_90 : memref<10000x128xf32, #tpu.memory_space<hbm>>) target(%arg17 : memref<80x128xf32, #tpu.memory_space<vmem>>) offsets(%arg9 : memref<80xi32, #tpu.memory_space<vmem>>) semaphore(%arg22 : memref<!tpu.dma_semaphore, #tpu.memory_space<semaphore_mem>>)
    %lt3A = arith.constant 15 : i32
    %lt3A_91 = arith.cmpi slt, %arg1, %lt3A : i32
    %convert_element_type3A = arith.extui %lt3A_91 : i1 to i32
    %cond3A = arith.constant 0 : i32
    %cond3A_92 = arith.cmpi ne, %convert_element_type3A, %cond3A : i32
    scf.if %cond3A_92 {
      %mul3A_124 = arith.constant 640 : i32
      %mul3A_125 = arith.muli %arg1, %mul3A_124 : i32
      %mul3A_126 = arith.constant 640 : i32
      %mul3A_127 = arith.muli %arg1, %mul3A_126 : i32
      "tpu.region"() ({
        %run_scoped3A = tpu.sem_alloc : memref<!tpu.dma_semaphore, #tpu.memory_space<semaphore_mem>>
        %dma_start3A_128 = arith.constant 0 : i32
        %dma_start3A_129 = tpu.memref_slice %arg20[%mul3A_127, %dma_start3A_128] : memref<10000x128xf32, #tpu.memory_space<vmem_shared>> -> memref<640x128xf32, #tpu.memory_space<vmem_shared>>
        %dma_start3A_130 = arith.constant 0 : i32
        %dma_start3A_131 = tpu.memref_slice %arg5[%mul3A_125, %dma_start3A_130] : memref<10000x128xf32, #tpu.memory_space<hbm>> -> memref<640x128xf32, #tpu.memory_space<hbm>>
        tpu.enqueue_dma source(%dma_start3A_131 : memref<640x128xf32, #tpu.memory_space<hbm>>) target(%dma_start3A_129 : memref<640x128xf32, #tpu.memory_space<vmem_shared>>) target_semaphore(%run_scoped3A : memref<!tpu.dma_semaphore, #tpu.memory_space<semaphore_mem>>)
        %dma_wait3A_132 = arith.constant 0 : i32
        %dma_wait3A_133 = tpu.memref_slice %arg20[%mul3A_127, %dma_wait3A_132] : memref<10000x128xf32, #tpu.memory_space<vmem_shared>> -> memref<640x128xf32, #tpu.memory_space<vmem_shared>>
        %dma_wait3A_134 = arith.constant 0 : i32
        %dma_wait3A_135 = tpu.memref_slice %arg5[%mul3A_125, %dma_wait3A_134] : memref<10000x128xf32, #tpu.memory_space<hbm>> -> memref<640x128xf32, #tpu.memory_space<hbm>>
        tpu.wait_dma2 semaphore(%run_scoped3A : memref<!tpu.dma_semaphore, #tpu.memory_space<semaphore_mem>>) src(%dma_wait3A_135 : memref<640x128xf32, #tpu.memory_space<hbm>>) dst(%dma_wait3A_133 : memref<640x128xf32, #tpu.memory_space<vmem_shared>>)
        tpu.yield
      }) : () -> ()
    } else {
    }
    %eq3A = arith.constant 15 : i32
    %eq3A_93 = arith.cmpi eq, %arg1, %eq3A : i32
    %convert_element_type3A_94 = arith.extui %eq3A_93 : i1 to i32
    %cond3A_95 = arith.constant 0 : i32
    %cond3A_96 = arith.cmpi ne, %convert_element_type3A_94, %cond3A_95 : i32
    scf.if %cond3A_96 {
      "tpu.region"() ({
        %run_scoped3A = tpu.sem_alloc : memref<!tpu.dma_semaphore, #tpu.memory_space<semaphore_mem>>
        %dma_start3A_124 = arith.constant 9600 : i32
        %dma_start3A_125 = arith.constant 0 : i32
        %dma_start3A_126 = tpu.memref_slice %arg20[%dma_start3A_124, %dma_start3A_125] : memref<10000x128xf32, #tpu.memory_space<vmem_shared>> -> memref<400x128xf32, #tpu.memory_space<vmem_shared>>
        %dma_start3A_127 = arith.constant 9600 : i32
        %dma_start3A_128 = arith.constant 0 : i32
        %dma_start3A_129 = tpu.memref_slice %arg5[%dma_start3A_127, %dma_start3A_128] : memref<10000x128xf32, #tpu.memory_space<hbm>> -> memref<400x128xf32, #tpu.memory_space<hbm>>
        tpu.enqueue_dma source(%dma_start3A_129 : memref<400x128xf32, #tpu.memory_space<hbm>>) target(%dma_start3A_126 : memref<400x128xf32, #tpu.memory_space<vmem_shared>>) target_semaphore(%run_scoped3A : memref<!tpu.dma_semaphore, #tpu.memory_space<semaphore_mem>>)
        %dma_wait3A_130 = arith.constant 9600 : i32
        %dma_wait3A_131 = arith.constant 0 : i32
        %dma_wait3A_132 = tpu.memref_slice %arg20[%dma_wait3A_130, %dma_wait3A_131] : memref<10000x128xf32, #tpu.memory_space<vmem_shared>> -> memref<400x128xf32, #tpu.memory_space<vmem_shared>>
        %dma_wait3A_133 = arith.constant 9600 : i32
        %dma_wait3A_134 = arith.constant 0 : i32
        %dma_wait3A_135 = tpu.memref_slice %arg5[%dma_wait3A_133, %dma_wait3A_134] : memref<10000x128xf32, #tpu.memory_space<hbm>> -> memref<400x128xf32, #tpu.memory_space<hbm>>
        tpu.wait_dma2 semaphore(%run_scoped3A : memref<!tpu.dma_semaphore, #tpu.memory_space<semaphore_mem>>) src(%dma_wait3A_135 : memref<400x128xf32, #tpu.memory_space<hbm>>) dst(%dma_wait3A_132 : memref<400x128xf32, #tpu.memory_space<vmem_shared>>)
        tpu.yield
      }) : () -> ()
    } else {
    }
    %barrier3A = arith.constant 0 : index
    tpu.barrier barrier_id(%barrier3A)
    %scan3A = arith.constant 0 : i32
    %scan3A_97 = arith.constant 31 : i32
    %scan3A_98 = arith.addi %scan3A, %scan3A_97 : i32
    %scan3A_99 = arith.constant 1 : i32
    scf.for %scan3A_124 = %scan3A to %scan3A_98 step %scan3A_99  : i32 {
      %mul3A_125 = arith.constant 1 : i32
      %mul3A_126 = arith.muli %scan3A_124, %mul3A_125 : i32
      %add3A_127 = arith.constant 0 : i32
      %add3A_128 = arith.addi %add3A_127, %mul3A_126 : i32
      %mul3A_129 = arith.constant 4 : i32
      %mul3A_130 = arith.muli %mul3A_129, %add3A_128 : i32
      %add3A_131 = arith.constant 0 : i32
      %add3A_132 = arith.addi %mul3A_130, %add3A_131 : i32
      %dma_wait3A_133 = arith.constant 0 : i32
      %dma_wait3A_134 = arith.constant 0 : i32
      %dma_wait3A_135 = tpu.memref_slice %arg2[%dma_wait3A_133, %dma_wait3A_134] : memref<10000x128xf32, #tpu.memory_space<hbm>> -> memref<10000x128xf32, #tpu.memory_space<hbm>>
      tpu.wait_indirect_dma semaphore(%arg21 : memref<!tpu.dma_semaphore, #tpu.memory_space<semaphore_mem>>) src(%dma_wait3A_135 : memref<10000x128xf32, #tpu.memory_space<hbm>>) dst(%arg16 : memref<80x128xf32, #tpu.memory_space<vmem>>)
      %dma_start3A_136 = arith.constant 0 : i32
      %dma_start3A_137 = arith.constant 0 : i32
      %dma_start3A_138 = tpu.memref_slice %arg20[%dma_start3A_136, %dma_start3A_137] : memref<10000x128xf32, #tpu.memory_space<vmem_shared>> -> memref<10000x128xf32, #tpu.memory_space<vmem_shared>>
      tpu.enqueue_indirect_dma source(%arg16 : memref<80x128xf32, #tpu.memory_space<vmem>>) target(%dma_start3A_138 : memref<10000x128xf32, #tpu.memory_space<vmem_shared>>) offsets(%arg12 : memref<80xi32, #tpu.memory_space<vmem>>) semaphore(%arg29 : memref<!tpu.dma_semaphore, #tpu.memory_space<semaphore_mem>>) {add = true}
      %gt3A = arith.constant 0 : i32
      %gt3A_139 = arith.cmpi sgt, %add3A_128, %gt3A : i32
      %convert_element_type3A_140 = arith.extui %gt3A_139 : i1 to i32
      %cond3A_141 = arith.constant 0 : i32
      %cond3A_142 = arith.cmpi ne, %convert_element_type3A_140, %cond3A_141 : i32
      scf.if %cond3A_142 {
        %dma_wait3A_238 = arith.constant 0 : i32
        %dma_wait3A_239 = arith.constant 0 : i32
        %dma_wait3A_240 = tpu.memref_slice %arg20[%dma_wait3A_238, %dma_wait3A_239] : memref<10000x128xf32, #tpu.memory_space<vmem_shared>> -> memref<10000x128xf32, #tpu.memory_space<vmem_shared>>
        tpu.wait_indirect_dma semaphore(%arg32 : memref<!tpu.dma_semaphore, #tpu.memory_space<semaphore_mem>>) src(%arg19 : memref<80x128xf32, #tpu.memory_space<vmem>>) dst(%dma_wait3A_240 : memref<10000x128xf32, #tpu.memory_space<vmem_shared>>)
      } else {
      }
      %add3A_143 = arith.constant 3 : i32
      %add3A_144 = arith.addi %add3A_132, %add3A_143 : i32
      %lt3A_145 = arith.constant 125 : i32
      %lt3A_146 = arith.cmpi slt, %add3A_144, %lt3A_145 : i32
      %convert_element_type3A_147 = arith.extui %lt3A_146 : i1 to i32
      %cond3A_148 = arith.constant 0 : i32
      %cond3A_149 = arith.cmpi ne, %convert_element_type3A_147, %cond3A_148 : i32
      scf.if %cond3A_149 {
        %add3A_238 = arith.constant 3 : i32
        %add3A_239 = arith.addi %add3A_132, %add3A_238 : i32
        %mul3A_240 = arith.constant 125 : i32
        %mul3A_241 = arith.muli %add3A, %mul3A_240 : i32
        %add3A_242 = arith.addi %mul3A_241, %add3A_239 : i32
        %dma_start3A_243 = arith.constant 0 : i32
        %dma_start3A_244 = arith.constant 0 : i32
        %dma_start3A_245 = tpu.memref_slice %arg3[%add3A_242, %dma_start3A_243, %dma_start3A_244] : memref<4000x1x80xi32, #tpu.memory_space<hbm>> -> memref<1x1x80xi32, #tpu.memory_space<hbm>>
        %dma_start3A_246 = tpu.memref_squeeze %dma_start3A_245 : memref<1x1x80xi32, #tpu.memory_space<hbm>> -> memref<80xi32, #tpu.memory_space<hbm>>
        %dma_start3A_247 = arith.constant 0 : i32
        %dma_start3A_248 = tpu.memref_slice %arg3[%add3A_242, %dma_start3A_243, %dma_start3A_247] : memref<4000x1x80xi32, #tpu.memory_space<hbm>> -> memref<1x1x80xi32, #tpu.memory_space<hbm>>
        %dma_start3A_249 = tpu.memref_squeeze %dma_start3A_248 : memref<1x1x80xi32, #tpu.memory_space<hbm>> -> memref<80xi32, #tpu.memory_space<hbm>>
        tpu.enqueue_dma source(%dma_start3A_249 : memref<80xi32, #tpu.memory_space<hbm>>) target(%arg11 : memref<80xi32, #tpu.memory_space<vmem>>) target_semaphore(%arg28 : memref<!tpu.dma_semaphore, #tpu.memory_space<semaphore_mem>>)
        %dma_start3A_250 = arith.constant 0 : i32
        %dma_start3A_251 = arith.constant 0 : i32
        %dma_start3A_252 = tpu.memref_slice %arg4[%add3A_242, %dma_start3A_250, %dma_start3A_251] : memref<4000x1x80xi32, #tpu.memory_space<hbm>> -> memref<1x1x80xi32, #tpu.memory_space<hbm>>
        %dma_start3A_253 = tpu.memref_squeeze %dma_start3A_252 : memref<1x1x80xi32, #tpu.memory_space<hbm>> -> memref<80xi32, #tpu.memory_space<hbm>>
        %dma_start3A_254 = arith.constant 0 : i32
        %dma_start3A_255 = tpu.memref_slice %arg4[%add3A_242, %dma_start3A_250, %dma_start3A_254] : memref<4000x1x80xi32, #tpu.memory_space<hbm>> -> memref<1x1x80xi32, #tpu.memory_space<hbm>>
        %dma_start3A_256 = tpu.memref_squeeze %dma_start3A_255 : memref<1x1x80xi32, #tpu.memory_space<hbm>> -> memref<80xi32, #tpu.memory_space<hbm>>
        tpu.enqueue_dma source(%dma_start3A_256 : memref<80xi32, #tpu.memory_space<hbm>>) target(%arg15 : memref<80xi32, #tpu.memory_space<vmem>>) target_semaphore(%arg28 : memref<!tpu.dma_semaphore, #tpu.memory_space<semaphore_mem>>)
      } else {
      }
      %add3A_150 = arith.constant 2 : i32
      %add3A_151 = arith.addi %add3A_132, %add3A_150 : i32
      %lt3A_152 = arith.constant 125 : i32
      %lt3A_153 = arith.cmpi slt, %add3A_151, %lt3A_152 : i32
      %convert_element_type3A_154 = arith.extui %lt3A_153 : i1 to i32
      %cond3A_155 = arith.constant 0 : i32
      %cond3A_156 = arith.cmpi ne, %convert_element_type3A_154, %cond3A_155 : i32
      scf.if %cond3A_156 {
        %dma_wait3A_238 = arith.constant 0 : i32
        %dma_wait3A_239 = arith.constant 0 : i32
        %dma_wait3A_240 = arith.constant 0 : i32
        %dma_wait3A_241 = tpu.memref_slice %arg3[%dma_wait3A_238, %dma_wait3A_239, %dma_wait3A_240] : memref<4000x1x80xi32, #tpu.memory_space<hbm>> -> memref<1x1x80xi32, #tpu.memory_space<hbm>>
        %dma_wait3A_242 = tpu.memref_squeeze %dma_wait3A_241 : memref<1x1x80xi32, #tpu.memory_space<hbm>> -> memref<80xi32, #tpu.memory_space<hbm>>
        %dma_wait3A_243 = arith.constant 0 : i32
        %dma_wait3A_244 = tpu.memref_slice %arg3[%dma_wait3A_238, %dma_wait3A_239, %dma_wait3A_243] : memref<4000x1x80xi32, #tpu.memory_space<hbm>> -> memref<1x1x80xi32, #tpu.memory_space<hbm>>
        %dma_wait3A_245 = tpu.memref_squeeze %dma_wait3A_244 : memref<1x1x80xi32, #tpu.memory_space<hbm>> -> memref<80xi32, #tpu.memory_space<hbm>>
        tpu.wait_dma2 semaphore(%arg27 : memref<!tpu.dma_semaphore, #tpu.memory_space<semaphore_mem>>) src(%dma_wait3A_245 : memref<80xi32, #tpu.memory_space<hbm>>) dst(%arg10 : memref<80xi32, #tpu.memory_space<vmem>>)
        %dma_wait3A_246 = arith.constant 0 : i32
        %dma_wait3A_247 = arith.constant 0 : i32
        %dma_wait3A_248 = arith.constant 0 : i32
        %dma_wait3A_249 = tpu.memref_slice %arg4[%dma_wait3A_246, %dma_wait3A_247, %dma_wait3A_248] : memref<4000x1x80xi32, #tpu.memory_space<hbm>> -> memref<1x1x80xi32, #tpu.memory_space<hbm>>
        %dma_wait3A_250 = tpu.memref_squeeze %dma_wait3A_249 : memref<1x1x80xi32, #tpu.memory_space<hbm>> -> memref<80xi32, #tpu.memory_space<hbm>>
        %dma_wait3A_251 = arith.constant 0 : i32
        %dma_wait3A_252 = tpu.memref_slice %arg4[%dma_wait3A_246, %dma_wait3A_247, %dma_wait3A_251] : memref<4000x1x80xi32, #tpu.memory_space<hbm>> -> memref<1x1x80xi32, #tpu.memory_space<hbm>>
        %dma_wait3A_253 = tpu.memref_squeeze %dma_wait3A_252 : memref<1x1x80xi32, #tpu.memory_space<hbm>> -> memref<80xi32, #tpu.memory_space<hbm>>
        tpu.wait_dma2 semaphore(%arg27 : memref<!tpu.dma_semaphore, #tpu.memory_space<semaphore_mem>>) src(%dma_wait3A_253 : memref<80xi32, #tpu.memory_space<hbm>>) dst(%arg14 : memref<80xi32, #tpu.memory_space<vmem>>)
        %dma_start3A_254 = arith.constant 0 : i32
        %dma_start3A_255 = arith.constant 0 : i32
        %dma_start3A_256 = tpu.memref_slice %arg2[%dma_start3A_254, %dma_start3A_255] : memref<10000x128xf32, #tpu.memory_space<hbm>> -> memref<10000x128xf32, #tpu.memory_space<hbm>>
        tpu.enqueue_indirect_dma source(%dma_start3A_256 : memref<10000x128xf32, #tpu.memory_space<hbm>>) target(%arg18 : memref<80x128xf32, #tpu.memory_space<vmem>>) offsets(%arg10 : memref<80xi32, #tpu.memory_space<vmem>>) semaphore(%arg23 : memref<!tpu.dma_semaphore, #tpu.memory_space<semaphore_mem>>)
      } else {
      }
      %mul3A_157 = arith.constant 4 : i32
      %mul3A_158 = arith.muli %mul3A_157, %add3A_128 : i32
      %add3A_159 = arith.constant 1 : i32
      %add3A_160 = arith.addi %mul3A_158, %add3A_159 : i32
      %dma_wait3A_161 = arith.constant 0 : i32
      %dma_wait3A_162 = arith.constant 0 : i32
      %dma_wait3A_163 = tpu.memref_slice %arg2[%dma_wait3A_161, %dma_wait3A_162] : memref<10000x128xf32, #tpu.memory_space<hbm>> -> memref<10000x128xf32, #tpu.memory_space<hbm>>
      tpu.wait_indirect_dma semaphore(%arg22 : memref<!tpu.dma_semaphore, #tpu.memory_space<semaphore_mem>>) src(%dma_wait3A_163 : memref<10000x128xf32, #tpu.memory_space<hbm>>) dst(%arg17 : memref<80x128xf32, #tpu.memory_space<vmem>>)
      %dma_start3A_164 = arith.constant 0 : i32
      %dma_start3A_165 = arith.constant 0 : i32
      %dma_start3A_166 = tpu.memref_slice %arg20[%dma_start3A_164, %dma_start3A_165] : memref<10000x128xf32, #tpu.memory_space<vmem_shared>> -> memref<10000x128xf32, #tpu.memory_space<vmem_shared>>
      tpu.enqueue_indirect_dma source(%arg17 : memref<80x128xf32, #tpu.memory_space<vmem>>) target(%dma_start3A_166 : memref<10000x128xf32, #tpu.memory_space<vmem_shared>>) offsets(%arg13 : memref<80xi32, #tpu.memory_space<vmem>>) semaphore(%arg30 : memref<!tpu.dma_semaphore, #tpu.memory_space<semaphore_mem>>) {add = true}
      %dma_wait3A_167 = arith.constant 0 : i32
      %dma_wait3A_168 = arith.constant 0 : i32
      %dma_wait3A_169 = tpu.memref_slice %arg20[%dma_wait3A_167, %dma_wait3A_168] : memref<10000x128xf32, #tpu.memory_space<vmem_shared>> -> memref<10000x128xf32, #tpu.memory_space<vmem_shared>>
      tpu.wait_indirect_dma semaphore(%arg29 : memref<!tpu.dma_semaphore, #tpu.memory_space<semaphore_mem>>) src(%arg16 : memref<80x128xf32, #tpu.memory_space<vmem>>) dst(%dma_wait3A_169 : memref<10000x128xf32, #tpu.memory_space<vmem_shared>>)
      %add3A_170 = arith.constant 3 : i32
      %add3A_171 = arith.addi %add3A_160, %add3A_170 : i32
      %lt3A_172 = arith.constant 125 : i32
      %lt3A_173 = arith.cmpi slt, %add3A_171, %lt3A_172 : i32
      %convert_element_type3A_174 = arith.extui %lt3A_173 : i1 to i32
      %cond3A_175 = arith.constant 0 : i32
      %cond3A_176 = arith.cmpi ne, %convert_element_type3A_174, %cond3A_175 : i32
      scf.if %cond3A_176 {
        %add3A_238 = arith.constant 3 : i32
        %add3A_239 = arith.addi %add3A_160, %add3A_238 : i32
        %mul3A_240 = arith.constant 125 : i32
        %mul3A_241 = arith.muli %add3A, %mul3A_240 : i32
        %add3A_242 = arith.addi %mul3A_241, %add3A_239 : i32
        %dma_start3A_243 = arith.constant 0 : i32
        %dma_start3A_244 = arith.constant 0 : i32
        %dma_start3A_245 = tpu.memref_slice %arg3[%add3A_242, %dma_start3A_243, %dma_start3A_244] : memref<4000x1x80xi32, #tpu.memory_space<hbm>> -> memref<1x1x80xi32, #tpu.memory_space<hbm>>
        %dma_start3A_246 = tpu.memref_squeeze %dma_start3A_245 : memref<1x1x80xi32, #tpu.memory_space<hbm>> -> memref<80xi32, #tpu.memory_space<hbm>>
        %dma_start3A_247 = arith.constant 0 : i32
        %dma_start3A_248 = tpu.memref_slice %arg3[%add3A_242, %dma_start3A_243, %dma_start3A_247] : memref<4000x1x80xi32, #tpu.memory_space<hbm>> -> memref<1x1x80xi32, #tpu.memory_space<hbm>>
        %dma_start3A_249 = tpu.memref_squeeze %dma_start3A_248 : memref<1x1x80xi32, #tpu.memory_space<hbm>> -> memref<80xi32, #tpu.memory_space<hbm>>
        tpu.enqueue_dma source(%dma_start3A_249 : memref<80xi32, #tpu.memory_space<hbm>>) target(%arg8 : memref<80xi32, #tpu.memory_space<vmem>>) target_semaphore(%arg25 : memref<!tpu.dma_semaphore, #tpu.memory_space<semaphore_mem>>)
        %dma_start3A_250 = arith.constant 0 : i32
        %dma_start3A_251 = arith.constant 0 : i32
        %dma_start3A_252 = tpu.memref_slice %arg4[%add3A_242, %dma_start3A_250, %dma_start3A_251] : memref<4000x1x80xi32, #tpu.memory_space<hbm>> -> memref<1x1x80xi32, #tpu.memory_space<hbm>>
        %dma_start3A_253 = tpu.memref_squeeze %dma_start3A_252 : memref<1x1x80xi32, #tpu.memory_space<hbm>> -> memref<80xi32, #tpu.memory_space<hbm>>
        %dma_start3A_254 = arith.constant 0 : i32
        %dma_start3A_255 = tpu.memref_slice %arg4[%add3A_242, %dma_start3A_250, %dma_start3A_254] : memref<4000x1x80xi32, #tpu.memory_space<hbm>> -> memref<1x1x80xi32, #tpu.memory_space<hbm>>
        %dma_start3A_256 = tpu.memref_squeeze %dma_start3A_255 : memref<1x1x80xi32, #tpu.memory_space<hbm>> -> memref<80xi32, #tpu.memory_space<hbm>>
        tpu.enqueue_dma source(%dma_start3A_256 : memref<80xi32, #tpu.memory_space<hbm>>) target(%arg12 : memref<80xi32, #tpu.memory_space<vmem>>) target_semaphore(%arg25 : memref<!tpu.dma_semaphore, #tpu.memory_space<semaphore_mem>>)
      } else {
      }
      %add3A_177 = arith.constant 2 : i32
      %add3A_178 = arith.addi %add3A_160, %add3A_177 : i32
      %lt3A_179 = arith.constant 125 : i32
      %lt3A_180 = arith.cmpi slt, %add3A_178, %lt3A_179 : i32
      %convert_element_type3A_181 = arith.extui %lt3A_180 : i1 to i32
      %cond3A_182 = arith.constant 0 : i32
      %cond3A_183 = arith.cmpi ne, %convert_element_type3A_181, %cond3A_182 : i32
      scf.if %cond3A_183 {
        %dma_wait3A_238 = arith.constant 0 : i32
        %dma_wait3A_239 = arith.constant 0 : i32
        %dma_wait3A_240 = arith.constant 0 : i32
        %dma_wait3A_241 = tpu.memref_slice %arg3[%dma_wait3A_238, %dma_wait3A_239, %dma_wait3A_240] : memref<4000x1x80xi32, #tpu.memory_space<hbm>> -> memref<1x1x80xi32, #tpu.memory_space<hbm>>
        %dma_wait3A_242 = tpu.memref_squeeze %dma_wait3A_241 : memref<1x1x80xi32, #tpu.memory_space<hbm>> -> memref<80xi32, #tpu.memory_space<hbm>>
        %dma_wait3A_243 = arith.constant 0 : i32
        %dma_wait3A_244 = tpu.memref_slice %arg3[%dma_wait3A_238, %dma_wait3A_239, %dma_wait3A_243] : memref<4000x1x80xi32, #tpu.memory_space<hbm>> -> memref<1x1x80xi32, #tpu.memory_space<hbm>>
        %dma_wait3A_245 = tpu.memref_squeeze %dma_wait3A_244 : memref<1x1x80xi32, #tpu.memory_space<hbm>> -> memref<80xi32, #tpu.memory_space<hbm>>
        tpu.wait_dma2 semaphore(%arg28 : memref<!tpu.dma_semaphore, #tpu.memory_space<semaphore_mem>>) src(%dma_wait3A_245 : memref<80xi32, #tpu.memory_space<hbm>>) dst(%arg11 : memref<80xi32, #tpu.memory_space<vmem>>)
        %dma_wait3A_246 = arith.constant 0 : i32
        %dma_wait3A_247 = arith.constant 0 : i32
        %dma_wait3A_248 = arith.constant 0 : i32
        %dma_wait3A_249 = tpu.memref_slice %arg4[%dma_wait3A_246, %dma_wait3A_247, %dma_wait3A_248] : memref<4000x1x80xi32, #tpu.memory_space<hbm>> -> memref<1x1x80xi32, #tpu.memory_space<hbm>>
        %dma_wait3A_250 = tpu.memref_squeeze %dma_wait3A_249 : memref<1x1x80xi32, #tpu.memory_space<hbm>> -> memref<80xi32, #tpu.memory_space<hbm>>
        %dma_wait3A_251 = arith.constant 0 : i32
        %dma_wait3A_252 = tpu.memref_slice %arg4[%dma_wait3A_246, %dma_wait3A_247, %dma_wait3A_251] : memref<4000x1x80xi32, #tpu.memory_space<hbm>> -> memref<1x1x80xi32, #tpu.memory_space<hbm>>
        %dma_wait3A_253 = tpu.memref_squeeze %dma_wait3A_252 : memref<1x1x80xi32, #tpu.memory_space<hbm>> -> memref<80xi32, #tpu.memory_space<hbm>>
        tpu.wait_dma2 semaphore(%arg28 : memref<!tpu.dma_semaphore, #tpu.memory_space<semaphore_mem>>) src(%dma_wait3A_253 : memref<80xi32, #tpu.memory_space<hbm>>) dst(%arg15 : memref<80xi32, #tpu.memory_space<vmem>>)
        %dma_start3A_254 = arith.constant 0 : i32
        %dma_start3A_255 = arith.constant 0 : i32
        %dma_start3A_256 = tpu.memref_slice %arg2[%dma_start3A_254, %dma_start3A_255] : memref<10000x128xf32, #tpu.memory_space<hbm>> -> memref<10000x128xf32, #tpu.memory_space<hbm>>
        tpu.enqueue_indirect_dma source(%dma_start3A_256 : memref<10000x128xf32, #tpu.memory_space<hbm>>) target(%arg19 : memref<80x128xf32, #tpu.memory_space<vmem>>) offsets(%arg11 : memref<80xi32, #tpu.memory_space<vmem>>) semaphore(%arg24 : memref<!tpu.dma_semaphore, #tpu.memory_space<semaphore_mem>>)
      } else {
      }
      %mul3A_184 = arith.constant 4 : i32
      %mul3A_185 = arith.muli %mul3A_184, %add3A_128 : i32
      %add3A_186 = arith.constant 2 : i32
      %add3A_187 = arith.addi %mul3A_185, %add3A_186 : i32
      %dma_wait3A_188 = arith.constant 0 : i32
      %dma_wait3A_189 = arith.constant 0 : i32
      %dma_wait3A_190 = tpu.memref_slice %arg2[%dma_wait3A_188, %dma_wait3A_189] : memref<10000x128xf32, #tpu.memory_space<hbm>> -> memref<10000x128xf32, #tpu.memory_space<hbm>>
      tpu.wait_indirect_dma semaphore(%arg23 : memref<!tpu.dma_semaphore, #tpu.memory_space<semaphore_mem>>) src(%dma_wait3A_190 : memref<10000x128xf32, #tpu.memory_space<hbm>>) dst(%arg18 : memref<80x128xf32, #tpu.memory_space<vmem>>)
      %dma_start3A_191 = arith.constant 0 : i32
      %dma_start3A_192 = arith.constant 0 : i32
      %dma_start3A_193 = tpu.memref_slice %arg20[%dma_start3A_191, %dma_start3A_192] : memref<10000x128xf32, #tpu.memory_space<vmem_shared>> -> memref<10000x128xf32, #tpu.memory_space<vmem_shared>>
      tpu.enqueue_indirect_dma source(%arg18 : memref<80x128xf32, #tpu.memory_space<vmem>>) target(%dma_start3A_193 : memref<10000x128xf32, #tpu.memory_space<vmem_shared>>) offsets(%arg14 : memref<80xi32, #tpu.memory_space<vmem>>) semaphore(%arg31 : memref<!tpu.dma_semaphore, #tpu.memory_space<semaphore_mem>>) {add = true}
      %dma_wait3A_194 = arith.constant 0 : i32
      %dma_wait3A_195 = arith.constant 0 : i32
      %dma_wait3A_196 = tpu.memref_slice %arg20[%dma_wait3A_194, %dma_wait3A_195] : memref<10000x128xf32, #tpu.memory_space<vmem_shared>> -> memref<10000x128xf32, #tpu.memory_space<vmem_shared>>
      tpu.wait_indirect_dma semaphore(%arg30 : memref<!tpu.dma_semaphore, #tpu.memory_space<semaphore_mem>>) src(%arg17 : memref<80x128xf32, #tpu.memory_space<vmem>>) dst(%dma_wait3A_196 : memref<10000x128xf32, #tpu.memory_space<vmem_shared>>)
      %add3A_197 = arith.constant 3 : i32
      %add3A_198 = arith.addi %add3A_187, %add3A_197 : i32
      %lt3A_199 = arith.constant 125 : i32
      %lt3A_200 = arith.cmpi slt, %add3A_198, %lt3A_199 : i32
      %convert_element_type3A_201 = arith.extui %lt3A_200 : i1 to i32
      %cond3A_202 = arith.constant 0 : i32
      %cond3A_203 = arith.cmpi ne, %convert_element_type3A_201, %cond3A_202 : i32
      scf.if %cond3A_203 {
        %add3A_238 = arith.constant 3 : i32
        %add3A_239 = arith.addi %add3A_187, %add3A_238 : i32
        %mul3A_240 = arith.constant 125 : i32
        %mul3A_241 = arith.muli %add3A, %mul3A_240 : i32
        %add3A_242 = arith.addi %mul3A_241, %add3A_239 : i32
        %dma_start3A_243 = arith.constant 0 : i32
        %dma_start3A_244 = arith.constant 0 : i32
        %dma_start3A_245 = tpu.memref_slice %arg3[%add3A_242, %dma_start3A_243, %dma_start3A_244] : memref<4000x1x80xi32, #tpu.memory_space<hbm>> -> memref<1x1x80xi32, #tpu.memory_space<hbm>>
        %dma_start3A_246 = tpu.memref_squeeze %dma_start3A_245 : memref<1x1x80xi32, #tpu.memory_space<hbm>> -> memref<80xi32, #tpu.memory_space<hbm>>
        %dma_start3A_247 = arith.constant 0 : i32
        %dma_start3A_248 = tpu.memref_slice %arg3[%add3A_242, %dma_start3A_243, %dma_start3A_247] : memref<4000x1x80xi32, #tpu.memory_space<hbm>> -> memref<1x1x80xi32, #tpu.memory_space<hbm>>
        %dma_start3A_249 = tpu.memref_squeeze %dma_start3A_248 : memref<1x1x80xi32, #tpu.memory_space<hbm>> -> memref<80xi32, #tpu.memory_space<hbm>>
        tpu.enqueue_dma source(%dma_start3A_249 : memref<80xi32, #tpu.memory_space<hbm>>) target(%arg9 : memref<80xi32, #tpu.memory_space<vmem>>) target_semaphore(%arg26 : memref<!tpu.dma_semaphore, #tpu.memory_space<semaphore_mem>>)
        %dma_start3A_250 = arith.constant 0 : i32
        %dma_start3A_251 = arith.constant 0 : i32
        %dma_start3A_252 = tpu.memref_slice %arg4[%add3A_242, %dma_start3A_250, %dma_start3A_251] : memref<4000x1x80xi32, #tpu.memory_space<hbm>> -> memref<1x1x80xi32, #tpu.memory_space<hbm>>
        %dma_start3A_253 = tpu.memref_squeeze %dma_start3A_252 : memref<1x1x80xi32, #tpu.memory_space<hbm>> -> memref<80xi32, #tpu.memory_space<hbm>>
        %dma_start3A_254 = arith.constant 0 : i32
        %dma_start3A_255 = tpu.memref_slice %arg4[%add3A_242, %dma_start3A_250, %dma_start3A_254] : memref<4000x1x80xi32, #tpu.memory_space<hbm>> -> memref<1x1x80xi32, #tpu.memory_space<hbm>>
        %dma_start3A_256 = tpu.memref_squeeze %dma_start3A_255 : memref<1x1x80xi32, #tpu.memory_space<hbm>> -> memref<80xi32, #tpu.memory_space<hbm>>
        tpu.enqueue_dma source(%dma_start3A_256 : memref<80xi32, #tpu.memory_space<hbm>>) target(%arg13 : memref<80xi32, #tpu.memory_space<vmem>>) target_semaphore(%arg26 : memref<!tpu.dma_semaphore, #tpu.memory_space<semaphore_mem>>)
      } else {
      }
      %add3A_204 = arith.constant 2 : i32
      %add3A_205 = arith.addi %add3A_187, %add3A_204 : i32
      %lt3A_206 = arith.constant 125 : i32
      %lt3A_207 = arith.cmpi slt, %add3A_205, %lt3A_206 : i32
      %convert_element_type3A_208 = arith.extui %lt3A_207 : i1 to i32
      %cond3A_209 = arith.constant 0 : i32
      %cond3A_210 = arith.cmpi ne, %convert_element_type3A_208, %cond3A_209 : i32
      scf.if %cond3A_210 {
        %dma_wait3A_238 = arith.constant 0 : i32
        %dma_wait3A_239 = arith.constant 0 : i32
        %dma_wait3A_240 = arith.constant 0 : i32
        %dma_wait3A_241 = tpu.memref_slice %arg3[%dma_wait3A_238, %dma_wait3A_239, %dma_wait3A_240] : memref<4000x1x80xi32, #tpu.memory_space<hbm>> -> memref<1x1x80xi32, #tpu.memory_space<hbm>>
        %dma_wait3A_242 = tpu.memref_squeeze %dma_wait3A_241 : memref<1x1x80xi32, #tpu.memory_space<hbm>> -> memref<80xi32, #tpu.memory_space<hbm>>
        %dma_wait3A_243 = arith.constant 0 : i32
        %dma_wait3A_244 = tpu.memref_slice %arg3[%dma_wait3A_238, %dma_wait3A_239, %dma_wait3A_243] : memref<4000x1x80xi32, #tpu.memory_space<hbm>> -> memref<1x1x80xi32, #tpu.memory_space<hbm>>
        %dma_wait3A_245 = tpu.memref_squeeze %dma_wait3A_244 : memref<1x1x80xi32, #tpu.memory_space<hbm>> -> memref<80xi32, #tpu.memory_space<hbm>>
        tpu.wait_dma2 semaphore(%arg25 : memref<!tpu.dma_semaphore, #tpu.memory_space<semaphore_mem>>) src(%dma_wait3A_245 : memref<80xi32, #tpu.memory_space<hbm>>) dst(%arg8 : memref<80xi32, #tpu.memory_space<vmem>>)
        %dma_wait3A_246 = arith.constant 0 : i32
        %dma_wait3A_247 = arith.constant 0 : i32
        %dma_wait3A_248 = arith.constant 0 : i32
        %dma_wait3A_249 = tpu.memref_slice %arg4[%dma_wait3A_246, %dma_wait3A_247, %dma_wait3A_248] : memref<4000x1x80xi32, #tpu.memory_space<hbm>> -> memref<1x1x80xi32, #tpu.memory_space<hbm>>
        %dma_wait3A_250 = tpu.memref_squeeze %dma_wait3A_249 : memref<1x1x80xi32, #tpu.memory_space<hbm>> -> memref<80xi32, #tpu.memory_space<hbm>>
        %dma_wait3A_251 = arith.constant 0 : i32
        %dma_wait3A_252 = tpu.memref_slice %arg4[%dma_wait3A_246, %dma_wait3A_247, %dma_wait3A_251] : memref<4000x1x80xi32, #tpu.memory_space<hbm>> -> memref<1x1x80xi32, #tpu.memory_space<hbm>>
        %dma_wait3A_253 = tpu.memref_squeeze %dma_wait3A_252 : memref<1x1x80xi32, #tpu.memory_space<hbm>> -> memref<80xi32, #tpu.memory_space<hbm>>
        tpu.wait_dma2 semaphore(%arg25 : memref<!tpu.dma_semaphore, #tpu.memory_space<semaphore_mem>>) src(%dma_wait3A_253 : memref<80xi32, #tpu.memory_space<hbm>>) dst(%arg12 : memref<80xi32, #tpu.memory_space<vmem>>)
        %dma_start3A_254 = arith.constant 0 : i32
        %dma_start3A_255 = arith.constant 0 : i32
        %dma_start3A_256 = tpu.memref_slice %arg2[%dma_start3A_254, %dma_start3A_255] : memref<10000x128xf32, #tpu.memory_space<hbm>> -> memref<10000x128xf32, #tpu.memory_space<hbm>>
        tpu.enqueue_indirect_dma source(%dma_start3A_256 : memref<10000x128xf32, #tpu.memory_space<hbm>>) target(%arg16 : memref<80x128xf32, #tpu.memory_space<vmem>>) offsets(%arg8 : memref<80xi32, #tpu.memory_space<vmem>>) semaphore(%arg21 : memref<!tpu.dma_semaphore, #tpu.memory_space<semaphore_mem>>)
      } else {
      }
      %mul3A_211 = arith.constant 4 : i32
      %mul3A_212 = arith.muli %mul3A_211, %add3A_128 : i32
      %add3A_213 = arith.constant 3 : i32
      %add3A_214 = arith.addi %mul3A_212, %add3A_213 : i32
      %dma_wait3A_215 = arith.constant 0 : i32
      %dma_wait3A_216 = arith.constant 0 : i32
      %dma_wait3A_217 = tpu.memref_slice %arg2[%dma_wait3A_215, %dma_wait3A_216] : memref<10000x128xf32, #tpu.memory_space<hbm>> -> memref<10000x128xf32, #tpu.memory_space<hbm>>
      tpu.wait_indirect_dma semaphore(%arg24 : memref<!tpu.dma_semaphore, #tpu.memory_space<semaphore_mem>>) src(%dma_wait3A_217 : memref<10000x128xf32, #tpu.memory_space<hbm>>) dst(%arg19 : memref<80x128xf32, #tpu.memory_space<vmem>>)
      %dma_start3A_218 = arith.constant 0 : i32
      %dma_start3A_219 = arith.constant 0 : i32
      %dma_start3A_220 = tpu.memref_slice %arg20[%dma_start3A_218, %dma_start3A_219] : memref<10000x128xf32, #tpu.memory_space<vmem_shared>> -> memref<10000x128xf32, #tpu.memory_space<vmem_shared>>
      tpu.enqueue_indirect_dma source(%arg19 : memref<80x128xf32, #tpu.memory_space<vmem>>) target(%dma_start3A_220 : memref<10000x128xf32, #tpu.memory_space<vmem_shared>>) offsets(%arg15 : memref<80xi32, #tpu.memory_space<vmem>>) semaphore(%arg32 : memref<!tpu.dma_semaphore, #tpu.memory_space<semaphore_mem>>) {add = true}
      %dma_wait3A_221 = arith.constant 0 : i32
      %dma_wait3A_222 = arith.constant 0 : i32
      %dma_wait3A_223 = tpu.memref_slice %arg20[%dma_wait3A_221, %dma_wait3A_222] : memref<10000x128xf32, #tpu.memory_space<vmem_shared>> -> memref<10000x128xf32, #tpu.memory_space<vmem_shared>>
      tpu.wait_indirect_dma semaphore(%arg31 : memref<!tpu.dma_semaphore, #tpu.memory_space<semaphore_mem>>) src(%arg18 : memref<80x128xf32, #tpu.memory_space<vmem>>) dst(%dma_wait3A_223 : memref<10000x128xf32, #tpu.memory_space<vmem_shared>>)
      %add3A_224 = arith.constant 3 : i32
      %add3A_225 = arith.addi %add3A_214, %add3A_224 : i32
      %lt3A_226 = arith.constant 125 : i32
      %lt3A_227 = arith.cmpi slt, %add3A_225, %lt3A_226 : i32
      %convert_element_type3A_228 = arith.extui %lt3A_227 : i1 to i32
      %cond3A_229 = arith.constant 0 : i32
      %cond3A_230 = arith.cmpi ne, %convert_element_type3A_228, %cond3A_229 : i32
      scf.if %cond3A_230 {
        %add3A_238 = arith.constant 3 : i32
        %add3A_239 = arith.addi %add3A_214, %add3A_238 : i32
        %mul3A_240 = arith.constant 125 : i32
        %mul3A_241 = arith.muli %add3A, %mul3A_240 : i32
        %add3A_242 = arith.addi %mul3A_241, %add3A_239 : i32
        %dma_start3A_243 = arith.constant 0 : i32
        %dma_start3A_244 = arith.constant 0 : i32
        %dma_start3A_245 = tpu.memref_slice %arg3[%add3A_242, %dma_start3A_243, %dma_start3A_244] : memref<4000x1x80xi32, #tpu.memory_space<hbm>> -> memref<1x1x80xi32, #tpu.memory_space<hbm>>
        %dma_start3A_246 = tpu.memref_squeeze %dma_start3A_245 : memref<1x1x80xi32, #tpu.memory_space<hbm>> -> memref<80xi32, #tpu.memory_space<hbm>>
        %dma_start3A_247 = arith.constant 0 : i32
        %dma_start3A_248 = tpu.memref_slice %arg3[%add3A_242, %dma_start3A_243, %dma_start3A_247] : memref<4000x1x80xi32, #tpu.memory_space<hbm>> -> memref<1x1x80xi32, #tpu.memory_space<hbm>>
        %dma_start3A_249 = tpu.memref_squeeze %dma_start3A_248 : memref<1x1x80xi32, #tpu.memory_space<hbm>> -> memref<80xi32, #tpu.memory_space<hbm>>
        tpu.enqueue_dma source(%dma_start3A_249 : memref<80xi32, #tpu.memory_space<hbm>>) target(%arg10 : memref<80xi32, #tpu.memory_space<vmem>>) target_semaphore(%arg27 : memref<!tpu.dma_semaphore, #tpu.memory_space<semaphore_mem>>)
        %dma_start3A_250 = arith.constant 0 : i32
        %dma_start3A_251 = arith.constant 0 : i32
        %dma_start3A_252 = tpu.memref_slice %arg4[%add3A_242, %dma_start3A_250, %dma_start3A_251] : memref<4000x1x80xi32, #tpu.memory_space<hbm>> -> memref<1x1x80xi32, #tpu.memory_space<hbm>>
        %dma_start3A_253 = tpu.memref_squeeze %dma_start3A_252 : memref<1x1x80xi32, #tpu.memory_space<hbm>> -> memref<80xi32, #tpu.memory_space<hbm>>
        %dma_start3A_254 = arith.constant 0 : i32
        %dma_start3A_255 = tpu.memref_slice %arg4[%add3A_242, %dma_start3A_250, %dma_start3A_254] : memref<4000x1x80xi32, #tpu.memory_space<hbm>> -> memref<1x1x80xi32, #tpu.memory_space<hbm>>
        %dma_start3A_256 = tpu.memref_squeeze %dma_start3A_255 : memref<1x1x80xi32, #tpu.memory_space<hbm>> -> memref<80xi32, #tpu.memory_space<hbm>>
        tpu.enqueue_dma source(%dma_start3A_256 : memref<80xi32, #tpu.memory_space<hbm>>) target(%arg14 : memref<80xi32, #tpu.memory_space<vmem>>) target_semaphore(%arg27 : memref<!tpu.dma_semaphore, #tpu.memory_space<semaphore_mem>>)
      } else {
      }
      %add3A_231 = arith.constant 2 : i32
      %add3A_232 = arith.addi %add3A_214, %add3A_231 : i32
      %lt3A_233 = arith.constant 125 : i32
      %lt3A_234 = arith.cmpi slt, %add3A_232, %lt3A_233 : i32
      %convert_element_type3A_235 = arith.extui %lt3A_234 : i1 to i32
      %cond3A_236 = arith.constant 0 : i32
      %cond3A_237 = arith.cmpi ne, %convert_element_type3A_235, %cond3A_236 : i32
      scf.if %cond3A_237 {
        %dma_wait3A_238 = arith.constant 0 : i32
        %dma_wait3A_239 = arith.constant 0 : i32
        %dma_wait3A_240 = arith.constant 0 : i32
        %dma_wait3A_241 = tpu.memref_slice %arg3[%dma_wait3A_238, %dma_wait3A_239, %dma_wait3A_240] : memref<4000x1x80xi32, #tpu.memory_space<hbm>> -> memref<1x1x80xi32, #tpu.memory_space<hbm>>
        %dma_wait3A_242 = tpu.memref_squeeze %dma_wait3A_241 : memref<1x1x80xi32, #tpu.memory_space<hbm>> -> memref<80xi32, #tpu.memory_space<hbm>>
        %dma_wait3A_243 = arith.constant 0 : i32
        %dma_wait3A_244 = tpu.memref_slice %arg3[%dma_wait3A_238, %dma_wait3A_239, %dma_wait3A_243] : memref<4000x1x80xi32, #tpu.memory_space<hbm>> -> memref<1x1x80xi32, #tpu.memory_space<hbm>>
        %dma_wait3A_245 = tpu.memref_squeeze %dma_wait3A_244 : memref<1x1x80xi32, #tpu.memory_space<hbm>> -> memref<80xi32, #tpu.memory_space<hbm>>
        tpu.wait_dma2 semaphore(%arg26 : memref<!tpu.dma_semaphore, #tpu.memory_space<semaphore_mem>>) src(%dma_wait3A_245 : memref<80xi32, #tpu.memory_space<hbm>>) dst(%arg9 : memref<80xi32, #tpu.memory_space<vmem>>)
        %dma_wait3A_246 = arith.constant 0 : i32
        %dma_wait3A_247 = arith.constant 0 : i32
        %dma_wait3A_248 = arith.constant 0 : i32
        %dma_wait3A_249 = tpu.memref_slice %arg4[%dma_wait3A_246, %dma_wait3A_247, %dma_wait3A_248] : memref<4000x1x80xi32, #tpu.memory_space<hbm>> -> memref<1x1x80xi32, #tpu.memory_space<hbm>>
        %dma_wait3A_250 = tpu.memref_squeeze %dma_wait3A_249 : memref<1x1x80xi32, #tpu.memory_space<hbm>> -> memref<80xi32, #tpu.memory_space<hbm>>
        %dma_wait3A_251 = arith.constant 0 : i32
        %dma_wait3A_252 = tpu.memref_slice %arg4[%dma_wait3A_246, %dma_wait3A_247, %dma_wait3A_251] : memref<4000x1x80xi32, #tpu.memory_space<hbm>> -> memref<1x1x80xi32, #tpu.memory_space<hbm>>
        %dma_wait3A_253 = tpu.memref_squeeze %dma_wait3A_252 : memref<1x1x80xi32, #tpu.memory_space<hbm>> -> memref<80xi32, #tpu.memory_space<hbm>>
        tpu.wait_dma2 semaphore(%arg26 : memref<!tpu.dma_semaphore, #tpu.memory_space<semaphore_mem>>) src(%dma_wait3A_253 : memref<80xi32, #tpu.memory_space<hbm>>) dst(%arg13 : memref<80xi32, #tpu.memory_space<vmem>>)
        %dma_start3A_254 = arith.constant 0 : i32
        %dma_start3A_255 = arith.constant 0 : i32
        %dma_start3A_256 = tpu.memref_slice %arg2[%dma_start3A_254, %dma_start3A_255] : memref<10000x128xf32, #tpu.memory_space<hbm>> -> memref<10000x128xf32, #tpu.memory_space<hbm>>
        tpu.enqueue_indirect_dma source(%dma_start3A_256 : memref<10000x128xf32, #tpu.memory_space<hbm>>) target(%arg17 : memref<80x128xf32, #tpu.memory_space<vmem>>) offsets(%arg9 : memref<80xi32, #tpu.memory_space<vmem>>) semaphore(%arg22 : memref<!tpu.dma_semaphore, #tpu.memory_space<semaphore_mem>>)
      } else {
      }
    }
    %scan3A_100 = arith.constant 31 : i32
    %dma_wait3A_101 = arith.constant 0 : i32
    %dma_wait3A_102 = arith.constant 0 : i32
    %dma_wait3A_103 = tpu.memref_slice %arg2[%dma_wait3A_101, %dma_wait3A_102] : memref<10000x128xf32, #tpu.memory_space<hbm>> -> memref<10000x128xf32, #tpu.memory_space<hbm>>
    tpu.wait_indirect_dma semaphore(%arg21 : memref<!tpu.dma_semaphore, #tpu.memory_space<semaphore_mem>>) src(%dma_wait3A_103 : memref<10000x128xf32, #tpu.memory_space<hbm>>) dst(%arg16 : memref<80x128xf32, #tpu.memory_space<vmem>>)
    %dma_start3A_104 = arith.constant 0 : i32
    %dma_start3A_105 = arith.constant 0 : i32
    %dma_start3A_106 = tpu.memref_slice %arg20[%dma_start3A_104, %dma_start3A_105] : memref<10000x128xf32, #tpu.memory_space<vmem_shared>> -> memref<10000x128xf32, #tpu.memory_space<vmem_shared>>
    tpu.enqueue_indirect_dma source(%arg16 : memref<80x128xf32, #tpu.memory_space<vmem>>) target(%dma_start3A_106 : memref<10000x128xf32, #tpu.memory_space<vmem_shared>>) offsets(%arg12 : memref<80xi32, #tpu.memory_space<vmem>>) semaphore(%arg29 : memref<!tpu.dma_semaphore, #tpu.memory_space<semaphore_mem>>) {add = true}
    %dma_wait3A_107 = arith.constant 0 : i32
    %dma_wait3A_108 = arith.constant 0 : i32
    %dma_wait3A_109 = tpu.memref_slice %arg20[%dma_wait3A_107, %dma_wait3A_108] : memref<10000x128xf32, #tpu.memory_space<vmem_shared>> -> memref<10000x128xf32, #tpu.memory_space<vmem_shared>>
    tpu.wait_indirect_dma semaphore(%arg32 : memref<!tpu.dma_semaphore, #tpu.memory_space<semaphore_mem>>) src(%arg19 : memref<80x128xf32, #tpu.memory_space<vmem>>) dst(%dma_wait3A_109 : memref<10000x128xf32, #tpu.memory_space<vmem_shared>>)
    %dma_wait3A_110 = arith.constant 0 : i32
    %dma_wait3A_111 = arith.constant 0 : i32
    %dma_wait3A_112 = tpu.memref_slice %arg20[%dma_wait3A_110, %dma_wait3A_111] : memref<10000x128xf32, #tpu.memory_space<vmem_shared>> -> memref<10000x128xf32, #tpu.memory_space<vmem_shared>>
    tpu.wait_indirect_dma semaphore(%arg29 : memref<!tpu.dma_semaphore, #tpu.memory_space<semaphore_mem>>) src(%arg16 : memref<80x128xf32, #tpu.memory_space<vmem>>) dst(%dma_wait3A_112 : memref<10000x128xf32, #tpu.memory_space<vmem_shared>>)
    %barrier3A_113 = arith.constant 0 : index
    tpu.barrier barrier_id(%barrier3A_113)
    %lt3A_114 = arith.constant 15 : i32
    %lt3A_115 = arith.cmpi slt, %arg1, %lt3A_114 : i32
    %convert_element_type3A_116 = arith.extui %lt3A_115 : i1 to i32
    %cond3A_117 = arith.constant 0 : i32
    %cond3A_118 = arith.cmpi ne, %convert_element_type3A_116, %cond3A_117 : i32
    scf.if %cond3A_118 {
      %mul3A_124 = arith.constant 640 : i32
      %mul3A_125 = arith.muli %arg1, %mul3A_124 : i32
      %mul3A_126 = arith.constant 640 : i32
      %mul3A_127 = arith.muli %arg1, %mul3A_126 : i32
      "tpu.region"() ({
        %run_scoped3A = tpu.sem_alloc : memref<!tpu.dma_semaphore, #tpu.memory_space<semaphore_mem>>
        %dma_start3A_128 = arith.constant 0 : i32
        %dma_start3A_129 = tpu.memref_slice %arg7[%arg0, %mul3A_127, %dma_start3A_128] : memref<2x10000x128xf32, #tpu.memory_space<hbm>> -> memref<1x640x128xf32, #tpu.memory_space<hbm>>
        %dma_start3A_130 = tpu.memref_squeeze %dma_start3A_129 : memref<1x640x128xf32, #tpu.memory_space<hbm>> -> memref<640x128xf32, #tpu.memory_space<hbm>>
        %dma_start3A_131 = arith.constant 0 : i32
        %dma_start3A_132 = tpu.memref_slice %arg20[%mul3A_125, %dma_start3A_131] : memref<10000x128xf32, #tpu.memory_space<vmem_shared>> -> memref<640x128xf32, #tpu.memory_space<vmem_shared>>
        tpu.enqueue_dma source(%dma_start3A_132 : memref<640x128xf32, #tpu.memory_space<vmem_shared>>) target(%dma_start3A_130 : memref<640x128xf32, #tpu.memory_space<hbm>>) target_semaphore(%run_scoped3A : memref<!tpu.dma_semaphore, #tpu.memory_space<semaphore_mem>>)
        %dma_wait3A_133 = arith.constant 0 : i32
        %dma_wait3A_134 = tpu.memref_slice %arg7[%arg0, %mul3A_127, %dma_wait3A_133] : memref<2x10000x128xf32, #tpu.memory_space<hbm>> -> memref<1x640x128xf32, #tpu.memory_space<hbm>>
        %dma_wait3A_135 = tpu.memref_squeeze %dma_wait3A_134 : memref<1x640x128xf32, #tpu.memory_space<hbm>> -> memref<640x128xf32, #tpu.memory_space<hbm>>
        %dma_wait3A_136 = arith.constant 0 : i32
        %dma_wait3A_137 = tpu.memref_slice %arg20[%mul3A_125, %dma_wait3A_136] : memref<10000x128xf32, #tpu.memory_space<vmem_shared>> -> memref<640x128xf32, #tpu.memory_space<vmem_shared>>
        tpu.wait_dma2 semaphore(%run_scoped3A : memref<!tpu.dma_semaphore, #tpu.memory_space<semaphore_mem>>) src(%dma_wait3A_137 : memref<640x128xf32, #tpu.memory_space<vmem_shared>>) dst(%dma_wait3A_135 : memref<640x128xf32, #tpu.memory_space<hbm>>)
        tpu.yield
      }) : () -> ()
    } else {
    }
    %eq3A_119 = arith.constant 15 : i32
    %eq3A_120 = arith.cmpi eq, %arg1, %eq3A_119 : i32
    %convert_element_type3A_121 = arith.extui %eq3A_120 : i1 to i32
    %cond3A_122 = arith.constant 0 : i32
    %cond3A_123 = arith.cmpi ne, %convert_element_type3A_121, %cond3A_122 : i32
    scf.if %cond3A_123 {
      "tpu.region"() ({
        %run_scoped3A = tpu.sem_alloc : memref<!tpu.dma_semaphore, #tpu.memory_space<semaphore_mem>>
        %dma_start3A_124 = arith.constant 9600 : i32
        %dma_start3A_125 = arith.constant 0 : i32
        %dma_start3A_126 = tpu.memref_slice %arg7[%arg0, %dma_start3A_124, %dma_start3A_125] : memref<2x10000x128xf32, #tpu.memory_space<hbm>> -> memref<1x400x128xf32, #tpu.memory_space<hbm>>
        %dma_start3A_127 = tpu.memref_squeeze %dma_start3A_126 : memref<1x400x128xf32, #tpu.memory_space<hbm>> -> memref<400x128xf32, #tpu.memory_space<hbm>>
        %dma_start3A_128 = arith.constant 9600 : i32
        %dma_start3A_129 = arith.constant 0 : i32
        %dma_start3A_130 = tpu.memref_slice %arg20[%dma_start3A_128, %dma_start3A_129] : memref<10000x128xf32, #tpu.memory_space<vmem_shared>> -> memref<400x128xf32, #tpu.memory_space<vmem_shared>>
        tpu.enqueue_dma source(%dma_start3A_130 : memref<400x128xf32, #tpu.memory_space<vmem_shared>>) target(%dma_start3A_127 : memref<400x128xf32, #tpu.memory_space<hbm>>) target_semaphore(%run_scoped3A : memref<!tpu.dma_semaphore, #tpu.memory_space<semaphore_mem>>)
        %dma_wait3A_131 = arith.constant 9600 : i32
        %dma_wait3A_132 = arith.constant 0 : i32
        %dma_wait3A_133 = tpu.memref_slice %arg7[%arg0, %dma_wait3A_131, %dma_wait3A_132] : memref<2x10000x128xf32, #tpu.memory_space<hbm>> -> memref<1x400x128xf32, #tpu.memory_space<hbm>>
        %dma_wait3A_134 = tpu.memref_squeeze %dma_wait3A_133 : memref<1x400x128xf32, #tpu.memory_space<hbm>> -> memref<400x128xf32, #tpu.memory_space<hbm>>
        %dma_wait3A_135 = arith.constant 9600 : i32
        %dma_wait3A_136 = arith.constant 0 : i32
        %dma_wait3A_137 = tpu.memref_slice %arg20[%dma_wait3A_135, %dma_wait3A_136] : memref<10000x128xf32, #tpu.memory_space<vmem_shared>> -> memref<400x128xf32, #tpu.memory_space<vmem_shared>>
        tpu.wait_dma2 semaphore(%run_scoped3A : memref<!tpu.dma_semaphore, #tpu.memory_space<semaphore_mem>>) src(%dma_wait3A_137 : memref<400x128xf32, #tpu.memory_space<vmem_shared>>) dst(%dma_wait3A_134 : memref<400x128xf32, #tpu.memory_space<hbm>>)
        tpu.yield
      }) : () -> ()
    } else {
    }
    return
  }
}

#map = affine_map<(d0, d1) -> (0, 0, 0)>
#map1 = affine_map<(d0, d1) -> (0, 0)>
module attributes {stable_mosaic.version = 14 : i64} {
  func.func @_sc_deg(%arg0: i32, %arg1: i32, %arg2: memref<32x125x80xi32, #tpu.memory_space<hbm>>, %arg3: memref<80x128xf32, #tpu.memory_space<hbm>>, %arg4: memref<10000x128xf32, #tpu.memory_space<hbm>>, %arg5: memref<2x10000x128xf32, #tpu.memory_space<hbm>>, %arg6: memref<125x80xi32, #tpu.memory_space<vmem>>, %arg7: memref<80x128xf32, #tpu.memory_space<vmem>>, %arg8: memref<10000x128xf32, #tpu.memory_space<vmem_shared>>) attributes {dimension_semantics = [#tpu.dimension_semantics<core_parallel>, #tpu.dimension_semantics<subcore_parallel>], iteration_bounds = array<i64: 2, 16>, scalar_prefetch = 0 : i64, scratch_operands = 3 : i64, tpu.core_type = #tpu.core_type<sc_vector_subcore>, window_params = [{transform_indices = #map}, {transform_indices = #map1}, {transform_indices = #map1}, {transform_indices = #map}]} {
    %mul3A = arith.constant 16 : i32
    %mul3A_0 = arith.muli %arg0, %mul3A : i32
    %add3A = arith.addi %mul3A_0, %arg1 : i32
    "tpu.region"() ({
      %run_scoped3A = tpu.sem_alloc : memref<!tpu.dma_semaphore, #tpu.memory_space<semaphore_mem>>
      %dma_start3A = arith.constant 0 : i32
      %dma_start3A_22 = arith.constant 0 : i32
      %dma_start3A_23 = tpu.memref_slice %arg2[%add3A, %dma_start3A, %dma_start3A_22] : memref<32x125x80xi32, #tpu.memory_space<hbm>> -> memref<1x125x80xi32, #tpu.memory_space<hbm>>
      %dma_start3A_24 = tpu.memref_squeeze %dma_start3A_23 : memref<1x125x80xi32, #tpu.memory_space<hbm>> -> memref<125x80xi32, #tpu.memory_space<hbm>>
      %dma_start3A_25 = arith.constant 0 : i32
      %dma_start3A_26 = arith.constant 0 : i32
      %dma_start3A_27 = tpu.memref_slice %arg2[%add3A, %dma_start3A_25, %dma_start3A_26] : memref<32x125x80xi32, #tpu.memory_space<hbm>> -> memref<1x125x80xi32, #tpu.memory_space<hbm>>
      %dma_start3A_28 = tpu.memref_squeeze %dma_start3A_27 : memref<1x125x80xi32, #tpu.memory_space<hbm>> -> memref<125x80xi32, #tpu.memory_space<hbm>>
      tpu.enqueue_dma source(%dma_start3A_28 : memref<125x80xi32, #tpu.memory_space<hbm>>) target(%arg6 : memref<125x80xi32, #tpu.memory_space<vmem>>) target_semaphore(%run_scoped3A : memref<!tpu.dma_semaphore, #tpu.memory_space<semaphore_mem>>)
      %dma_wait3A = arith.constant 0 : i32
      %dma_wait3A_29 = arith.constant 0 : i32
      %dma_wait3A_30 = tpu.memref_slice %arg2[%add3A, %dma_wait3A, %dma_wait3A_29] : memref<32x125x80xi32, #tpu.memory_space<hbm>> -> memref<1x125x80xi32, #tpu.memory_space<hbm>>
      %dma_wait3A_31 = tpu.memref_squeeze %dma_wait3A_30 : memref<1x125x80xi32, #tpu.memory_space<hbm>> -> memref<125x80xi32, #tpu.memory_space<hbm>>
      %dma_wait3A_32 = arith.constant 0 : i32
      %dma_wait3A_33 = arith.constant 0 : i32
      %dma_wait3A_34 = tpu.memref_slice %arg2[%add3A, %dma_wait3A_32, %dma_wait3A_33] : memref<32x125x80xi32, #tpu.memory_space<hbm>> -> memref<1x125x80xi32, #tpu.memory_space<hbm>>
      %dma_wait3A_35 = tpu.memref_squeeze %dma_wait3A_34 : memref<1x125x80xi32, #tpu.memory_space<hbm>> -> memref<125x80xi32, #tpu.memory_space<hbm>>
      tpu.wait_dma2 semaphore(%run_scoped3A : memref<!tpu.dma_semaphore, #tpu.memory_space<semaphore_mem>>) src(%dma_wait3A_35 : memref<125x80xi32, #tpu.memory_space<hbm>>) dst(%arg6 : memref<125x80xi32, #tpu.memory_space<vmem>>)
      tpu.yield
    }) : () -> ()
    "tpu.region"() ({
      %run_scoped3A = tpu.sem_alloc : memref<!tpu.dma_semaphore, #tpu.memory_space<semaphore_mem>>
      tpu.enqueue_dma source(%arg3 : memref<80x128xf32, #tpu.memory_space<hbm>>) target(%arg7 : memref<80x128xf32, #tpu.memory_space<vmem>>) target_semaphore(%run_scoped3A : memref<!tpu.dma_semaphore, #tpu.memory_space<semaphore_mem>>)
      tpu.wait_dma2 semaphore(%run_scoped3A : memref<!tpu.dma_semaphore, #tpu.memory_space<semaphore_mem>>) src(%arg3 : memref<80x128xf32, #tpu.memory_space<hbm>>) dst(%arg7 : memref<80x128xf32, #tpu.memory_space<vmem>>)
      tpu.yield
    }) : () -> ()
    %lt3A = arith.constant 15 : i32
    %lt3A_1 = arith.cmpi slt, %arg1, %lt3A : i32
    %convert_element_type3A = arith.extui %lt3A_1 : i1 to i32
    %cond3A = arith.constant 0 : i32
    %cond3A_2 = arith.cmpi ne, %convert_element_type3A, %cond3A : i32
    scf.if %cond3A_2 {
      %mul3A_22 = arith.constant 640 : i32
      %mul3A_23 = arith.muli %arg1, %mul3A_22 : i32
      %mul3A_24 = arith.constant 640 : i32
      %mul3A_25 = arith.muli %arg1, %mul3A_24 : i32
      "tpu.region"() ({
        %run_scoped3A = tpu.sem_alloc : memref<!tpu.dma_semaphore, #tpu.memory_space<semaphore_mem>>
        %dma_start3A = arith.constant 0 : i32
        %dma_start3A_26 = tpu.memref_slice %arg8[%mul3A_25, %dma_start3A] : memref<10000x128xf32, #tpu.memory_space<vmem_shared>> -> memref<640x128xf32, #tpu.memory_space<vmem_shared>>
        %dma_start3A_27 = arith.constant 0 : i32
        %dma_start3A_28 = tpu.memref_slice %arg4[%mul3A_23, %dma_start3A_27] : memref<10000x128xf32, #tpu.memory_space<hbm>> -> memref<640x128xf32, #tpu.memory_space<hbm>>
        tpu.enqueue_dma source(%dma_start3A_28 : memref<640x128xf32, #tpu.memory_space<hbm>>) target(%dma_start3A_26 : memref<640x128xf32, #tpu.memory_space<vmem_shared>>) target_semaphore(%run_scoped3A : memref<!tpu.dma_semaphore, #tpu.memory_space<semaphore_mem>>)
        %dma_wait3A = arith.constant 0 : i32
        %dma_wait3A_29 = tpu.memref_slice %arg8[%mul3A_25, %dma_wait3A] : memref<10000x128xf32, #tpu.memory_space<vmem_shared>> -> memref<640x128xf32, #tpu.memory_space<vmem_shared>>
        %dma_wait3A_30 = arith.constant 0 : i32
        %dma_wait3A_31 = tpu.memref_slice %arg4[%mul3A_23, %dma_wait3A_30] : memref<10000x128xf32, #tpu.memory_space<hbm>> -> memref<640x128xf32, #tpu.memory_space<hbm>>
        tpu.wait_dma2 semaphore(%run_scoped3A : memref<!tpu.dma_semaphore, #tpu.memory_space<semaphore_mem>>) src(%dma_wait3A_31 : memref<640x128xf32, #tpu.memory_space<hbm>>) dst(%dma_wait3A_29 : memref<640x128xf32, #tpu.memory_space<vmem_shared>>)
        tpu.yield
      }) : () -> ()
    } else {
    }
    %eq3A = arith.constant 15 : i32
    %eq3A_3 = arith.cmpi eq, %arg1, %eq3A : i32
    %convert_element_type3A_4 = arith.extui %eq3A_3 : i1 to i32
    %cond3A_5 = arith.constant 0 : i32
    %cond3A_6 = arith.cmpi ne, %convert_element_type3A_4, %cond3A_5 : i32
    scf.if %cond3A_6 {
      "tpu.region"() ({
        %run_scoped3A = tpu.sem_alloc : memref<!tpu.dma_semaphore, #tpu.memory_space<semaphore_mem>>
        %dma_start3A = arith.constant 9600 : i32
        %dma_start3A_22 = arith.constant 0 : i32
        %dma_start3A_23 = tpu.memref_slice %arg8[%dma_start3A, %dma_start3A_22] : memref<10000x128xf32, #tpu.memory_space<vmem_shared>> -> memref<400x128xf32, #tpu.memory_space<vmem_shared>>
        %dma_start3A_24 = arith.constant 9600 : i32
        %dma_start3A_25 = arith.constant 0 : i32
        %dma_start3A_26 = tpu.memref_slice %arg4[%dma_start3A_24, %dma_start3A_25] : memref<10000x128xf32, #tpu.memory_space<hbm>> -> memref<400x128xf32, #tpu.memory_space<hbm>>
        tpu.enqueue_dma source(%dma_start3A_26 : memref<400x128xf32, #tpu.memory_space<hbm>>) target(%dma_start3A_23 : memref<400x128xf32, #tpu.memory_space<vmem_shared>>) target_semaphore(%run_scoped3A : memref<!tpu.dma_semaphore, #tpu.memory_space<semaphore_mem>>)
        %dma_wait3A = arith.constant 9600 : i32
        %dma_wait3A_27 = arith.constant 0 : i32
        %dma_wait3A_28 = tpu.memref_slice %arg8[%dma_wait3A, %dma_wait3A_27] : memref<10000x128xf32, #tpu.memory_space<vmem_shared>> -> memref<400x128xf32, #tpu.memory_space<vmem_shared>>
        %dma_wait3A_29 = arith.constant 9600 : i32
        %dma_wait3A_30 = arith.constant 0 : i32
        %dma_wait3A_31 = tpu.memref_slice %arg4[%dma_wait3A_29, %dma_wait3A_30] : memref<10000x128xf32, #tpu.memory_space<hbm>> -> memref<400x128xf32, #tpu.memory_space<hbm>>
        tpu.wait_dma2 semaphore(%run_scoped3A : memref<!tpu.dma_semaphore, #tpu.memory_space<semaphore_mem>>) src(%dma_wait3A_31 : memref<400x128xf32, #tpu.memory_space<hbm>>) dst(%dma_wait3A_28 : memref<400x128xf32, #tpu.memory_space<vmem_shared>>)
        tpu.yield
      }) : () -> ()
    } else {
    }
    %barrier3A = arith.constant 0 : index
    tpu.barrier barrier_id(%barrier3A)
    %scan3A = arith.constant 0 : i32
    %scan3A_7 = arith.constant 125 : i32
    %scan3A_8 = arith.addi %scan3A, %scan3A_7 : i32
    %scan3A_9 = arith.constant 1 : i32
    scf.for %scan3A_22 = %scan3A to %scan3A_8 step %scan3A_9  : i32 {
      %mul3A_23 = arith.constant 1 : i32
      %mul3A_24 = arith.muli %scan3A_22, %mul3A_23 : i32
      %add3A_25 = arith.constant 0 : i32
      %add3A_26 = arith.addi %add3A_25, %mul3A_24 : i32
      "tpu.region"() ({
        %run_scoped3A = tpu.sem_alloc : memref<!tpu.dma_semaphore, #tpu.memory_space<semaphore_mem>>
        %dma_start3A = arith.constant 0 : i32
        %dma_start3A_27 = tpu.memref_slice %arg6[%add3A_26, %dma_start3A] : memref<125x80xi32, #tpu.memory_space<vmem>> -> memref<1x80xi32, #tpu.memory_space<vmem>>
        %dma_start3A_28 = tpu.memref_squeeze %dma_start3A_27 : memref<1x80xi32, #tpu.memory_space<vmem>> -> memref<80xi32, #tpu.memory_space<vmem>>
        %dma_start3A_29 = arith.constant 0 : i32
        %dma_start3A_30 = arith.constant 0 : i32
        %dma_start3A_31 = tpu.memref_slice %arg8[%dma_start3A_29, %dma_start3A_30] : memref<10000x128xf32, #tpu.memory_space<vmem_shared>> -> memref<10000x128xf32, #tpu.memory_space<vmem_shared>>
        tpu.enqueue_indirect_dma source(%arg7 : memref<80x128xf32, #tpu.memory_space<vmem>>) target(%dma_start3A_31 : memref<10000x128xf32, #tpu.memory_space<vmem_shared>>) offsets(%dma_start3A_28 : memref<80xi32, #tpu.memory_space<vmem>>) semaphore(%run_scoped3A : memref<!tpu.dma_semaphore, #tpu.memory_space<semaphore_mem>>) {add = true}
        %dma_wait3A = arith.constant 0 : i32
        %dma_wait3A_32 = tpu.memref_slice %arg6[%add3A_26, %dma_wait3A] : memref<125x80xi32, #tpu.memory_space<vmem>> -> memref<1x80xi32, #tpu.memory_space<vmem>>
        %dma_wait3A_33 = tpu.memref_squeeze %dma_wait3A_32 : memref<1x80xi32, #tpu.memory_space<vmem>> -> memref<80xi32, #tpu.memory_space<vmem>>
        %dma_wait3A_34 = arith.constant 0 : i32
        %dma_wait3A_35 = arith.constant 0 : i32
        %dma_wait3A_36 = tpu.memref_slice %arg8[%dma_wait3A_34, %dma_wait3A_35] : memref<10000x128xf32, #tpu.memory_space<vmem_shared>> -> memref<10000x128xf32, #tpu.memory_space<vmem_shared>>
        tpu.wait_indirect_dma semaphore(%run_scoped3A : memref<!tpu.dma_semaphore, #tpu.memory_space<semaphore_mem>>) src(%arg7 : memref<80x128xf32, #tpu.memory_space<vmem>>) dst(%dma_wait3A_36 : memref<10000x128xf32, #tpu.memory_space<vmem_shared>>)
        tpu.yield
      }) : () -> ()
    }
    %scan3A_10 = arith.constant 125 : i32
    %barrier3A_11 = arith.constant 0 : index
    tpu.barrier barrier_id(%barrier3A_11)
    %lt3A_12 = arith.constant 15 : i32
    %lt3A_13 = arith.cmpi slt, %arg1, %lt3A_12 : i32
    %convert_element_type3A_14 = arith.extui %lt3A_13 : i1 to i32
    %cond3A_15 = arith.constant 0 : i32
    %cond3A_16 = arith.cmpi ne, %convert_element_type3A_14, %cond3A_15 : i32
    scf.if %cond3A_16 {
      %mul3A_22 = arith.constant 640 : i32
      %mul3A_23 = arith.muli %arg1, %mul3A_22 : i32
      %mul3A_24 = arith.constant 640 : i32
      %mul3A_25 = arith.muli %arg1, %mul3A_24 : i32
      "tpu.region"() ({
        %run_scoped3A = tpu.sem_alloc : memref<!tpu.dma_semaphore, #tpu.memory_space<semaphore_mem>>
        %dma_start3A = arith.constant 0 : i32
        %dma_start3A_26 = tpu.memref_slice %arg5[%arg0, %mul3A_25, %dma_start3A] : memref<2x10000x128xf32, #tpu.memory_space<hbm>> -> memref<1x640x128xf32, #tpu.memory_space<hbm>>
        %dma_start3A_27 = tpu.memref_squeeze %dma_start3A_26 : memref<1x640x128xf32, #tpu.memory_space<hbm>> -> memref<640x128xf32, #tpu.memory_space<hbm>>
        %dma_start3A_28 = arith.constant 0 : i32
        %dma_start3A_29 = tpu.memref_slice %arg8[%mul3A_23, %dma_start3A_28] : memref<10000x128xf32, #tpu.memory_space<vmem_shared>> -> memref<640x128xf32, #tpu.memory_space<vmem_shared>>
        tpu.enqueue_dma source(%dma_start3A_29 : memref<640x128xf32, #tpu.memory_space<vmem_shared>>) target(%dma_start3A_27 : memref<640x128xf32, #tpu.memory_space<hbm>>) target_semaphore(%run_scoped3A : memref<!tpu.dma_semaphore, #tpu.memory_space<semaphore_mem>>)
        %dma_wait3A = arith.constant 0 : i32
        %dma_wait3A_30 = tpu.memref_slice %arg5[%arg0, %mul3A_25, %dma_wait3A] : memref<2x10000x128xf32, #tpu.memory_space<hbm>> -> memref<1x640x128xf32, #tpu.memory_space<hbm>>
        %dma_wait3A_31 = tpu.memref_squeeze %dma_wait3A_30 : memref<1x640x128xf32, #tpu.memory_space<hbm>> -> memref<640x128xf32, #tpu.memory_space<hbm>>
        %dma_wait3A_32 = arith.constant 0 : i32
        %dma_wait3A_33 = tpu.memref_slice %arg8[%mul3A_23, %dma_wait3A_32] : memref<10000x128xf32, #tpu.memory_space<vmem_shared>> -> memref<640x128xf32, #tpu.memory_space<vmem_shared>>
        tpu.wait_dma2 semaphore(%run_scoped3A : memref<!tpu.dma_semaphore, #tpu.memory_space<semaphore_mem>>) src(%dma_wait3A_33 : memref<640x128xf32, #tpu.memory_space<vmem_shared>>) dst(%dma_wait3A_31 : memref<640x128xf32, #tpu.memory_space<hbm>>)
        tpu.yield
      }) : () -> ()
    } else {
    }
    %eq3A_17 = arith.constant 15 : i32
    %eq3A_18 = arith.cmpi eq, %arg1, %eq3A_17 : i32
    %convert_element_type3A_19 = arith.extui %eq3A_18 : i1 to i32
    %cond3A_20 = arith.constant 0 : i32
    %cond3A_21 = arith.cmpi ne, %convert_element_type3A_19, %cond3A_20 : i32
    scf.if %cond3A_21 {
      "tpu.region"() ({
        %run_scoped3A = tpu.sem_alloc : memref<!tpu.dma_semaphore, #tpu.memory_space<semaphore_mem>>
        %dma_start3A = arith.constant 9600 : i32
        %dma_start3A_22 = arith.constant 0 : i32
        %dma_start3A_23 = tpu.memref_slice %arg5[%arg0, %dma_start3A, %dma_start3A_22] : memref<2x10000x128xf32, #tpu.memory_space<hbm>> -> memref<1x400x128xf32, #tpu.memory_space<hbm>>
        %dma_start3A_24 = tpu.memref_squeeze %dma_start3A_23 : memref<1x400x128xf32, #tpu.memory_space<hbm>> -> memref<400x128xf32, #tpu.memory_space<hbm>>
        %dma_start3A_25 = arith.constant 9600 : i32
        %dma_start3A_26 = arith.constant 0 : i32
        %dma_start3A_27 = tpu.memref_slice %arg8[%dma_start3A_25, %dma_start3A_26] : memref<10000x128xf32, #tpu.memory_space<vmem_shared>> -> memref<400x128xf32, #tpu.memory_space<vmem_shared>>
        tpu.enqueue_dma source(%dma_start3A_27 : memref<400x128xf32, #tpu.memory_space<vmem_shared>>) target(%dma_start3A_24 : memref<400x128xf32, #tpu.memory_space<hbm>>) target_semaphore(%run_scoped3A : memref<!tpu.dma_semaphore, #tpu.memory_space<semaphore_mem>>)
        %dma_wait3A = arith.constant 9600 : i32
        %dma_wait3A_28 = arith.constant 0 : i32
        %dma_wait3A_29 = tpu.memref_slice %arg5[%arg0, %dma_wait3A, %dma_wait3A_28] : memref<2x10000x128xf32, #tpu.memory_space<hbm>> -> memref<1x400x128xf32, #tpu.memory_space<hbm>>
        %dma_wait3A_30 = tpu.memref_squeeze %dma_wait3A_29 : memref<1x400x128xf32, #tpu.memory_space<hbm>> -> memref<400x128xf32, #tpu.memory_space<hbm>>
        %dma_wait3A_31 = arith.constant 9600 : i32
        %dma_wait3A_32 = arith.constant 0 : i32
        %dma_wait3A_33 = tpu.memref_slice %arg8[%dma_wait3A_31, %dma_wait3A_32] : memref<10000x128xf32, #tpu.memory_space<vmem_shared>> -> memref<400x128xf32, #tpu.memory_space<vmem_shared>>
        tpu.wait_dma2 semaphore(%run_scoped3A : memref<!tpu.dma_semaphore, #tpu.memory_space<semaphore_mem>>) src(%dma_wait3A_33 : memref<400x128xf32, #tpu.memory_space<vmem_shared>>) dst(%dma_wait3A_30 : memref<400x128xf32, #tpu.memory_space<hbm>>)
        tpu.yield
      }) : () -> ()
    } else {
    }
    return
  }
}

module attributes {stable_mosaic.version = 14 : i64} {
  func.func @_prep_body(%arg0: memref<10000x128xf32, #tpu.memory_space<vmem>>, %arg1: memref<128x128xf32, #tpu.memory_space<vmem>>, %arg2: memref<128x128xf32, #tpu.memory_space<vmem>>, %arg3: memref<1x128xf32, #tpu.memory_space<vmem>>, %arg4: memref<10000x128xf32, #tpu.memory_space<vmem>>, %arg5: memref<10000x128xf32, #tpu.memory_space<vmem>>) attributes {dimension_semantics = [], scalar_prefetch = 0 : i64, scratch_operands = 0 : i64, tpu.core_type = #tpu.core_type<tc>} {
    %get3A = arith.constant 0 : index
    %get3A_0 = arith.constant 0 : index
    %get3A_1 = vector.load %arg0[%get3A, %get3A_0] : memref<10000x128xf32, #tpu.memory_space<vmem>>, vector<10000x128xf32>
    %get3A_2 = arith.constant 0 : index
    %get3A_3 = arith.constant 0 : index
    %get3A_4 = vector.load %arg1[%get3A_2, %get3A_3] : memref<128x128xf32, #tpu.memory_space<vmem>>, vector<128x128xf32>
    %dot_general3A = arith.constant dense<0.000000e+00> : vector<10000x128xf32>
    %dot_general3A_5 = tpu.matmul %get3A_1, %get3A_4, %dot_general3A {dimension_numbers = #tpu.dot_dimension_numbers<[1], [0], [0], [1], [0, 0, 1, 1], [], []>, transpose_lhs_hint = false} : vector<10000x128xf32>, vector<128x128xf32>, vector<10000x128xf32> -> vector<10000x128xf32>
    %swap3A = arith.constant 0 : index
    %swap3A_6 = arith.constant 0 : index
    %swap3A_7 = vector.load %arg4[%swap3A, %swap3A_6] : memref<10000x128xf32, #tpu.memory_space<vmem>>, vector<10000x128xf32>
    tpu.vector_store %arg4[%swap3A, %swap3A_6], %dot_general3A_5 {strides = array<i32>} : memref<10000x128xf32, #tpu.memory_space<vmem>>, vector<10000x128xf32>,
    %get3A_8 = arith.constant 0 : index
    %get3A_9 = arith.constant 0 : index
    %get3A_10 = vector.load %arg2[%get3A_8, %get3A_9] : memref<128x128xf32, #tpu.memory_space<vmem>>, vector<128x128xf32>
    %dot_general3A_11 = arith.constant dense<0.000000e+00> : vector<10000x128xf32>
    %dot_general3A_12 = tpu.matmul %get3A_1, %get3A_10, %dot_general3A_11 {dimension_numbers = #tpu.dot_dimension_numbers<[1], [0], [0], [1], [0, 0, 1, 1], [], []>, transpose_lhs_hint = false} : vector<10000x128xf32>, vector<128x128xf32>, vector<10000x128xf32> -> vector<10000x128xf32>
    %get3A_13 = arith.constant 0 : index
    %get3A_14 = arith.constant 0 : index
    %get3A_15 = vector.load %arg3[%get3A_13, %get3A_14] : memref<1x128xf32, #tpu.memory_space<vmem>>, vector<1x128xf32>
    %add3A = vector.broadcast %get3A_15 : vector<1x128xf32> to vector<10000x128xf32>
    %add3A_16 = arith.addf %dot_general3A_12, %add3A : vector<10000x128xf32>
    %swap3A_17 = arith.constant 0 : index
    %swap3A_18 = arith.constant 0 : index
    %swap3A_19 = vector.load %arg5[%swap3A_17, %swap3A_18] : memref<10000x128xf32, #tpu.memory_space<vmem>>, vector<10000x128xf32>
    tpu.vector_store %arg5[%swap3A_17, %swap3A_18], %add3A_16 {strides = array<i32>} : memref<10000x128xf32, #tpu.memory_space<vmem>>, vector<10000x128xf32>,
    return
  }
}

module attributes {stable_mosaic.version = 14 : i64} {
  func.func @_combine_body(%arg0: memref<2x10000x128xf32, #tpu.memory_space<vmem>>, %arg1: memref<2x10000x128xf32, #tpu.memory_space<vmem>>, %arg2: memref<10000x128xf32, #tpu.memory_space<vmem>>, %arg3: memref<128x128xf32, #tpu.memory_space<vmem>>, %arg4: memref<128x128xf32, #tpu.memory_space<vmem>>, %arg5: memref<1x128xf32, #tpu.memory_space<vmem>>, %arg6: memref<10000x128xf32, #tpu.memory_space<vmem>>, %arg7: memref<10000x128xf32, #tpu.memory_space<vmem>>) attributes {dimension_semantics = [], scalar_prefetch = 0 : i64, scratch_operands = 0 : i64, tpu.core_type = #tpu.core_type<tc>} {
    %get3A = arith.constant 0 : index
    %get3A_0 = arith.constant 0 : index
    %get3A_1 = arith.constant 0 : index
    %get3A_2 = vector.load %arg1[%get3A, %get3A_0, %get3A_1] : memref<2x10000x128xf32, #tpu.memory_space<vmem>>, vector<1x10000x1xf32>
    %get3A_3 = vector.shape_cast %get3A_2 : vector<1x10000x1xf32> to vector<10000x1xf32>
    %get3A_4 = arith.constant 1 : index
    %get3A_5 = arith.constant 0 : index
    %get3A_6 = arith.constant 0 : index
    %get3A_7 = vector.load %arg1[%get3A_4, %get3A_5, %get3A_6] : memref<2x10000x128xf32, #tpu.memory_space<vmem>>, vector<1x10000x1xf32>
    %get3A_8 = vector.shape_cast %get3A_7 : vector<1x10000x1xf32> to vector<10000x1xf32>
    %add3A = arith.addf %get3A_3, %get3A_8 : vector<10000x1xf32>
    %max3A = arith.constant 1.000000e+00 : f32
    %max3A_9 = vector.broadcast %max3A : f32 to vector<10000x1xf32>
    %max3A_10 = arith.maximumf %add3A, %max3A_9 : vector<10000x1xf32>
    %div3A = arith.constant 1.000000e+00 : f32
    %div3A_11 = vector.broadcast %div3A : f32 to vector<10000x1xf32>
    %div3A_12 = arith.divf %div3A_11, %max3A_10 : vector<10000x1xf32>
    %get3A_13 = arith.constant 0 : index
    %get3A_14 = arith.constant 0 : index
    %get3A_15 = arith.constant 0 : index
    %get3A_16 = vector.load %arg0[%get3A_13, %get3A_14, %get3A_15] : memref<2x10000x128xf32, #tpu.memory_space<vmem>>, vector<1x10000x128xf32>
    %get3A_17 = vector.shape_cast %get3A_16 : vector<1x10000x128xf32> to vector<10000x128xf32>
    %get3A_18 = arith.constant 1 : index
    %get3A_19 = arith.constant 0 : index
    %get3A_20 = arith.constant 0 : index
    %get3A_21 = vector.load %arg0[%get3A_18, %get3A_19, %get3A_20] : memref<2x10000x128xf32, #tpu.memory_space<vmem>>, vector<1x10000x128xf32>
    %get3A_22 = vector.shape_cast %get3A_21 : vector<1x10000x128xf32> to vector<10000x128xf32>
    %add3A_23 = arith.addf %get3A_17, %get3A_22 : vector<10000x128xf32>
    %mul3A = vector.broadcast %div3A_12 : vector<10000x1xf32> to vector<10000x128xf32>
    %mul3A_24 = arith.mulf %add3A_23, %mul3A : vector<10000x128xf32>
    %get3A_25 = arith.constant 0 : index
    %get3A_26 = arith.constant 0 : index
    %get3A_27 = vector.load %arg2[%get3A_25, %get3A_26] : memref<10000x128xf32, #tpu.memory_space<vmem>>, vector<10000x128xf32>
    %add3A_28 = arith.addf %mul3A_24, %get3A_27 : vector<10000x128xf32>
    %max3A_29 = arith.constant 0.000000e+00 : f32
    %max3A_30 = vector.broadcast %max3A_29 : f32 to vector<10000x128xf32>
    %max3A_31 = arith.maximumf %add3A_28, %max3A_30 : vector<10000x128xf32>
    %get3A_32 = arith.constant 0 : index
    %get3A_33 = arith.constant 0 : index
    %get3A_34 = vector.load %arg3[%get3A_32, %get3A_33] : memref<128x128xf32, #tpu.memory_space<vmem>>, vector<128x128xf32>
    %dot_general3A = arith.constant dense<0.000000e+00> : vector<10000x128xf32>
    %dot_general3A_35 = tpu.matmul %max3A_31, %get3A_34, %dot_general3A {dimension_numbers = #tpu.dot_dimension_numbers<[1], [0], [0], [1], [0, 0, 1, 1], [], []>, transpose_lhs_hint = false} : vector<10000x128xf32>, vector<128x128xf32>, vector<10000x128xf32> -> vector<10000x128xf32>
    %swap3A = arith.constant 0 : index
    %swap3A_36 = arith.constant 0 : index
    %swap3A_37 = vector.load %arg6[%swap3A, %swap3A_36] : memref<10000x128xf32, #tpu.memory_space<vmem>>, vector<10000x128xf32>
    tpu.vector_store %arg6[%swap3A, %swap3A_36], %dot_general3A_35 {strides = array<i32>} : memref<10000x128xf32, #tpu.memory_space<vmem>>, vector<10000x128xf32>,
    %get3A_38 = arith.constant 0 : index
    %get3A_39 = arith.constant 0 : index
    %get3A_40 = vector.load %arg4[%get3A_38, %get3A_39] : memref<128x128xf32, #tpu.memory_space<vmem>>, vector<128x128xf32>
    %dot_general3A_41 = arith.constant dense<0.000000e+00> : vector<10000x128xf32>
    %dot_general3A_42 = tpu.matmul %max3A_31, %get3A_40, %dot_general3A_41 {dimension_numbers = #tpu.dot_dimension_numbers<[1], [0], [0], [1], [0, 0, 1, 1], [], []>, transpose_lhs_hint = false} : vector<10000x128xf32>, vector<128x128xf32>, vector<10000x128xf32> -> vector<10000x128xf32>
    %get3A_43 = arith.constant 0 : index
    %get3A_44 = arith.constant 0 : index
    %get3A_45 = vector.load %arg5[%get3A_43, %get3A_44] : memref<1x128xf32, #tpu.memory_space<vmem>>, vector<1x128xf32>
    %add3A_46 = vector.broadcast %get3A_45 : vector<1x128xf32> to vector<10000x128xf32>
    %add3A_47 = arith.addf %dot_general3A_42, %add3A_46 : vector<10000x128xf32>
    %swap3A_48 = arith.constant 0 : index
    %swap3A_49 = arith.constant 0 : index
    %swap3A_50 = vector.load %arg7[%swap3A_48, %swap3A_49] : memref<10000x128xf32, #tpu.memory_space<vmem>>, vector<10000x128xf32>
    tpu.vector_store %arg7[%swap3A_48, %swap3A_49], %add3A_47 {strides = array<i32>} : memref<10000x128xf32, #tpu.memory_space<vmem>>, vector<10000x128xf32>,
    return
  }
}

module attributes {stable_mosaic.version = 14 : i64} {
  func.func @_final_body(%arg0: memref<2x10000x128xf32, #tpu.memory_space<vmem>>, %arg1: memref<2x10000x128xf32, #tpu.memory_space<vmem>>, %arg2: memref<10000x128xf32, #tpu.memory_space<vmem>>, %arg3: memref<10000x128xf32, #tpu.memory_space<vmem>>) attributes {dimension_semantics = [], scalar_prefetch = 0 : i64, scratch_operands = 0 : i64, tpu.core_type = #tpu.core_type<tc>} {
    %get3A = arith.constant 0 : index
    %get3A_0 = arith.constant 0 : index
    %get3A_1 = arith.constant 0 : index
    %get3A_2 = vector.load %arg1[%get3A, %get3A_0, %get3A_1] : memref<2x10000x128xf32, #tpu.memory_space<vmem>>, vector<1x10000x1xf32>
    %get3A_3 = vector.shape_cast %get3A_2 : vector<1x10000x1xf32> to vector<10000x1xf32>
    %get3A_4 = arith.constant 1 : index
    %get3A_5 = arith.constant 0 : index
    %get3A_6 = arith.constant 0 : index
    %get3A_7 = vector.load %arg1[%get3A_4, %get3A_5, %get3A_6] : memref<2x10000x128xf32, #tpu.memory_space<vmem>>, vector<1x10000x1xf32>
    %get3A_8 = vector.shape_cast %get3A_7 : vector<1x10000x1xf32> to vector<10000x1xf32>
    %add3A = arith.addf %get3A_3, %get3A_8 : vector<10000x1xf32>
    %max3A = arith.constant 1.000000e+00 : f32
    %max3A_9 = vector.broadcast %max3A : f32 to vector<10000x1xf32>
    %max3A_10 = arith.maximumf %add3A, %max3A_9 : vector<10000x1xf32>
    %div3A = arith.constant 1.000000e+00 : f32
    %div3A_11 = vector.broadcast %div3A : f32 to vector<10000x1xf32>
    %div3A_12 = arith.divf %div3A_11, %max3A_10 : vector<10000x1xf32>
    %get3A_13 = arith.constant 0 : index
    %get3A_14 = arith.constant 0 : index
    %get3A_15 = arith.constant 0 : index
    %get3A_16 = vector.load %arg0[%get3A_13, %get3A_14, %get3A_15] : memref<2x10000x128xf32, #tpu.memory_space<vmem>>, vector<1x10000x128xf32>
    %get3A_17 = vector.shape_cast %get3A_16 : vector<1x10000x128xf32> to vector<10000x128xf32>
    %get3A_18 = arith.constant 1 : index
    %get3A_19 = arith.constant 0 : index
    %get3A_20 = arith.constant 0 : index
    %get3A_21 = vector.load %arg0[%get3A_18, %get3A_19, %get3A_20] : memref<2x10000x128xf32, #tpu.memory_space<vmem>>, vector<1x10000x128xf32>
    %get3A_22 = vector.shape_cast %get3A_21 : vector<1x10000x128xf32> to vector<10000x128xf32>
    %add3A_23 = arith.addf %get3A_17, %get3A_22 : vector<10000x128xf32>
    %mul3A = vector.broadcast %div3A_12 : vector<10000x1xf32> to vector<10000x128xf32>
    %mul3A_24 = arith.mulf %add3A_23, %mul3A : vector<10000x128xf32>
    %get3A_25 = arith.constant 0 : index
    %get3A_26 = arith.constant 0 : index
    %get3A_27 = vector.load %arg2[%get3A_25, %get3A_26] : memref<10000x128xf32, #tpu.memory_space<vmem>>, vector<10000x128xf32>
    %add3A_28 = arith.addf %mul3A_24, %get3A_27 : vector<10000x128xf32>
    %max3A_29 = arith.constant 0.000000e+00 : f32
    %max3A_30 = vector.broadcast %max3A_29 : f32 to vector<10000x128xf32>
    %max3A_31 = arith.maximumf %add3A_28, %max3A_30 : vector<10000x128xf32>
    %swap3A = arith.constant 0 : index
    %swap3A_32 = arith.constant 0 : index
    %swap3A_33 = vector.load %arg3[%swap3A, %swap3A_32] : memref<10000x128xf32, #tpu.memory_space<vmem>>, vector<10000x128xf32>
    tpu.vector_store %arg3[%swap3A, %swap3A_32], %max3A_31 {strides = array<i32>} : memref<10000x128xf32, #tpu.memory_space<vmem>>, vector<10000x128xf32>,
    return
  }
}

</mosaic_0001>

<sc_bundles>
// kernel: kernel.10.cloned.1.call-start
scs
__scs_entry_jumppad:
0x0: {  	(pc) =	sbr.rel $0x88, $3  }
0x1: {  	(tag) =	ssettag $0x0;
	lr =	simm.s32 $0x1  }
0x2: {  	[smem:$0x3F96] =	sst lr;
	_ =	strace $0xD0000000  }
0x3: {  	_ = 	snop  }
0x4: {  	_ = 	snop  }
0x5: {  	_ = 	snop  }
0x6: {  	_ = 	snop  }
0x7: {  	_ = 	snop  }
__scs_overlays_trampoline_lowered:
0x8: {  	[smem:$0x3FA5] =	sst s0  }
0x9: {  	[smem:$0x3FA6] =	sst s1  }
0xa: {  	[smem:$0x3FA7] =	sst s2  }
0xb: {  	[smem:$0x3FA8] =	sst s3  }
0xc: {  	[smem:$0x3FA9] =	sst s4  }
0xd: {  	[smem:$0x3FAA] =	sst s5  }
0xe: {  	[smem:$0x3FAB] =	sst s6  }
0xf: {  	[smem:$0x3FAC] =	sst s7  }
0x10: {  	[smem:$0x3FAD] =	sst s8  }
0x11: {  	[smem:$0x3FAE] =	sst s9;
	s0 =	simm.s32 @!p0 $0x0  }
0x12: {  	s1 =	sld [smem:$0x3F94];
	s0 =	simm.s32 @p0 $0x1  }
0x13: {  	[smem:$0x3FAF] =	sst s0;
	s0 =	simm.s32 @!p1 $0x0  }
0x14: {  	s2 =	sld [smem:$0x3F93];
	s0 =	simm.s32 @p1 $0x1  }
0x15: {  	[smem:$0x3FB0] =	sst s0;
	s0 =	simm.s32 @!p2 $0x0  }
0x16: {  	s3 =	sld [smem:$0x3FDB];
	s0 =	simm.s32 @p2 $0x1  }
0x17: {  	s4 =	simm.s32 $0x1BF5;
	[smem:$0x3FB2] =	sst s0  }
0x18: {  	s0 =	sld [smem:$0x3F95];
	_ =	swait.ge [sflag:s4], $0x0  }
0x19: {  	s7 =	sld [smem:$0x3F96]  }
0x1a: {  	s8 =	sadd.s32 $0xFFFFE003, lr  }
0x1b: {  	s9 =	sadd.s32 $0xFFFFFEF7, lr;
	s5 =	simm.s32 $0xFFFFFFFF;
	p2 =	slt.u32 s8, $0xFFFFF086  }
0x1c: {  	p1 =	slt.u32 s9, $0xF7A;
	s5 =	simm.s32 @!p2 $0x0  }
0x1d: {  	s5 =	simm.s32 @p1 $0x1;
	p0 =	seq.s32 s7, s2  }
0x1e: {  	s7 =	smul.u32 @!p0 $0xF7A, s2;
	p2 =	seq.s32 @!p0 s5, $0x0  }
0x1f: {  	s9 =	smul.u32 $0xF7A, s1;
	s8 =	simm.s32 @!p0 $0x1BF5;
	p2 =	por !p2, p0  }
0x20: {  	[sflag:s8] =	ssyncset.s32 @!p0 $0xFFFFF086;
	s6 =	sadd.s32 @!p0 s3, s7;
	s7 =	simm.s32 @!p0 $0x108  }
0x21: {  	s3 =	sadd.s32 s3, s9;
	s6 =	sadd.s32 @!p0 $0x88, s6;
	s7 =	simm.s32 @p2 $0x1082  }
0x22: {  	[simem:s7], [sflag:s8] =	dma.local @!p0 [hbm:s6], $0xF7A  }
0x23: {  	s9 =	sor.u32 $0xD0000000, s2;
	s6 =	simm.s32 $0x108;
	_ =	swait.ge @!p0 [sflag:s8], $0x0  }
0x24: {  	s3 =	sadd.s32 $0x88, s3;
	s6 =	simm.s32 @!p1 $0x1082;
	[sflag:s4] =	ssyncset.s32 $0xFFFFF086  }
0x25: {  	[simem:s6], [sflag:s4] =	dma.local [hbm:s3], $0xF7A  }
0x26: {  	[smem:$0x3F96] =	sst s1;
	(tag) =	ssettag s2;
	_ =	strace s9  }
0x27: {  	s1 =	sld [smem:$0x3FA6]  }
0x28: {  	s2 =	sld [smem:$0x3FA7]  }
0x29: {  	s4 =	sld [smem:$0x3FA9]  }
0x2a: {  	p0 =	seq.s32 s5, $0x0;
	s5 =	sld [smem:$0x3FAA]  }
0x2b: {  	s6 =	sld [smem:$0x3FAB]  }
0x2c: {  	s7 =	sld [smem:$0x3FAC]  }
0x2d: {  	s3 =	simm.s32 $0x108;
	s8 =	sld [smem:$0x3FAD]  }
0x2e: {  	s3 =	simm.s32 @!p0 $0x1082;
	s9 =	sld [smem:$0x3FAE]  }
0x2f: {  	lr =	sadd.s32 s0, s3;
	s0 =	sld [smem:$0x3FA5]  }
0x30: {  	s3 =	sld [smem:$0x3FA8]  }
0x31: {  	[smem:$0x3FB1] =	sst s10  }
0x32: {  	s10 =	sld [smem:$0x3FAF];
	_ =	sdelay $0x3  }
0x33: {  	p0 =	seq.s32 s10, $0x1;
	s10 =	sld [smem:$0x3FB1];
	_ =	sdelay $0x3  }
0x34: {  	[smem:$0x3FB1] =	sst s10  }
0x35: {  	s10 =	sld [smem:$0x3FB0];
	_ =	sdelay $0x3  }
0x36: {  	p1 =	seq.s32 s10, $0x1;
	s10 =	sld [smem:$0x3FB1];
	_ =	sdelay $0x3  }
0x37: {  	[smem:$0x3FB1] =	sst s10  }
0x38: {  	s10 =	sld [smem:$0x3FB2]  }
0x39: {  	_ = 	snop;
	(pc) =	sbr.ind lr, $3  }
0x3a: {  	_ = 	snop  }
0x3b: {  	_ = 	snop  }
0x3c: {  	p2 =	seq.s32 s10, $0x1;
	s10 =	sld [smem:$0x3FB1]  }
0x3d: {  	_ =	shalt  }
0x3e: {  	_ =	shalt  }
0x3f: {  	_ =	shalt  }
0x40: {  	_ =	shalt  }
0x41: {  	_ =	shalt  }
0x42: {  	_ =	shalt  }
0x43: {  	_ =	shalt  }
0x44: {  	_ =	shalt  }
0x45: {  	_ =	shalt  }
0x46: {  	_ =	shalt  }
0x47: {  	_ =	shalt  }
0x48: {  	_ =	shalt  }
0x49: {  	_ =	shalt  }
0x4a: {  	_ =	shalt  }
0x4b: {  	_ =	shalt  }
0x4c: {  	_ =	shalt  }
0x4d: {  	_ =	shalt  }
0x4e: {  	_ =	shalt  }
0x4f: {  	_ =	shalt  }
0x50: {  	_ =	shalt  }
0x51: {  	_ =	shalt  }
0x52: {  	_ =	shalt  }
0x53: {  	_ =	shalt  }
0x54: {  	_ =	shalt  }
0x55: {  	_ =	shalt  }
0x56: {  	_ =	shalt  }
0x57: {  	_ =	shalt  }
0x58: {  	_ =	shalt  }
0x59: {  	_ =	shalt  }
0x5a: {  	_ =	shalt  }
0x5b: {  	_ =	shalt  }
0x5c: {  	_ =	shalt  }
0x5d: {  	_ =	shalt  }
0x5e: {  	_ =	shalt  }
0x5f: {  	_ =	shalt  }
0x60: {  	_ =	shalt  }
0x61: {  	_ =	shalt  }
0x62: {  	_ =	shalt  }
0x63: {  	_ =	shalt  }
0x64: {  	_ =	shalt  }
0x65: {  	_ =	shalt  }
0x66: {  	_ =	shalt  }
0x67: {  	_ =	shalt  }
0x68: {  	_ =	shalt  }
0x69: {  	_ =	shalt  }
0x6a: {  	_ =	shalt  }
0x6b: {  	_ =	shalt  }
0x6c: {  	_ =	shalt  }
0x6d: {  	_ =	shalt  }
0x6e: {  	_ =	shalt  }
0x6f: {  	_ =	shalt  }
0x70: {  	_ =	shalt  }
0x71: {  	_ =	shalt  }
0x72: {  	_ =	shalt  }
0x73: {  	_ =	shalt  }
0x74: {  	_ =	shalt  }
0x75: {  	_ =	shalt  }
0x76: {  	_ =	shalt  }
0x77: {  	_ =	shalt  }
0x78: {  	_ =	shalt  }
0x79: {  	_ =	shalt  }
0x7a: {  	_ =	shalt  }
0x7b: {  	_ =	shalt  }
0x7c: {  	_ =	shalt  }
0x7d: {  	_ =	shalt  }
0x7e: {  	_ =	shalt  }
0x7f: {  	_ =	shalt  }
0x80: {  	_ =	shalt  }
0x81: {  	_ =	shalt  }
0x82: {  	_ =	shalt  }
0x83: {  	_ =	shalt  }
0x84: {  	_ =	shalt  }
0x85: {  	_ =	shalt  }
0x86: {  	_ =	shalt  }
0x87: {  	_ =	shalt  }
.Lfunc_end0:
.L_simem_size_0:
called_computation_lowered:
.L_overlay_start_0:
0x88: {  	s2 =	sld [smem:$0x3FD9]  }
0x89: {  	s3 =	sld [smem:$0x3FFE];
	_ =	sdelay $0x1  }
0x8a: {  	s1 =	srdreg.scid  }
0x8b: {  	s0 =	sand.u32 $0x1, s1  }
0x8c: {  	s16 =	sshll.u32 s0, $0xA;
	s2 =	sadd.s32 s3, s2  }
0x8d: {  	s2 =	sadd.s32 s2, s16  }
0x8e: {  	[smem:$0x3FBD] =	sst s2  }
0x8f: {  	_ = 	snop  }
0x90: {  	(tm) =	ssettm $0x1  }
0x91: {  	s17 =	sld [smem:$0x3FFB];
	_ =	sdelay $0x3  }
0x92: {  	_ =	strace s17  }
0x93: {  	s2 =	sld [smem:$0x3FFC];
	_ =	sdelay $0x3  }
0x94: {  	_ =	strace s2  }
0x95: {  	s2 =	sld [smem:$0x3FFD];
	_ =	sdelay $0x3  }
0x96: {  	_ =	strace s2  }
0x97: {  	_ =	strace $0x8FFFFFFF  }
0x98: {  	s18 =	sld [smem:$0x3FDB];
	_ =	sdelay $0x1  }
0x99: {  	s19 =	simm.s32 $_scs_section_size  }
0x9a: {  	s4 =	simm.s32 $_size__tile_overlayer_lowered;
	s5 =	simm.s32 $_tile_overlayer_lowered  }
0x9b: {  	s22 =	simm.s32 $0x1BFF;
	s21 =	sshll.u32 s5, $0x1;
	s2 =	sadd.s32 s19, s18  }
0x9c: {  	s6 =	simm.s32 $0x0;
	s20 =	sshll.u32 s4, $0x1;
	s4 =	sadd.s32 s21, s2  }
0x9d: {  	[timem:s6], [sflag:s22] =	dma.local [hbm:s4], s20  }
0x9e: {  	_ =	swait.ge [sflag:s22], s20  }
0x9f: {  	s3 =	ssub.s32 $0x0, s20;
	[sflag:s22] =	ssyncset.done $0x0  }
0xa0: {  	[sflag:s22] =	ssyncadd.s32 s3;
	_ =	sdelay $0x1  }
0xa1: {  	s23 =	simm.s32 $0x1B8B  }
0xa2: {  	_ =	swait.ge [sflag:s23], $0x1  }
0xa3: {  	[sflag:s23] =	ssyncset.done $0x0  }
0xa4: {  	s25 =	simm.s32 $0x1B8E;
	s24 =	sld [smem:$0x3FFE];
	[sflag:s23] =	ssyncadd.s32 $0xFFFFFFFF  }
0xa5: {  	s26 =	simm.s32 $execute0_lowered;
	[smem:$0x3FD2] =	sst s25  }
0xa6: {  	s4 =	sshll.u32 s26, $0x1;
	_ =	strace $0x80000046;
	[dreg:$0x1] =	wrdreg $0xFFFFFFFF  }
0xa7: {  	s28 =	simm.s32 $_size_execute0_lowered;
	s2 =	sadd.s32 s2, s4;
	[dreg:$0x0] =	wrdreg $0x0  }
0xa8: {  	s4 =	sshll.u32 s28, $0x1;
	[dreg:$0x2] =	wrdreg s2  }
0xa9: {  	[dreg:$0x3] =	wrdreg s4  }
0xaa: {  	[dreg:$0x4] =	wrdreg $0xC0  }
0xab: {  	_ =	task [dreg:s6], $0x5FFFF  }
0xac: {  	[dreg:$0x1] =	wrdreg $0xFFFFFFFF  }
0xad: {  	[dreg:$0x0] =	wrdreg $0x60  }
0xae: {  	[dreg:$0x2] =	wrdreg s24  }
0xaf: {  	[dreg:$0x3] =	wrdreg $0x68000  }
0xb0: {  	[dreg:$0x4] =	wrdreg $0x9  }
0xb1: {  	_ =	task.clear_ibuf [dreg:s6], $0x5FFFF;
	_ =	strace $0x90000046  }
0xb2: {  	s29 =	simm.s32 $0x9;
	_ =	strace $0x80000048  }
0xb3: {  	_ =	swait.ge [sflag:s29], $0x1  }
0xb4: {  	[sflag:s29] =	ssyncadd.s32 $0xFFFFFFFF  }
0xb5: {  	_ =	strace $0x90000048  }
0xb6: {  	_ =	sfence  }
0xb7: {  	s30 =	sld [smem:$0x0];
	_ =	sdelay $0x2  }
0xb8: {  	s31 =	sshll.u32 s1, $0xD;
	s1 =	sshrl.u32 s1, $0x2  }
0xb9: {  	s3 =	sand.u32 $0x4000, s31;
	s1 =	sadd.s32 s1, s30  }
0xba: {  	s0 =	sor.u32 s3, s0;
	s1 =	sshll.u32 s1, $0x11  }
0xbb: {  	s0 =	sor.u32 s1, s0  }
0xbc: {  	s0 =	sadd.s32 $0x8F2B, s0  }
0xbd: {  	[sflag:s0] =	ssyncadd.remote.s32 $0x1  }
0xbe: {  	_ =	sfence.sel $0xFFFF  }
0xbf: {  	[dreg:$0x0] =	wrdreg $0xFFFFFFFF;
	(pc) =	sbr.abs _section_cstart, $3  }
0xc0: {  	[dreg:$0x1] =	wrdreg $0xFFFFFFFF  }
0xc1: {  	_ =	task.clear_ibuf [dreg:s6], $0x2FFFF;
	_ =	strace $0x9FFFFFFF  }
0xc2: {  	(tm) =	ssettm $0x7FFFFFFF  }
0xc3: {  	_ =	shalt  }
tec
execute0_lowered:
.L_overlay_start_1:
0x0: {  	(tag) =	ssettag $0x1  }
0x1: {  	s7 =	rddreg [dreg:$0x0]  }
0x2: {  	s2 =	rddreg [dreg:$0x1]  }
0x3: {  	s0 =	rddreg [dreg:$0x2]  }
0x4: {  	s3 =	simm.s32 $0x0;
	s1 =	stileid.u32;
	s6 =	srdreg.scid  }
0x5: {  	s17 =	simm.s32 $0x0;
	[smem:$0x7FF] =	sst s3;
	s5 =	smul.u32 $0x2800, s1  }
0x6: {  	s4 =	sshll.u32 s1, $0xB;
	s6 =	sand.u32 $0x1, s6;
	s12 =	smul.u32 $0x50000, s1  }
0x7: {  	s10 =	sadd.s32 $0x3A800, s7;
	s30 =	smul.u32 $0x14000, s1;
	s14 =	sadd.s32 $0x12C000, s2  }
0x8: {  	p0 =	seq.s32 s1, $0xF;
	_ =	strace $0x80000047;
	s8 =	sadd.s32 s4, s7  }
0x9: {  	s4 =	sadd.s32 $0x3A200, s7;
	s26 =	ssub.s32 $0x2, s6;
	s28 =	sshll.u32 s6, $0xF  }
0xa: {  	s13 =	smul.u32 $0x138800, s6;
	s16 =	sshll.u32 @!p0 s1, $0x6;
	s9 =	sadd.s32 s5, s7  }
0xb: {  	s11 =	sshrl.u32 s26, $0x1;
	s5 =	sadd.s32 s28, s8;
	s29 =	sshrl.u32 s12, $0x2  }
0xc: {  	s7 =	sadd.s32 $0x38800, s7;
	s12 =	simm.s32 $0x4000;
	s11 =	ssub.s32 s26, s11  }
0xd: {  	s5 =	sadd.s32 $0x3000, s5;
	s15 =	sadd.s32 s29, s2;
	s6 =	sadd.s32 $0x13000, s9  }
0xe: {  	s8 =	sadd.s32 s30, s13;
	s31 =	sshrl.u32 s13, $0x3;
	s13 =	sshrl.u32 @p0 s14, $0x3  }
0xf: {  	s14 =	sor.u32 @!p0 $0x1C01, s16;
	s16 =	simm.s32 $0x50;
	s8 =	sshrl.u32 s8, $0x3  }
0x10: {  	s9 =	sadd.s32 s10, s31;
	s15 =	sshrl.u32 @!p0 s15, $0x3;
	s8 =	sadd.s32 s10, s8  }
0x11: {  	s9 =	sadd.s32 $0x25800, s9;
	s10 =	smax.u32 s11, $0x1;
	s11 =	simm.s32 $0x1  }
.LBB2_1:
0x12: {  	[tilespmem:s3], [sflag:$0x1] =	stream.linear.gather [hbm4b:s5+s3], $0x3E80, $0x38;
	[tilespmem:$0x1A080] =	vst v63  }
0x13: {  	_ =	swait.ge [sflag:s11], $0x3E80  }
0x14: {  	[sflag:s11] =	ssyncset.done $0x0  }
0x15: {  	[sflag:s11] =	ssyncadd.s32 $0xFFFFC180  }
0x16: {  	[tilespmem:s12], [sflag:$0x1] =	stream.linear.gather [hbm4b:s4+s3], $0x2800, $0x38;
	[tilespmem:$0x1A080] =	vst v63  }
0x17: {  	_ =	swait.ge [sflag:s11], $0x2800  }
0x18: {  	[sflag:s11] =	ssyncset.done $0x0  }
0x19: {  	s18 =	simm.s32 @p0 $0x1FC1;
	[sflag:s11] =	ssyncadd.s32 $0xFFFFD800  }
0x1a: {  	[spmem:s13], [sflag:s18] =	dma.local @p0 [hbm:s7], $0x1900  }
0x1b: {  	s18 =	simm.s32 @p0 $0x1  }
0x1c: {  	_ =	swait.ge @p0 [sflag:s18], $0x1900  }
0x1d: {  	[sflag:s18] =	ssyncset.done @p0 $0x0  }
0x1e: {  	[sflag:s18] =	ssyncadd.s32 @p0 $0xFFFFE700;
	s18 =	simm.s32 @!p0 $0x1  }
0x1f: {  	[spmem:s15], [sflag:s14] =	dma.local @!p0 [hbm:s6], $0x2800  }
0x20: {  	_ =	swait.ge @!p0 [sflag:s18], $0x2800  }
0x21: {  	[sflag:s18] =	ssyncset.done @!p0 $0x0  }
0x22: {  	[sflag:s18] =	ssyncadd.s32 @!p0 $0xFFFFD800  }
0x23: {  	s31 =	simm.s32 $0x0;
	[bflag:$0x0] =	sbarrier.arrive $0xFFFF  }
0x24: {  	[spmem:s2] =	stream.indirect.scatter.add.f32 [tilespmem:s12], [sflag:$0x1], $0x80, s31, s16, $0xb8;
	[tilespmem:$0x1A080] =	vst v63  }
0x25: {  	_ =	swait.ge [sflag:s11], $0x2800  }
0x26: {  	s18 =	simm.s32 $0x200;
	[sflag:s11] =	ssyncset.done $0x0  }
.LBB2_2:
0x27: {  	s19 =	sshra.s32 s18, $0x2;
	[sflag:s11] =	ssyncadd.s32 $0xFFFFD800;
	p1 =	sne.s32 s18, $0xF800  }
0x28: {  	[spmem:s2] =	stream.indirect.scatter.add.f32 [tilespmem:s12], [sflag:$0x1], $0x80, s19, s16, $0xb8;
	[tilespmem:$0x1A080] =	vst v63  }
.Ltmp0:
0x29: {  	_ = 	snop;
	(pc) =	sbr.rel @p1 .LBB2_2-.Ltmp0, $4  }
0x2a: {  	_ = 	snop  }
0x2b: {  	s18 =	sadd.s32 $0x200, s18  }
0x2c: {  	_ =	swait.ge [sflag:s11], $0x2800  }
0x2d: {  	[sflag:s11] =	ssyncset.done $0x0  }
0x2e: {  	[sflag:s11] =	ssyncadd.s32 $0xFFFFD800  }
0x2f: {  	s18 =	simm.s32 @p0 $0x1FC1;
	[bflag:$0x0] =	sbarrier.arrive $0xFFFF  }
0x30: {  	[hbm:s9], [sflag:s18] =	dma.local @p0 [spmem:s13], $0x1900  }
0x31: {  	s18 =	simm.s32 @p0 $0x1  }
0x32: {  	s17 =	sadd.s32 $0x1, s17;
	_ =	swait.ge @p0 [sflag:s18], $0x1900  }
0x33: {  	p1 =	sne.s32 s17, s10;
	[sflag:s18] =	ssyncset.done @p0 $0x0  }
.Ltmp1:
0x34: {  	[sflag:s18] =	ssyncadd.s32 @p0 $0xFFFFE700;
	s18 =	simm.s32 @!p0 $0x1;
	(pc) =	sbr.rel @p1 .LBB2_1-.Ltmp1, $4  }
0x35: {  	[hbm:s8], [sflag:s14] =	dma.local @!p0 [spmem:s15], $0x2800  }
0x36: {  	_ =	swait.ge @!p0 [sflag:s18], $0x2800  }
0x37: {  	[sflag:s18] =	ssyncset.done @!p0 $0x0  }
0x38: {  	[sflag:s18] =	ssyncadd.s32 @!p0 $0xFFFFD800  }
0x39: {  	_ =	sfence.sel $0x180000  }
0x3a: {  	[bflag:$0x0] =	sbarrier.arrive $0xFFFF  }
0x3b: {  	p0 =	sne.s32 s1, $0x0;
	_ =	strace $0x90000047  }
0x3c: {  	s0 =	sadd.s32 @!p0 $0x100000, s0;
	[bflag:$0x2] =	sbarrier.arrive $0xFFFF  }
0x3d: {  	[sflag:s0] =	ssyncadd.tile.s32 @!p0 $0x1;
	_ =	shalt  }
.Lfunc_end2:
_tile_overlayer_lowered:
.L_overlay_start_2:
0x3e: {  	(tag) =	ssettag $0x2  }
0x3f: {  	s0 =	rddreg [dreg:$0x0];
	s2 =	stileid.u32  }
0x40: {  	s1 =	rddreg [dreg:$0x1];
	p0 =	sne.s32 s2, $0x0  }
0x41: {  	s3 =	rddreg [dreg:$0x2];
	[bflag:$0x3] =	sbarrier.arrive $0xFFFF;
	s2 =	simm.s32 @!p0 $0x1C01  }
0x42: {  	[timem:s3], [sflag:s2] =	dma.local @!p0 [hbm:s0], s1  }
0x43: {  	s0 =	simm.s32 @!p0 $0x1  }
0x44: {  	_ =	swait.ge @!p0 [sflag:s0], s1  }
0x45: {  	s1 =	ssub.s32 @!p0 $0x0, s1;
	[sflag:s0] =	ssyncset.done @!p0 $0x0  }
0x46: {  	[sflag:s0] =	ssyncadd.s32 @!p0 s1  }
0x47: {  	[bflag:$0x3] =	sbarrier.arrive $0xFFFF  }
0x48: {  	_ =	shalt  }

// kernel: kernel.13.cloned.1.call-start
scs
__scs_entry_jumppad:
0x0: {  	(pc) =	sbr.rel $0x88, $3  }
0x1: {  	(tag) =	ssettag $0x0;
	lr =	simm.s32 $0x1  }
0x2: {  	[smem:$0x3F96] =	sst lr;
	_ =	strace $0xD0000000  }
0x3: {  	_ = 	snop  }
0x4: {  	_ = 	snop  }
0x5: {  	_ = 	snop  }
0x6: {  	_ = 	snop  }
0x7: {  	_ = 	snop  }
__scs_overlays_trampoline_lowered:
0x8: {  	[smem:$0x3FA5] =	sst s0  }
0x9: {  	[smem:$0x3FA6] =	sst s1  }
0xa: {  	[smem:$0x3FA7] =	sst s2  }
0xb: {  	[smem:$0x3FA8] =	sst s3  }
0xc: {  	[smem:$0x3FA9] =	sst s4  }
0xd: {  	[smem:$0x3FAA] =	sst s5  }
0xe: {  	[smem:$0x3FAB] =	sst s6  }
0xf: {  	[smem:$0x3FAC] =	sst s7  }
0x10: {  	[smem:$0x3FAD] =	sst s8  }
0x11: {  	[smem:$0x3FAE] =	sst s9;
	s0 =	simm.s32 @!p0 $0x0  }
0x12: {  	s1 =	sld [smem:$0x3F94];
	s0 =	simm.s32 @p0 $0x1  }
0x13: {  	[smem:$0x3FAF] =	sst s0;
	s0 =	simm.s32 @!p1 $0x0  }
0x14: {  	s2 =	sld [smem:$0x3F93];
	s0 =	simm.s32 @p1 $0x1  }
0x15: {  	[smem:$0x3FB0] =	sst s0;
	s0 =	simm.s32 @!p2 $0x0  }
0x16: {  	s3 =	sld [smem:$0x3FDB];
	s0 =	simm.s32 @p2 $0x1  }
0x17: {  	s4 =	simm.s32 $0x1BF5;
	[smem:$0x3FB2] =	sst s0  }
0x18: {  	s0 =	sld [smem:$0x3F95];
	_ =	swait.ge [sflag:s4], $0x0  }
0x19: {  	s7 =	sld [smem:$0x3F96]  }
0x1a: {  	s8 =	sadd.s32 $0xFFFFE003, lr  }
0x1b: {  	s9 =	sadd.s32 $0xFFFFFEF7, lr;
	s5 =	simm.s32 $0xFFFFFFFF;
	p2 =	slt.u32 s8, $0xFFFFF086  }
0x1c: {  	p1 =	slt.u32 s9, $0xF7A;
	s5 =	simm.s32 @!p2 $0x0  }
0x1d: {  	s5 =	simm.s32 @p1 $0x1;
	p0 =	seq.s32 s7, s2  }
0x1e: {  	s7 =	smul.u32 @!p0 $0xF7A, s2;
	p2 =	seq.s32 @!p0 s5, $0x0  }
0x1f: {  	s9 =	smul.u32 $0xF7A, s1;
	s8 =	simm.s32 @!p0 $0x1BF5;
	p2 =	por !p2, p0  }
0x20: {  	[sflag:s8] =	ssyncset.s32 @!p0 $0xFFFFF086;
	s6 =	sadd.s32 @!p0 s3, s7;
	s7 =	simm.s32 @!p0 $0x108  }
0x21: {  	s3 =	sadd.s32 s3, s9;
	s6 =	sadd.s32 @!p0 $0x88, s6;
	s7 =	simm.s32 @p2 $0x1082  }
0x22: {  	[simem:s7], [sflag:s8] =	dma.local @!p0 [hbm:s6], $0xF7A  }
0x23: {  	s9 =	sor.u32 $0xD0000000, s2;
	s6 =	simm.s32 $0x108;
	_ =	swait.ge @!p0 [sflag:s8], $0x0  }
0x24: {  	s3 =	sadd.s32 $0x88, s3;
	s6 =	simm.s32 @!p1 $0x1082;
	[sflag:s4] =	ssyncset.s32 $0xFFFFF086  }
0x25: {  	[simem:s6], [sflag:s4] =	dma.local [hbm:s3], $0xF7A  }
0x26: {  	[smem:$0x3F96] =	sst s1;
	(tag) =	ssettag s2;
	_ =	strace s9  }
0x27: {  	s1 =	sld [smem:$0x3FA6]  }
0x28: {  	s2 =	sld [smem:$0x3FA7]  }
0x29: {  	s4 =	sld [smem:$0x3FA9]  }
0x2a: {  	p0 =	seq.s32 s5, $0x0;
	s5 =	sld [smem:$0x3FAA]  }
0x2b: {  	s6 =	sld [smem:$0x3FAB]  }
0x2c: {  	s7 =	sld [smem:$0x3FAC]  }
0x2d: {  	s3 =	simm.s32 $0x108;
	s8 =	sld [smem:$0x3FAD]  }
0x2e: {  	s3 =	simm.s32 @!p0 $0x1082;
	s9 =	sld [smem:$0x3FAE]  }
0x2f: {  	lr =	sadd.s32 s0, s3;
	s0 =	sld [smem:$0x3FA5]  }
0x30: {  	s3 =	sld [smem:$0x3FA8]  }
0x31: {  	[smem:$0x3FB1] =	sst s10  }
0x32: {  	s10 =	sld [smem:$0x3FAF];
	_ =	sdelay $0x3  }
0x33: {  	p0 =	seq.s32 s10, $0x1;
	s10 =	sld [smem:$0x3FB1];
	_ =	sdelay $0x3  }
0x34: {  	[smem:$0x3FB1] =	sst s10  }
0x35: {  	s10 =	sld [smem:$0x3FB0];
	_ =	sdelay $0x3  }
0x36: {  	p1 =	seq.s32 s10, $0x1;
	s10 =	sld [smem:$0x3FB1];
	_ =	sdelay $0x3  }
0x37: {  	[smem:$0x3FB1] =	sst s10  }
0x38: {  	s10 =	sld [smem:$0x3FB2]  }
0x39: {  	_ = 	snop;
	(pc) =	sbr.ind lr, $3  }
0x3a: {  	_ = 	snop  }
0x3b: {  	_ = 	snop  }
0x3c: {  	p2 =	seq.s32 s10, $0x1;
	s10 =	sld [smem:$0x3FB1]  }
0x3d: {  	_ =	shalt  }
0x3e: {  	_ =	shalt  }
0x3f: {  	_ =	shalt  }
0x40: {  	_ =	shalt  }
0x41: {  	_ =	shalt  }
0x42: {  	_ =	shalt  }
0x43: {  	_ =	shalt  }
0x44: {  	_ =	shalt  }
0x45: {  	_ =	shalt  }
0x46: {  	_ =	shalt  }
0x47: {  	_ =	shalt  }
0x48: {  	_ =	shalt  }
0x49: {  	_ =	shalt  }
0x4a: {  	_ =	shalt  }
0x4b: {  	_ =	shalt  }
0x4c: {  	_ =	shalt  }
0x4d: {  	_ =	shalt  }
0x4e: {  	_ =	shalt  }
0x4f: {  	_ =	shalt  }
0x50: {  	_ =	shalt  }
0x51: {  	_ =	shalt  }
0x52: {  	_ =	shalt  }
0x53: {  	_ =	shalt  }
0x54: {  	_ =	shalt  }
0x55: {  	_ =	shalt  }
0x56: {  	_ =	shalt  }
0x57: {  	_ =	shalt  }
0x58: {  	_ =	shalt  }
0x59: {  	_ =	shalt  }
0x5a: {  	_ =	shalt  }
0x5b: {  	_ =	shalt  }
0x5c: {  	_ =	shalt  }
0x5d: {  	_ =	shalt  }
0x5e: {  	_ =	shalt  }
0x5f: {  	_ =	shalt  }
0x60: {  	_ =	shalt  }
0x61: {  	_ =	shalt  }
0x62: {  	_ =	shalt  }
0x63: {  	_ =	shalt  }
0x64: {  	_ =	shalt  }
0x65: {  	_ =	shalt  }
0x66: {  	_ =	shalt  }
0x67: {  	_ =	shalt  }
0x68: {  	_ =	shalt  }
0x69: {  	_ =	shalt  }
0x6a: {  	_ =	shalt  }
0x6b: {  	_ =	shalt  }
0x6c: {  	_ =	shalt  }
0x6d: {  	_ =	shalt  }
0x6e: {  	_ =	shalt  }
0x6f: {  	_ =	shalt  }
0x70: {  	_ =	shalt  }
0x71: {  	_ =	shalt  }
0x72: {  	_ =	shalt  }
0x73: {  	_ =	shalt  }
0x74: {  	_ =	shalt  }
0x75: {  	_ =	shalt  }
0x76: {  	_ =	shalt  }
0x77: {  	_ =	shalt  }
0x78: {  	_ =	shalt  }
0x79: {  	_ =	shalt  }
0x7a: {  	_ =	shalt  }
0x7b: {  	_ =	shalt  }
0x7c: {  	_ =	shalt  }
0x7d: {  	_ =	shalt  }
0x7e: {  	_ =	shalt  }
0x7f: {  	_ =	shalt  }
0x80: {  	_ =	shalt  }
0x81: {  	_ =	shalt  }
0x82: {  	_ =	shalt  }
0x83: {  	_ =	shalt  }
0x84: {  	_ =	shalt  }
0x85: {  	_ =	shalt  }
0x86: {  	_ =	shalt  }
0x87: {  	_ =	shalt  }
.Lfunc_end0:
.L_simem_size_0:
called_computation.1_lowered:
.L_overlay_start_0:
0x88: {  	s2 =	sld [smem:$0x3FD9]  }
0x89: {  	s3 =	sld [smem:$0x3FFE];
	_ =	sdelay $0x1  }
0x8a: {  	s1 =	srdreg.scid  }
0x8b: {  	s0 =	sand.u32 $0x1, s1  }
0x8c: {  	s17 =	sshll.u32 s0, $0xA;
	s2 =	sadd.s32 s3, s2  }
0x8d: {  	s2 =	sadd.s32 s2, s17  }
0x8e: {  	[smem:$0x3FBD] =	sst s2  }
0x8f: {  	_ = 	snop  }
0x90: {  	s2 =	sld [smem:$0x3FD0];
	(tm) =	ssettm $0x1  }
0x91: {  	s18 =	sld [smem:$0x3FFB];
	_ =	sdelay $0x3  }
0x92: {  	_ =	strace s18  }
0x93: {  	s3 =	sld [smem:$0x3FFC];
	_ =	sdelay $0x3  }
0x94: {  	_ =	strace s3  }
0x95: {  	s3 =	sld [smem:$0x3FFD];
	_ =	sdelay $0x3  }
0x96: {  	_ =	strace s3  }
0x97: {  	_ =	strace $0x8FFFFFFF  }
0x98: {  	s19 =	sld [smem:$0x3FDB];
	_ =	sdelay $0x1  }
0x99: {  	s4 =	simm.s32 $_scs_section_size  }
0x9a: {  	s5 =	simm.s32 $_size__tile_overlayer_lowered;
	s6 =	simm.s32 $_tile_overlayer_lowered  }
0x9b: {  	s22 =	simm.s32 $0x1BFF;
	s21 =	sshll.u32 s6, $0x1;
	s3 =	sadd.s32 s4, s19  }
0x9c: {  	s7 =	simm.s32 $0x0;
	s20 =	sshll.u32 s5, $0x1;
	s5 =	sadd.s32 s21, s3  }
0x9d: {  	[timem:s7], [sflag:s22] =	dma.local [hbm:s5], s20  }
0x9e: {  	_ =	swait.ge [sflag:s22], s20  }
0x9f: {  	s4 =	ssub.s32 $0x0, s20;
	[sflag:s22] =	ssyncset.done $0x0  }
0xa0: {  	[sflag:s22] =	ssyncadd.s32 s4;
	_ =	sdelay $0x1  }
0xa1: {  	s23 =	simm.s32 $0x1B8B  }
0xa2: {  	_ =	swait.ge [sflag:s23], $0x1  }
0xa3: {  	[sflag:s23] =	ssyncset.done $0x0  }
0xa4: {  	s25 =	simm.s32 $0x1B8E;
	s24 =	sld [smem:$0x3FFE];
	[sflag:s23] =	ssyncadd.s32 $0xFFFFFFFF  }
0xa5: {  	s26 =	simm.s32 $execute0_lowered;
	[smem:$0x3FD2] =	sst s25  }
0xa6: {  	s5 =	sshll.u32 s26, $0x1;
	_ =	strace $0x80000049;
	[dreg:$0x1] =	wrdreg $0xFFFFFFFF  }
0xa7: {  	s28 =	simm.s32 $_size_execute0_lowered;
	s3 =	sadd.s32 s3, s5;
	[dreg:$0x0] =	wrdreg $0x0  }
0xa8: {  	s5 =	sshll.u32 s28, $0x1;
	[dreg:$0x2] =	wrdreg s3  }
0xa9: {  	[dreg:$0x3] =	wrdreg s5  }
0xaa: {  	[dreg:$0x4] =	wrdreg $0xC0  }
0xab: {  	_ =	task [dreg:s7], $0x5FFFF  }
0xac: {  	[dreg:$0x1] =	wrdreg $0xFFFFFFFF  }
0xad: {  	[dreg:$0x0] =	wrdreg $0x60  }
0xae: {  	[dreg:$0x2] =	wrdreg s2  }
0xaf: {  	[dreg:$0x3] =	wrdreg s24  }
0xb0: {  	[dreg:$0x4] =	wrdreg $0xA4000  }
0xb1: {  	[dreg:$0x5] =	wrdreg $0x9  }
0xb2: {  	_ =	task.clear_ibuf [dreg:s7], $0x6FFFF;
	_ =	strace $0x90000049  }
0xb3: {  	s29 =	simm.s32 $0x9;
	_ =	strace $0x8000004B  }
0xb4: {  	_ =	swait.ge [sflag:s29], $0x1  }
0xb5: {  	[sflag:s29] =	ssyncadd.s32 $0xFFFFFFFF  }
0xb6: {  	_ =	strace $0x9000004B  }
0xb7: {  	_ =	sfence  }
0xb8: {  	s30 =	sld [smem:$0x0];
	_ =	sdelay $0x2  }
0xb9: {  	s31 =	sshll.u32 s1, $0xD;
	s1 =	sshrl.u32 s1, $0x2  }
0xba: {  	s3 =	sand.u32 $0x4000, s31;
	s1 =	sadd.s32 s1, s30  }
0xbb: {  	s0 =	sor.u32 s3, s0;
	s1 =	sshll.u32 s1, $0x11  }
0xbc: {  	s0 =	sor.u32 s1, s0  }
0xbd: {  	s0 =	sadd.s32 $0x8F2B, s0  }
0xbe: {  	[sflag:s0] =	ssyncadd.remote.s32 $0x1  }
0xbf: {  	_ =	sfence.sel $0xFFFF  }
0xc0: {  	[dreg:$0x0] =	wrdreg $0xFFFFFFFF;
	(pc) =	sbr.abs _section_cstart, $3  }
0xc1: {  	[dreg:$0x1] =	wrdreg $0xFFFFFFFF  }
0xc2: {  	_ =	task.clear_ibuf [dreg:s7], $0x2FFFF;
	_ =	strace $0x9FFFFFFF  }
0xc3: {  	(tm) =	ssettm $0x7FFFFFFF  }
tec
execute0_lowered:
.L_overlay_start_1:
0x0: {  	(tag) =	ssettag $0x1  }
0x1: {  	s1 =	rddreg [dreg:$0x0]  }
0x2: {  	s0 =	rddreg [dreg:$0x1]  }
0x3: {  	s2 =	rddreg [dreg:$0x2]  }
0x4: {  	s4 =	simm.s32 $0x0;
	s3 =	srdreg.scid;
	s12 =	stileid.u32  }
0x5: {  	s28 =	simm.s32 $0x200;
	s31 =	simm.s32 $0x100;
	s29 =	simm.s32 $0x7C00  }
0x6: {  	s30 =	simm.s32 $0xA;
	[smem:$0x7FF] =	sst s4;
	s5 =	smul.u32 $0x2800, s12  }
0x7: {  	s3 =	sand.u32 $0x1, s3;
	s13 =	sadd.s32 $0x98400, s0;
	s22 =	smul.u32 $0x50000, s12  }
0x8: {  	s14 =	sadd.s32 $0x88A00, s0;
	s9 =	sadd.s32 $0xA7E00, s0;
	s25 =	smul.u32 $0x14000, s12  }
0x9: {  	p0 =	seq.s32 s12, $0xF;
	s6 =	sshll.u32 s3, $0x4;
	s24 =	smul.u32 $0x138800, s3  }
0xa: {  	s7 =	ssub.s32 $0x2, s3;
	s3 =	smul.u32 $0x7D0, s3;
	s6 =	sor.u32 s12, s6  }
0xb: {  	_ =	strace $0x8000004A;
	[dreg:$0x4] =	wrdreg s13;
	s8 =	smul.u32 $0x3E80, s6  }
0xc: {  	s5 =	sadd.s32 s5, s0;
	s10 =	sshrl.u32 s7, $0x1;
	s11 =	smul.u32 $0x7D0, s6  }
0xd: {  	s0 =	sadd.s32 $0x38800, s0;
	s7 =	ssub.s32 s7, s10;
	s6 =	smul.u32 $0x7D, s6  }
0xe: {  	s10 =	sshrl.u32 s22, $0x2;
	s5 =	sadd.s32 $0x13000, s5;
	[dreg:$0xe] =	wrdreg s0  }
0xf: {  	s16 =	sshrl.u32 s24, $0x3;
	s26 =	sadd.s32 s10, s2;
	s10 =	smul.u32 $0x7D, s12  }
0x10: {  	[dreg:$0xd] =	wrdreg s5;
	s17 =	sadd.s32 s9, s16;
	s18 =	smax.u32 s7, $0x1  }
0x11: {  	s12 =	simm.s32 $0x1;
	s16 =	simm.s32 $0x7;
	[dreg:$0x5] =	wrdreg s6  }
0x12: {  	s5 =	simm.s32 $0x4;
	s19 =	sshrl.u32 s8, $0x3;
	[dreg:$0xc] =	wrdreg s26  }
0x13: {  	s20 =	sadd.s32 s13, s11;
	s11 =	sadd.s32 s14, s11;
	[dreg:$0x11] =	wrdreg s18  }
0x14: {  	s26 =	sadd.s32 $0x12C000, s2;
	s18 =	simm.s32 $0x2;
	[dreg:$0x6] =	wrdreg s20  }
0x15: {  	s21 =	sadd.s32 $0x10, s19;
	[dreg:$0x7] =	wrdreg s11;
	s6 =	sadd.s32 $0x20, s19  }
0x16: {  	s3 =	sadd.s32 s10, s3;
	[dreg:$0x17] =	wrdreg s26;
	s23 =	sadd.s32 s13, s21  }
0x17: {  	s10 =	simm.s32 $0x6;
	s8 =	sadd.s32 s14, s21;
	[dreg:$0x8] =	wrdreg s23  }
0x18: {  	s11 =	simm.s32 $0x2C00;
	s15 =	sadd.s32 s13, s6;
	[dreg:$0x9] =	wrdreg s8  }
0x19: {  	s26 =	simm.s32 $0x8;
	s6 =	sadd.s32 s14, s6;
	[dreg:$0xa] =	wrdreg s15  }
0x1a: {  	s3 =	sshll.u32 s3, $0x4;
	[dreg:$0xb] =	wrdreg s6;
	s15 =	sadd.s32 s25, s24  }
0x1b: {  	s19 =	sadd.s32 $0x60, s3;
	s21 =	sadd.s32 $0x50, s3;
	s23 =	sadd.s32 s3, s13  }
0x1c: {  	s3 =	sadd.s32 s3, s14;
	s24 =	smov.u32 s14;
	s8 =	simm.s32 $0x50  }
0x1d: {  	s6 =	simm.s32 $0xB;
	s0 =	sshrl.u32 s15, $0x3;
	s20 =	sadd.s32 s19, s13  }
0x1e: {  	s22 =	sadd.s32 s21, s13;
	s25 =	sadd.s32 $0x40, s23;
	[dreg:$0x12] =	wrdreg s20  }
0x1f: {  	s13 =	simm.s32 $0x3;
	s15 =	simm.s32 $0x380;
	[dreg:$0x14] =	wrdreg s22  }
0x20: {  	s0 =	sadd.s32 s9, s0;
	[dreg:$0x16] =	wrdreg s25;
	s25 =	sadd.s32 $0x40, s3  }
.Ltmp0:
0x21: {  	s3 =	simm.s32 $0x5;
	s9 =	simm.s32 $0x400;
	(pc) =	sbr.rel .LBB2_1-.Ltmp0, $4  }
0x22: {  	[dreg:$0xf] =	wrdreg s0;
	s0 =	sadd.s32 $0x25800, s17;
	s17 =	simm.s32 $0x5400  }
0x23: {  	[dreg:$0x10] =	wrdreg s0;
	s0 =	sadd.s32 s19, s14;
	s19 =	simm.s32 $0x9  }
0x24: {  	[dreg:$0x13] =	wrdreg s0;
	s0 =	sadd.s32 s21, s14;
	s14 =	simm.s32 $0x180  }
0x25: {  	s21 =	simm.s32 $0x0;
	[dreg:$0x15] =	wrdreg s0;
	s0 =	simm.s32 $0x300  }
.LBB2_4:
0x26: {  	_ =	swait.ge [sflag:s12], $0x2800  }
0x27: {  	[sflag:s12] =	ssyncset.done $0x0  }
0x28: {  	s7 =	simm.s32 $0xC;
	[sflag:s12] =	ssyncadd.s32 $0xFFFFD800  }
0x29: {  	[spmem:s2] =	stream.indirect.scatter.add.f32 [tilespmem:s9], [sflag:$0x9], $0x80, s28, s8, $0xb8;
	[tilespmem:$0x1DC80] =	vst v63  }
0x2a: {  	_ =	swait.ge [sflag:s7], $0x2800  }
0x2b: {  	[sflag:s7] =	ssyncset.done $0x0  }
0x2c: {  	[sflag:s7] =	ssyncadd.s32 $0xFFFFD800  }
0x2d: {  	_ =	swait.ge [sflag:s19], $0x2800  }
0x2e: {  	[sflag:s19] =	ssyncset.done $0x0  }
0x2f: {  	[sflag:s19] =	ssyncadd.s32 $0xFFFFD800  }
0x30: {  	[bflag:$0x0] =	sbarrier.arrive $0xFFFF  }
0x31: {  	s20 =	rddreg [dreg:$0x10]  }
0x32: {  	s7 =	simm.s32 @p0 $0x1FCD;
	s21 =	rddreg [dreg:$0x19]  }
0x33: {  	[hbm:s20], [sflag:s7] =	dma.local @p0 [spmem:s21], $0x1900  }
0x34: {  	s7 =	simm.s32 @p0 $0xD  }
0x35: {  	_ =	swait.ge @p0 [sflag:s7], $0x1900  }
0x36: {  	s20 =	rddreg [dreg:$0x1a]  }
0x37: {  	[sflag:s7] =	ssyncset.done @p0 $0x0;
	s21 =	rddreg [dreg:$0x1b]  }
0x38: {  	[sflag:s7] =	ssyncadd.s32 @p0 $0xFFFFE700;
	s7 =	rddreg [dreg:$0xf]  }
0x39: {  	[hbm:s7], [sflag:s20] =	dma.local @!p0 [spmem:s21], $0x2800  }
0x3a: {  	s7 =	simm.s32 @!p0 $0xD  }
0x3b: {  	_ =	swait.ge @!p0 [sflag:s7], $0x2800  }
0x3c: {  	s22 =	rddreg [dreg:$0x18]  }
0x3d: {  	s23 =	rddreg [dreg:$0x11];
	s21 =	sadd.s32 $0x1, s22  }
0x3e: {  	p1 =	sne.s32 s21, s23  }
.Ltmp1:
0x3f: {  	_ = 	snop;
	(pc) =	sbr.rel @!p1 .LBB2_5-.Ltmp1, $3  }
0x40: {  	_ =	sdelay $0x1  }
0x41: {  	[sflag:s7] =	ssyncset.done @!p0 $0x0  }
0x42: {  	[sflag:s7] =	ssyncadd.s32 @!p0 $0xFFFFD800  }
.LBB2_1:
0x43: {  	[dreg:$0x18] =	wrdreg s21  }
0x44: {  	s7 =	rddreg [dreg:$0x6]  }
0x45: {  	[tilespmem:s4], [sflag:$0x5] =	stream.linear.gather [hbm4b:s7+s4], $0x80, $0x38;
	[tilespmem:$0x1DC80] =	vst v63  }
0x46: {  	s20 =	rddreg [dreg:$0x7]  }
0x47: {  	[tilespmem:s28], [sflag:$0x5] =	stream.linear.gather [hbm4b:s20+s4], $0x80, $0x38;
	[tilespmem:$0x1DC80] =	vst v63  }
0x48: {  	s21 =	rddreg [dreg:$0x8];
	s20 =	simm.s32 $0x80  }
0x49: {  	[tilespmem:s20], [sflag:$0x6] =	stream.linear.gather [hbm4b:s21+s4], $0x80, $0x38;
	[tilespmem:$0x1DC80] =	vst v63  }
0x4a: {  	s22 =	rddreg [dreg:$0x9];
	s23 =	simm.s32 $0x280  }
0x4b: {  	[tilespmem:s23], [sflag:$0x6] =	stream.linear.gather [hbm4b:s22+s4], $0x80, $0x38;
	[tilespmem:$0x1DC80] =	vst v63  }
0x4c: {  	s22 =	rddreg [dreg:$0xa]  }
0x4d: {  	[tilespmem:s31], [sflag:$0x7] =	stream.linear.gather [hbm4b:s22+s4], $0x80, $0x38;
	[tilespmem:$0x1DC80] =	vst v63  }
0x4e: {  	s23 =	rddreg [dreg:$0xb]  }
0x4f: {  	[tilespmem:s0], [sflag:$0x7] =	stream.linear.gather [hbm4b:s23+s4], $0x80, $0x38;
	[tilespmem:$0x1DC80] =	vst v63  }
0x50: {  	_ =	swait.ge [sflag:s3], $0x80  }
0x51: {  	[sflag:s3] =	ssyncset.done $0x0  }
0x52: {  	[sflag:s3] =	ssyncadd.s32 $0xFFFFFF80  }
0x53: {  	_ =	swait.ge [sflag:s3], $0x80  }
0x54: {  	[sflag:s3] =	ssyncset.done $0x0  }
0x55: {  	[sflag:s3] =	ssyncadd.s32 $0xFFFFFF80  }
0x56: {  	[tilespmem:s9], [sflag:$0x1] =	stream.indirect.gather [hbm4b:s1+s8], $0x80, s4, s8, $0xb8;
	[tilespmem:$0x1DC80] =	vst v63  }
0x57: {  	_ =	swait.ge [sflag:s10], $0x80  }
0x58: {  	[sflag:s10] =	ssyncset.done $0x0  }
0x59: {  	[sflag:s10] =	ssyncadd.s32 $0xFFFFFF80  }
0x5a: {  	_ =	swait.ge [sflag:s10], $0x80  }
0x5b: {  	[sflag:s10] =	ssyncset.done $0x0  }
0x5c: {  	s7 =	rddreg [dreg:$0x17];
	[sflag:s10] =	ssyncadd.s32 $0xFFFFFF80  }
0x5d: {  	[tilespmem:s11], [sflag:$0x2] =	stream.indirect.gather [hbm4b:s1+s8], $0x80, s20, s8, $0xb8;
	[tilespmem:$0x1DC80] =	vst v63  }
0x5e: {  	s21 =	sshrl.u32 @p0 s7, $0x3;
	s20 =	rddreg [dreg:$0xe]  }
0x5f: {  	s7 =	simm.s32 @p0 $0x1FCD;
	[dreg:$0x19] =	wrdreg s21  }
0x60: {  	[spmem:s21], [sflag:s7] =	dma.local @p0 [hbm:s20], $0x1900  }
0x61: {  	s7 =	simm.s32 @p0 $0xD  }
0x62: {  	s20 =	stileid.u32;
	_ =	swait.ge @p0 [sflag:s7], $0x1900  }
0x63: {  	s20 =	sshll.u32 @!p0 s20, $0x6;
	[sflag:s7] =	ssyncset.done @p0 $0x0  }
0x64: {  	s20 =	sor.u32 @!p0 $0x1C0D, s20;
	[sflag:s7] =	ssyncadd.s32 @p0 $0xFFFFE700;
	s7 =	rddreg [dreg:$0xc]  }
0x65: {  	[dreg:$0x1a] =	wrdreg s20  }
0x66: {  	s21 =	sshrl.u32 @!p0 s7, $0x3;
	s7 =	rddreg [dreg:$0xd]  }
0x67: {  	[dreg:$0x1b] =	wrdreg s21  }
0x68: {  	[spmem:s21], [sflag:s20] =	dma.local @!p0 [hbm:s7], $0x2800  }
0x69: {  	s7 =	simm.s32 @!p0 $0xD  }
0x6a: {  	_ =	swait.ge @!p0 [sflag:s7], $0x2800  }
0x6b: {  	[sflag:s7] =	ssyncset.done @!p0 $0x0  }
0x6c: {  	[sflag:s7] =	ssyncadd.s32 @!p0 $0xFFFFD800  }
0x6d: {  	s21 =	simm.s32 $0x3;
	s20 =	simm.s32 $0x0;
	[bflag:$0x0] =	sbarrier.arrive $0xFFFF  }
.LBB2_2:
0x6e: {  	_ =	swait.ge [sflag:s12], $0x2800;
	p1 =	seq.s32 s20, $0x0;
	s7 =	smov.u32 s21  }
0x6f: {  	[sflag:s12] =	ssyncset.done $0x0;
	s7 =	simm.s32 @p1 $0x3;
	s23 =	rddreg [dreg:$0x5]  }
0x70: {  	s22 =	simm.s32 @!p1 $0xC;
	[sflag:s12] =	ssyncadd.s32 $0xFFFFD800;
	s7 =	sadd.s32 s23, s7  }
0x71: {  	[spmem:s2] =	stream.indirect.scatter.add.f32 [tilespmem:s9], [sflag:$0x9], $0x80, s28, s8, $0xb8;
	[tilespmem:$0x1DC80] =	vst v63  }
0x72: {  	s7 =	sshll.u32 s7, $0x4;
	_ =	swait.ge @!p1 [sflag:s22], $0x2800  }
0x73: {  	s7 =	sand.u32 $0x1FFFFFF0, s7;
	[sflag:s22] =	ssyncset.done @!p1 $0x0;
	s23 =	rddreg [dreg:$0x4]  }
0x74: {  	[sflag:s22] =	ssyncadd.s32 @!p1 $0xFFFFD800;
	s22 =	sadd.s32 s23, s7  }
0x75: {  	[tilespmem:s14], [sflag:$0x8] =	stream.linear.gather [hbm4b:s22+s4], $0x80, $0x38;
	[tilespmem:$0x1DC80] =	vst v63  }
0x76: {  	s7 =	sadd.s32 s24, s7  }
0x77: {  	[tilespmem:s15], [sflag:$0x8] =	stream.linear.gather [hbm4b:s7+s4], $0x80, $0x38;
	[tilespmem:$0x1DC80] =	vst v63  }
0x78: {  	_ =	swait.ge [sflag:s16], $0x80  }
0x79: {  	[sflag:s16] =	ssyncset.done $0x0  }
0x7a: {  	[sflag:s16] =	ssyncadd.s32 $0xFFFFFF80  }
0x7b: {  	_ =	swait.ge [sflag:s16], $0x80  }
0x7c: {  	[sflag:s16] =	ssyncset.done $0x0  }
0x7d: {  	[sflag:s16] =	ssyncadd.s32 $0xFFFFFF80  }
0x7e: {  	[tilespmem:s17], [sflag:$0x3] =	stream.indirect.gather [hbm4b:s1+s8], $0x80, s31, s8, $0xb8;
	[tilespmem:$0x1DC80] =	vst v63  }
0x7f: {  	_ =	swait.ge [sflag:s18], $0x2800  }
0x80: {  	[sflag:s18] =	ssyncset.done $0x0  }
0x81: {  	s23 =	simm.s32 $0x280;
	[sflag:s18] =	ssyncadd.s32 $0xFFFFD800  }
0x82: {  	[spmem:s2] =	stream.indirect.scatter.add.f32 [tilespmem:s11], [sflag:$0xA], $0x80, s23, s8, $0xb8;
	[tilespmem:$0x1DC80] =	vst v63  }
0x83: {  	_ =	swait.ge [sflag:s19], $0x2800  }
0x84: {  	[sflag:s19] =	ssyncset.done $0x0;
	s22 =	rddreg [dreg:$0x16]  }
0x85: {  	[sflag:s19] =	ssyncadd.s32 $0xFFFFD800;
	s7 =	sadd.s32 s20, s22  }
0x86: {  	[tilespmem:s4], [sflag:$0x5] =	stream.linear.gather [hbm4b:s7+s4], $0x80, $0x38;
	[tilespmem:$0x1DC80] =	vst v63  }
0x87: {  	s23 =	sadd.s32 s20, s25  }
0x88: {  	[tilespmem:s28], [sflag:$0x5] =	stream.linear.gather [hbm4b:s23+s4], $0x80, $0x38;
	[tilespmem:$0x1DC80] =	vst v63  }
0x89: {  	_ =	swait.ge [sflag:s26], $0x80  }
0x8a: {  	[sflag:s26] =	ssyncset.done $0x0  }
0x8b: {  	[sflag:s26] =	ssyncadd.s32 $0xFFFFFF80  }
0x8c: {  	_ =	swait.ge [sflag:s26], $0x80  }
0x8d: {  	[sflag:s26] =	ssyncset.done $0x0  }
0x8e: {  	[sflag:s26] =	ssyncadd.s32 $0xFFFFFF80  }
0x8f: {  	[tilespmem:s29], [sflag:$0x4] =	stream.indirect.gather [hbm4b:s1+s8], $0x80, s14, s8, $0xb8;
	[tilespmem:$0x1DC80] =	vst v63  }
0x90: {  	_ =	swait.ge [sflag:s13], $0x2800  }
0x91: {  	[sflag:s13] =	ssyncset.done $0x0  }
0x92: {  	[sflag:s13] =	ssyncadd.s32 $0xFFFFD800  }
0x93: {  	[spmem:s2] =	stream.indirect.scatter.add.f32 [tilespmem:s17], [sflag:$0xB], $0x80, s0, s8, $0xb8;
	[tilespmem:$0x1DC80] =	vst v63  }
0x94: {  	p1 =	seq.s32 s20, $0x780;
	_ =	swait.ge [sflag:s30], $0x2800  }
0x95: {  	s22 =	simm.s32 @!p1 $0x0;
	[sflag:s30] =	ssyncset.done $0x0;
	s7 =	rddreg [dreg:$0x14]  }
0x96: {  	s23 =	simm.s32 @!p1 $0x80;
	[sflag:s30] =	ssyncadd.s32 $0xFFFFD800;
	s7 =	sadd.s32 @!p1 s20, s7  }
0x97: {  	[tilespmem:s23], [sflag:$0x6] =	stream.linear.gather @!p1 [hbm4b:s7+s22], $0x80, $0x38;
	[tilespmem:$0x1DC80] =	vst v63  }
0x98: {  	s7 =	rddreg [dreg:$0x15]  }
0x99: {  	s23 =	simm.s32 @!p1 $0x280;
	s7 =	sadd.s32 @!p1 s20, s7  }
0x9a: {  	[tilespmem:s23], [sflag:$0x6] =	stream.linear.gather @!p1 [hbm4b:s7+s22], $0x80, $0x38;
	[tilespmem:$0x1DC80] =	vst v63  }
0x9b: {  	_ =	swait.ge [sflag:s3], $0x80  }
0x9c: {  	[sflag:s3] =	ssyncset.done $0x0  }
0x9d: {  	[sflag:s3] =	ssyncadd.s32 $0xFFFFFF80  }
0x9e: {  	_ =	swait.ge [sflag:s3], $0x80  }
0x9f: {  	[sflag:s3] =	ssyncset.done $0x0  }
0xa0: {  	[sflag:s3] =	ssyncadd.s32 $0xFFFFFF80  }
0xa1: {  	[tilespmem:s9], [sflag:$0x1] =	stream.indirect.gather [hbm4b:s1+s8], $0x80, s4, s8, $0xb8;
	[tilespmem:$0x1DC80] =	vst v63  }
0xa2: {  	_ =	swait.ge [sflag:s5], $0x2800  }
0xa3: {  	[sflag:s5] =	ssyncset.done $0x0  }
.Ltmp2:
0xa4: {  	[sflag:s5] =	ssyncadd.s32 $0xFFFFD800;
	(pc) =	sbr.rel @p1 .LBB2_4-.Ltmp2, $4  }
0xa5: {  	[spmem:s2] =	stream.indirect.scatter.add.f32 [tilespmem:s29], [sflag:$0xC], $0x80, s15, s8, $0xb8;
	[tilespmem:$0x1DC80] =	vst v63  }
0xa6: {  	_ =	swait.ge [sflag:s6], $0x2800  }
0xa7: {  	[sflag:s6] =	ssyncset.done $0x0  }
0xa8: {  	[sflag:s6] =	ssyncadd.s32 $0xFFFFD800  }
0xa9: {  	s7 =	rddreg [dreg:$0x12]  }
0xaa: {  	s22 =	rddreg [dreg:$0x13];
	s7 =	sadd.s32 s20, s7  }
0xab: {  	[tilespmem:s31], [sflag:$0x7] =	stream.linear.gather [hbm4b:s7+s4], $0x80, $0x38;
	[tilespmem:$0x1DC80] =	vst v63  }
0xac: {  	s7 =	sadd.s32 s20, s22  }
0xad: {  	[tilespmem:s0], [sflag:$0x7] =	stream.linear.gather [hbm4b:s7+s4], $0x80, $0x38;
	[tilespmem:$0x1DC80] =	vst v63  }
0xae: {  	_ =	swait.ge [sflag:s10], $0x80  }
0xaf: {  	[sflag:s10] =	ssyncset.done $0x0  }
.Ltmp3:
0xb0: {  	[sflag:s10] =	ssyncadd.s32 $0xFFFFFF80;
	(pc) =	sbr.rel .LBB2_2-.Ltmp3, $4  }
0xb1: {  	_ =	swait.ge [sflag:s10], $0x80  }
0xb2: {  	s23 =	simm.s32 $0x80;
	[sflag:s10] =	ssyncset.done $0x0  }
0xb3: {  	s21 =	sadd.s32 $0x4, s21;
	s20 =	sadd.s32 $0x40, s20;
	[sflag:s10] =	ssyncadd.s32 $0xFFFFFF80  }
0xb4: {  	[tilespmem:s11], [sflag:$0x2] =	stream.indirect.gather [hbm4b:s1+s8], $0x80, s23, s8, $0xb8;
	[tilespmem:$0x1DC80] =	vst v63  }
.LBB2_5:
0xb5: {  	_ =	sfence.sel $0x180000  }
0xb6: {  	[bflag:$0x0] =	sbarrier.arrive $0xFFFF  }
0xb7: {  	_ =	strace $0x9000004A  }
0xb8: {  	s0 =	stileid.u32;
	[bflag:$0x2] =	sbarrier.arrive $0xFFFF  }
0xb9: {  	p0 =	sne.s32 s0, $0x0;
	s0 =	rddreg [dreg:$0x3]  }
0xba: {  	s0 =	sadd.s32 @!p0 $0x100000, s0  }
0xbb: {  	[sflag:s0] =	ssyncadd.tile.s32 @!p0 $0x1;
	_ =	shalt  }
.Lfunc_end2:
_tile_overlayer_lowered:
.L_overlay_start_2:
0xbc: {  	(tag) =	ssettag $0x2  }
0xbd: {  	s0 =	rddreg [dreg:$0x0];
	s2 =	stileid.u32  }
0xbe: {  	s1 =	rddreg [dreg:$0x1];
	p0 =	sne.s32 s2, $0x0  }
0xbf: {  	s3 =	rddreg [dreg:$0x2];
	[bflag:$0x3] =	sbarrier.arrive $0xFFFF;
	s2 =	simm.s32 @!p0 $0x1C0D  }
0xc0: {  	[timem:s3], [sflag:s2] =	dma.local @!p0 [hbm:s0], s1  }
0xc1: {  	s0 =	simm.s32 @!p0 $0xD  }
0xc2: {  	_ =	swait.ge @!p0 [sflag:s0], s1  }
0xc3: {  	s1 =	ssub.s32 @!p0 $0x0, s1;
	[sflag:s0] =	ssyncset.done @!p0 $0x0  }
0xc4: {  	[sflag:s0] =	ssyncadd.s32 @!p0 s1  }
0xc5: {  	[bflag:$0x3] =	sbarrier.arrive $0xFFFF  }
0xc6: {  	_ =	shalt  }

// kernel: kernel.16.cloned.1.call-start
scs
__scs_entry_jumppad:
0x0: {  	(pc) =	sbr.rel $0x88, $3  }
0x1: {  	(tag) =	ssettag $0x0;
	lr =	simm.s32 $0x1  }
0x2: {  	[smem:$0x3F96] =	sst lr;
	_ =	strace $0xD0000000  }
0x3: {  	_ = 	snop  }
0x4: {  	_ = 	snop  }
0x5: {  	_ = 	snop  }
0x6: {  	_ = 	snop  }
0x7: {  	_ = 	snop  }
__scs_overlays_trampoline_lowered:
0x8: {  	[smem:$0x3FA5] =	sst s0  }
0x9: {  	[smem:$0x3FA6] =	sst s1  }
0xa: {  	[smem:$0x3FA7] =	sst s2  }
0xb: {  	[smem:$0x3FA8] =	sst s3  }
0xc: {  	[smem:$0x3FA9] =	sst s4  }
0xd: {  	[smem:$0x3FAA] =	sst s5  }
0xe: {  	[smem:$0x3FAB] =	sst s6  }
0xf: {  	[smem:$0x3FAC] =	sst s7  }
0x10: {  	[smem:$0x3FAD] =	sst s8  }
0x11: {  	[smem:$0x3FAE] =	sst s9;
	s0 =	simm.s32 @!p0 $0x0  }
0x12: {  	s1 =	sld [smem:$0x3F94];
	s0 =	simm.s32 @p0 $0x1  }
0x13: {  	[smem:$0x3FAF] =	sst s0;
	s0 =	simm.s32 @!p1 $0x0  }
0x14: {  	s2 =	sld [smem:$0x3F93];
	s0 =	simm.s32 @p1 $0x1  }
0x15: {  	[smem:$0x3FB0] =	sst s0;
	s0 =	simm.s32 @!p2 $0x0  }
0x16: {  	s3 =	sld [smem:$0x3FDB];
	s0 =	simm.s32 @p2 $0x1  }
0x17: {  	s4 =	simm.s32 $0x1BF5;
	[smem:$0x3FB2] =	sst s0  }
0x18: {  	s0 =	sld [smem:$0x3F95];
	_ =	swait.ge [sflag:s4], $0x0  }
0x19: {  	s7 =	sld [smem:$0x3F96]  }
0x1a: {  	s8 =	sadd.s32 $0xFFFFE003, lr  }
0x1b: {  	s9 =	sadd.s32 $0xFFFFFEF7, lr;
	s5 =	simm.s32 $0xFFFFFFFF;
	p2 =	slt.u32 s8, $0xFFFFF086  }
0x1c: {  	p1 =	slt.u32 s9, $0xF7A;
	s5 =	simm.s32 @!p2 $0x0  }
0x1d: {  	s5 =	simm.s32 @p1 $0x1;
	p0 =	seq.s32 s7, s2  }
0x1e: {  	s7 =	smul.u32 @!p0 $0xF7A, s2;
	p2 =	seq.s32 @!p0 s5, $0x0  }
0x1f: {  	s9 =	smul.u32 $0xF7A, s1;
	s8 =	simm.s32 @!p0 $0x1BF5;
	p2 =	por !p2, p0  }
0x20: {  	[sflag:s8] =	ssyncset.s32 @!p0 $0xFFFFF086;
	s6 =	sadd.s32 @!p0 s3, s7;
	s7 =	simm.s32 @!p0 $0x108  }
0x21: {  	s3 =	sadd.s32 s3, s9;
	s6 =	sadd.s32 @!p0 $0x88, s6;
	s7 =	simm.s32 @p2 $0x1082  }
0x22: {  	[simem:s7], [sflag:s8] =	dma.local @!p0 [hbm:s6], $0xF7A  }
0x23: {  	s9 =	sor.u32 $0xD0000000, s2;
	s6 =	simm.s32 $0x108;
	_ =	swait.ge @!p0 [sflag:s8], $0x0  }
0x24: {  	s3 =	sadd.s32 $0x88, s3;
	s6 =	simm.s32 @!p1 $0x1082;
	[sflag:s4] =	ssyncset.s32 $0xFFFFF086  }
0x25: {  	[simem:s6], [sflag:s4] =	dma.local [hbm:s3], $0xF7A  }
0x26: {  	[smem:$0x3F96] =	sst s1;
	(tag) =	ssettag s2;
	_ =	strace s9  }
0x27: {  	s1 =	sld [smem:$0x3FA6]  }
0x28: {  	s2 =	sld [smem:$0x3FA7]  }
0x29: {  	s4 =	sld [smem:$0x3FA9]  }
0x2a: {  	p0 =	seq.s32 s5, $0x0;
	s5 =	sld [smem:$0x3FAA]  }
0x2b: {  	s6 =	sld [smem:$0x3FAB]  }
0x2c: {  	s7 =	sld [smem:$0x3FAC]  }
0x2d: {  	s3 =	simm.s32 $0x108;
	s8 =	sld [smem:$0x3FAD]  }
0x2e: {  	s3 =	simm.s32 @!p0 $0x1082;
	s9 =	sld [smem:$0x3FAE]  }
0x2f: {  	lr =	sadd.s32 s0, s3;
	s0 =	sld [smem:$0x3FA5]  }
0x30: {  	s3 =	sld [smem:$0x3FA8]  }
0x31: {  	[smem:$0x3FB1] =	sst s10  }
0x32: {  	s10 =	sld [smem:$0x3FAF];
	_ =	sdelay $0x3  }
0x33: {  	p0 =	seq.s32 s10, $0x1;
	s10 =	sld [smem:$0x3FB1];
	_ =	sdelay $0x3  }
0x34: {  	[smem:$0x3FB1] =	sst s10  }
0x35: {  	s10 =	sld [smem:$0x3FB0];
	_ =	sdelay $0x3  }
0x36: {  	p1 =	seq.s32 s10, $0x1;
	s10 =	sld [smem:$0x3FB1];
	_ =	sdelay $0x3  }
0x37: {  	[smem:$0x3FB1] =	sst s10  }
0x38: {  	s10 =	sld [smem:$0x3FB2]  }
0x39: {  	_ = 	snop;
	(pc) =	sbr.ind lr, $3  }
0x3a: {  	_ = 	snop  }
0x3b: {  	_ = 	snop  }
0x3c: {  	p2 =	seq.s32 s10, $0x1;
	s10 =	sld [smem:$0x3FB1]  }
0x3d: {  	_ =	shalt  }
0x3e: {  	_ =	shalt  }
0x3f: {  	_ =	shalt  }
0x40: {  	_ =	shalt  }
0x41: {  	_ =	shalt  }
0x42: {  	_ =	shalt  }
0x43: {  	_ =	shalt  }
0x44: {  	_ =	shalt  }
0x45: {  	_ =	shalt  }
0x46: {  	_ =	shalt  }
0x47: {  	_ =	shalt  }
0x48: {  	_ =	shalt  }
0x49: {  	_ =	shalt  }
0x4a: {  	_ =	shalt  }
0x4b: {  	_ =	shalt  }
0x4c: {  	_ =	shalt  }
0x4d: {  	_ =	shalt  }
0x4e: {  	_ =	shalt  }
0x4f: {  	_ =	shalt  }
0x50: {  	_ =	shalt  }
0x51: {  	_ =	shalt  }
0x52: {  	_ =	shalt  }
0x53: {  	_ =	shalt  }
0x54: {  	_ =	shalt  }
0x55: {  	_ =	shalt  }
0x56: {  	_ =	shalt  }
0x57: {  	_ =	shalt  }
0x58: {  	_ =	shalt  }
0x59: {  	_ =	shalt  }
0x5a: {  	_ =	shalt  }
0x5b: {  	_ =	shalt  }
0x5c: {  	_ =	shalt  }
0x5d: {  	_ =	shalt  }
0x5e: {  	_ =	shalt  }
0x5f: {  	_ =	shalt  }
0x60: {  	_ =	shalt  }
0x61: {  	_ =	shalt  }
0x62: {  	_ =	shalt  }
0x63: {  	_ =	shalt  }
0x64: {  	_ =	shalt  }
0x65: {  	_ =	shalt  }
0x66: {  	_ =	shalt  }
0x67: {  	_ =	shalt  }
0x68: {  	_ =	shalt  }
0x69: {  	_ =	shalt  }
0x6a: {  	_ =	shalt  }
0x6b: {  	_ =	shalt  }
0x6c: {  	_ =	shalt  }
0x6d: {  	_ =	shalt  }
0x6e: {  	_ =	shalt  }
0x6f: {  	_ =	shalt  }
0x70: {  	_ =	shalt  }
0x71: {  	_ =	shalt  }
0x72: {  	_ =	shalt  }
0x73: {  	_ =	shalt  }
0x74: {  	_ =	shalt  }
0x75: {  	_ =	shalt  }
0x76: {  	_ =	shalt  }
0x77: {  	_ =	shalt  }
0x78: {  	_ =	shalt  }
0x79: {  	_ =	shalt  }
0x7a: {  	_ =	shalt  }
0x7b: {  	_ =	shalt  }
0x7c: {  	_ =	shalt  }
0x7d: {  	_ =	shalt  }
0x7e: {  	_ =	shalt  }
0x7f: {  	_ =	shalt  }
0x80: {  	_ =	shalt  }
0x81: {  	_ =	shalt  }
0x82: {  	_ =	shalt  }
0x83: {  	_ =	shalt  }
0x84: {  	_ =	shalt  }
0x85: {  	_ =	shalt  }
0x86: {  	_ =	shalt  }
0x87: {  	_ =	shalt  }
.Lfunc_end0:
.L_simem_size_0:
called_computation.2_lowered:
.L_overlay_start_0:
0x88: {  	s2 =	sld [smem:$0x3FD9]  }
0x89: {  	s3 =	sld [smem:$0x3FFE];
	_ =	sdelay $0x1  }
0x8a: {  	s1 =	srdreg.scid  }
0x8b: {  	s0 =	sand.u32 $0x1, s1  }
0x8c: {  	s17 =	sshll.u32 s0, $0xA;
	s2 =	sadd.s32 s3, s2  }
0x8d: {  	s2 =	sadd.s32 s2, s17  }
0x8e: {  	[smem:$0x3FBD] =	sst s2  }
0x8f: {  	_ = 	snop  }
0x90: {  	s2 =	sld [smem:$0x3FD0];
	(tm) =	ssettm $0x1  }
0x91: {  	s18 =	sld [smem:$0x3FFB];
	_ =	sdelay $0x3  }
0x92: {  	_ =	strace s18  }
0x93: {  	s3 =	sld [smem:$0x3FFC];
	_ =	sdelay $0x3  }
0x94: {  	_ =	strace s3  }
0x95: {  	s3 =	sld [smem:$0x3FFD];
	_ =	sdelay $0x3  }
0x96: {  	_ =	strace s3  }
0x97: {  	_ =	strace $0x8FFFFFFF  }
0x98: {  	s19 =	sld [smem:$0x3FDB];
	_ =	sdelay $0x1  }
0x99: {  	s4 =	simm.s32 $_scs_section_size  }
0x9a: {  	s5 =	simm.s32 $_size__tile_overlayer_lowered;
	s6 =	simm.s32 $_tile_overlayer_lowered  }
0x9b: {  	s22 =	simm.s32 $0x1BFF;
	s21 =	sshll.u32 s6, $0x1;
	s3 =	sadd.s32 s4, s19  }
0x9c: {  	s7 =	simm.s32 $0x0;
	s20 =	sshll.u32 s5, $0x1;
	s5 =	sadd.s32 s21, s3  }
0x9d: {  	[timem:s7], [sflag:s22] =	dma.local [hbm:s5], s20  }
0x9e: {  	_ =	swait.ge [sflag:s22], s20  }
0x9f: {  	s4 =	ssub.s32 $0x0, s20;
	[sflag:s22] =	ssyncset.done $0x0  }
0xa0: {  	[sflag:s22] =	ssyncadd.s32 s4;
	_ =	sdelay $0x1  }
0xa1: {  	s23 =	simm.s32 $0x1B8B  }
0xa2: {  	_ =	swait.ge [sflag:s23], $0x1  }
0xa3: {  	[sflag:s23] =	ssyncset.done $0x0  }
0xa4: {  	s25 =	simm.s32 $0x1B8E;
	s24 =	sld [smem:$0x3FFE];
	[sflag:s23] =	ssyncadd.s32 $0xFFFFFFFF  }
0xa5: {  	s26 =	simm.s32 $execute0_lowered;
	[smem:$0x3FD2] =	sst s25  }
0xa6: {  	s5 =	sshll.u32 s26, $0x1;
	_ =	strace $0x8000004C;
	[dreg:$0x1] =	wrdreg $0xFFFFFFFF  }
0xa7: {  	s28 =	simm.s32 $_size_execute0_lowered;
	s3 =	sadd.s32 s3, s5;
	[dreg:$0x0] =	wrdreg $0x0  }
0xa8: {  	s5 =	sshll.u32 s28, $0x1;
	[dreg:$0x2] =	wrdreg s3  }
0xa9: {  	[dreg:$0x3] =	wrdreg s5  }
0xaa: {  	[dreg:$0x4] =	wrdreg $0xC0  }
0xab: {  	_ =	task [dreg:s7], $0x5FFFF  }
0xac: {  	[dreg:$0x1] =	wrdreg $0xFFFFFFFF  }
0xad: {  	[dreg:$0x0] =	wrdreg $0x60  }
0xae: {  	[dreg:$0x2] =	wrdreg s2  }
0xaf: {  	[dreg:$0x3] =	wrdreg s24  }
0xb0: {  	[dreg:$0x4] =	wrdreg $0xA4000  }
0xb1: {  	[dreg:$0x5] =	wrdreg $0x9  }
0xb2: {  	_ =	task.clear_ibuf [dreg:s7], $0x6FFFF;
	_ =	strace $0x9000004C  }
0xb3: {  	s29 =	simm.s32 $0x9;
	_ =	strace $0x8000004E  }
0xb4: {  	_ =	swait.ge [sflag:s29], $0x1  }
0xb5: {  	[sflag:s29] =	ssyncadd.s32 $0xFFFFFFFF  }
0xb6: {  	_ =	strace $0x9000004E  }
0xb7: {  	_ =	sfence  }
0xb8: {  	s30 =	sld [smem:$0x0];
	_ =	sdelay $0x2  }
0xb9: {  	s31 =	sshll.u32 s1, $0xD;
	s1 =	sshrl.u32 s1, $0x2  }
0xba: {  	s3 =	sand.u32 $0x4000, s31;
	s1 =	sadd.s32 s1, s30  }
0xbb: {  	s0 =	sor.u32 s3, s0;
	s1 =	sshll.u32 s1, $0x11  }
0xbc: {  	s0 =	sor.u32 s1, s0  }
0xbd: {  	s0 =	sadd.s32 $0x8F2B, s0  }
0xbe: {  	[sflag:s0] =	ssyncadd.remote.s32 $0x1  }
0xbf: {  	_ =	sfence.sel $0xFFFF  }
0xc0: {  	[dreg:$0x0] =	wrdreg $0xFFFFFFFF;
	(pc) =	sbr.abs _section_cstart, $3  }
0xc1: {  	[dreg:$0x1] =	wrdreg $0xFFFFFFFF  }
0xc2: {  	_ =	task.clear_ibuf [dreg:s7], $0x2FFFF;
	_ =	strace $0x9FFFFFFF  }
0xc3: {  	(tm) =	ssettm $0x7FFFFFFF  }
tec
execute0_lowered:
.L_overlay_start_1:
0x0: {  	(tag) =	ssettag $0x1  }
0x1: {  	s1 =	rddreg [dreg:$0x0]  }
0x2: {  	s0 =	rddreg [dreg:$0x1]  }
0x3: {  	s2 =	rddreg [dreg:$0x2]  }
0x4: {  	s4 =	simm.s32 $0x0;
	s3 =	srdreg.scid;
	s12 =	stileid.u32  }
0x5: {  	s28 =	simm.s32 $0x200;
	s31 =	simm.s32 $0x100;
	s29 =	simm.s32 $0x7C00  }
0x6: {  	s30 =	simm.s32 $0xA;
	[smem:$0x7FF] =	sst s4;
	s5 =	smul.u32 $0x2800, s12  }
0x7: {  	s3 =	sand.u32 $0x1, s3;
	s13 =	sadd.s32 $0x98400, s0;
	s22 =	smul.u32 $0x50000, s12  }
0x8: {  	s14 =	sadd.s32 $0x88A00, s0;
	s9 =	sadd.s32 $0xF6000, s0;
	s25 =	smul.u32 $0x14000, s12  }
0x9: {  	p0 =	seq.s32 s12, $0xF;
	s6 =	sshll.u32 s3, $0x4;
	s24 =	smul.u32 $0x138800, s3  }
0xa: {  	s7 =	ssub.s32 $0x2, s3;
	s3 =	smul.u32 $0x7D0, s3;
	s6 =	sor.u32 s12, s6  }
0xb: {  	_ =	strace $0x8000004D;
	[dreg:$0x4] =	wrdreg s13;
	s8 =	smul.u32 $0x3E80, s6  }
0xc: {  	s5 =	sadd.s32 s5, s0;
	s10 =	sshrl.u32 s7, $0x1;
	s11 =	smul.u32 $0x7D0, s6  }
0xd: {  	s0 =	sadd.s32 $0x38800, s0;
	s7 =	ssub.s32 s7, s10;
	s6 =	smul.u32 $0x7D, s6  }
0xe: {  	s10 =	sshrl.u32 s22, $0x2;
	s5 =	sadd.s32 $0x13000, s5;
	[dreg:$0xe] =	wrdreg s0  }
0xf: {  	s16 =	sshrl.u32 s24, $0x3;
	s26 =	sadd.s32 s10, s2;
	s10 =	smul.u32 $0x7D, s12  }
0x10: {  	[dreg:$0xd] =	wrdreg s5;
	s17 =	sadd.s32 s9, s16;
	s18 =	smax.u32 s7, $0x1  }
0x11: {  	s12 =	simm.s32 $0x1;
	s16 =	simm.s32 $0x7;
	[dreg:$0x5] =	wrdreg s6  }
0x12: {  	s5 =	simm.s32 $0x4;
	s19 =	sshrl.u32 s8, $0x3;
	[dreg:$0xc] =	wrdreg s26  }
0x13: {  	s20 =	sadd.s32 s13, s11;
	s11 =	sadd.s32 s14, s11;
	[dreg:$0x11] =	wrdreg s18  }
0x14: {  	s26 =	sadd.s32 $0x12C000, s2;
	s18 =	simm.s32 $0x2;
	[dreg:$0x6] =	wrdreg s20  }
0x15: {  	s21 =	sadd.s32 $0x10, s19;
	[dreg:$0x7] =	wrdreg s11;
	s6 =	sadd.s32 $0x20, s19  }
0x16: {  	s3 =	sadd.s32 s10, s3;
	[dreg:$0x17] =	wrdreg s26;
	s23 =	sadd.s32 s13, s21  }
0x17: {  	s10 =	simm.s32 $0x6;
	s8 =	sadd.s32 s14, s21;
	[dreg:$0x8] =	wrdreg s23  }
0x18: {  	s11 =	simm.s32 $0x2C00;
	s15 =	sadd.s32 s13, s6;
	[dreg:$0x9] =	wrdreg s8  }
0x19: {  	s26 =	simm.s32 $0x8;
	s6 =	sadd.s32 s14, s6;
	[dreg:$0xa] =	wrdreg s15  }
0x1a: {  	s3 =	sshll.u32 s3, $0x4;
	[dreg:$0xb] =	wrdreg s6;
	s15 =	sadd.s32 s25, s24  }
0x1b: {  	s19 =	sadd.s32 $0x60, s3;
	s21 =	sadd.s32 $0x50, s3;
	s23 =	sadd.s32 s3, s13  }
0x1c: {  	s3 =	sadd.s32 s3, s14;
	s24 =	smov.u32 s14;
	s8 =	simm.s32 $0x50  }
0x1d: {  	s6 =	simm.s32 $0xB;
	s0 =	sshrl.u32 s15, $0x3;
	s20 =	sadd.s32 s19, s13  }
0x1e: {  	s22 =	sadd.s32 s21, s13;
	s25 =	sadd.s32 $0x40, s23;
	[dreg:$0x12] =	wrdreg s20  }
0x1f: {  	s13 =	simm.s32 $0x3;
	s15 =	simm.s32 $0x380;
	[dreg:$0x14] =	wrdreg s22  }
0x20: {  	s0 =	sadd.s32 s9, s0;
	[dreg:$0x16] =	wrdreg s25;
	s25 =	sadd.s32 $0x40, s3  }
.Ltmp0:
0x21: {  	s3 =	simm.s32 $0x5;
	s9 =	simm.s32 $0x400;
	(pc) =	sbr.rel .LBB2_1-.Ltmp0, $4  }
0x22: {  	[dreg:$0xf] =	wrdreg s0;
	s0 =	sadd.s32 $0x25800, s17;
	s17 =	simm.s32 $0x5400  }
0x23: {  	[dreg:$0x10] =	wrdreg s0;
	s0 =	sadd.s32 s19, s14;
	s19 =	simm.s32 $0x9  }
0x24: {  	[dreg:$0x13] =	wrdreg s0;
	s0 =	sadd.s32 s21, s14;
	s14 =	simm.s32 $0x180  }
0x25: {  	s21 =	simm.s32 $0x0;
	[dreg:$0x15] =	wrdreg s0;
	s0 =	simm.s32 $0x300  }
.LBB2_4:
0x26: {  	_ =	swait.ge [sflag:s12], $0x2800  }
0x27: {  	[sflag:s12] =	ssyncset.done $0x0  }
0x28: {  	s7 =	simm.s32 $0xC;
	[sflag:s12] =	ssyncadd.s32 $0xFFFFD800  }
0x29: {  	[spmem:s2] =	stream.indirect.scatter.add.f32 [tilespmem:s9], [sflag:$0x9], $0x80, s28, s8, $0xb8;
	[tilespmem:$0x1DC80] =	vst v63  }
0x2a: {  	_ =	swait.ge [sflag:s7], $0x2800  }
0x2b: {  	[sflag:s7] =	ssyncset.done $0x0  }
0x2c: {  	[sflag:s7] =	ssyncadd.s32 $0xFFFFD800  }
0x2d: {  	_ =	swait.ge [sflag:s19], $0x2800  }
0x2e: {  	[sflag:s19] =	ssyncset.done $0x0  }
0x2f: {  	[sflag:s19] =	ssyncadd.s32 $0xFFFFD800  }
0x30: {  	[bflag:$0x0] =	sbarrier.arrive $0xFFFF  }
0x31: {  	s20 =	rddreg [dreg:$0x10]  }
0x32: {  	s7 =	simm.s32 @p0 $0x1FCD;
	s21 =	rddreg [dreg:$0x19]  }
0x33: {  	[hbm:s20], [sflag:s7] =	dma.local @p0 [spmem:s21], $0x1900  }
0x34: {  	s7 =	simm.s32 @p0 $0xD  }
0x35: {  	_ =	swait.ge @p0 [sflag:s7], $0x1900  }
0x36: {  	s20 =	rddreg [dreg:$0x1a]  }
0x37: {  	[sflag:s7] =	ssyncset.done @p0 $0x0;
	s21 =	rddreg [dreg:$0x1b]  }
0x38: {  	[sflag:s7] =	ssyncadd.s32 @p0 $0xFFFFE700;
	s7 =	rddreg [dreg:$0xf]  }
0x39: {  	[hbm:s7], [sflag:s20] =	dma.local @!p0 [spmem:s21], $0x2800  }
0x3a: {  	s7 =	simm.s32 @!p0 $0xD  }
0x3b: {  	_ =	swait.ge @!p0 [sflag:s7], $0x2800  }
0x3c: {  	s22 =	rddreg [dreg:$0x18]  }
0x3d: {  	s23 =	rddreg [dreg:$0x11];
	s21 =	sadd.s32 $0x1, s22  }
0x3e: {  	p1 =	sne.s32 s21, s23  }
.Ltmp1:
0x3f: {  	_ = 	snop;
	(pc) =	sbr.rel @!p1 .LBB2_5-.Ltmp1, $3  }
0x40: {  	_ =	sdelay $0x1  }
0x41: {  	[sflag:s7] =	ssyncset.done @!p0 $0x0  }
0x42: {  	[sflag:s7] =	ssyncadd.s32 @!p0 $0xFFFFD800  }
.LBB2_1:
0x43: {  	[dreg:$0x18] =	wrdreg s21  }
0x44: {  	s7 =	rddreg [dreg:$0x6]  }
0x45: {  	[tilespmem:s4], [sflag:$0x5] =	stream.linear.gather [hbm4b:s7+s4], $0x80, $0x38;
	[tilespmem:$0x1DC80] =	vst v63  }
0x46: {  	s20 =	rddreg [dreg:$0x7]  }
0x47: {  	[tilespmem:s28], [sflag:$0x5] =	stream.linear.gather [hbm4b:s20+s4], $0x80, $0x38;
	[tilespmem:$0x1DC80] =	vst v63  }
0x48: {  	s21 =	rddreg [dreg:$0x8];
	s20 =	simm.s32 $0x80  }
0x49: {  	[tilespmem:s20], [sflag:$0x6] =	stream.linear.gather [hbm4b:s21+s4], $0x80, $0x38;
	[tilespmem:$0x1DC80] =	vst v63  }
0x4a: {  	s22 =	rddreg [dreg:$0x9];
	s23 =	simm.s32 $0x280  }
0x4b: {  	[tilespmem:s23], [sflag:$0x6] =	stream.linear.gather [hbm4b:s22+s4], $0x80, $0x38;
	[tilespmem:$0x1DC80] =	vst v63  }
0x4c: {  	s22 =	rddreg [dreg:$0xa]  }
0x4d: {  	[tilespmem:s31], [sflag:$0x7] =	stream.linear.gather [hbm4b:s22+s4], $0x80, $0x38;
	[tilespmem:$0x1DC80] =	vst v63  }
0x4e: {  	s23 =	rddreg [dreg:$0xb]  }
0x4f: {  	[tilespmem:s0], [sflag:$0x7] =	stream.linear.gather [hbm4b:s23+s4], $0x80, $0x38;
	[tilespmem:$0x1DC80] =	vst v63  }
0x50: {  	_ =	swait.ge [sflag:s3], $0x80  }
0x51: {  	[sflag:s3] =	ssyncset.done $0x0  }
0x52: {  	[sflag:s3] =	ssyncadd.s32 $0xFFFFFF80  }
0x53: {  	_ =	swait.ge [sflag:s3], $0x80  }
0x54: {  	[sflag:s3] =	ssyncset.done $0x0  }
0x55: {  	[sflag:s3] =	ssyncadd.s32 $0xFFFFFF80  }
0x56: {  	[tilespmem:s9], [sflag:$0x1] =	stream.indirect.gather [hbm4b:s1+s8], $0x80, s4, s8, $0xb8;
	[tilespmem:$0x1DC80] =	vst v63  }
0x57: {  	_ =	swait.ge [sflag:s10], $0x80  }
0x58: {  	[sflag:s10] =	ssyncset.done $0x0  }
0x59: {  	[sflag:s10] =	ssyncadd.s32 $0xFFFFFF80  }
0x5a: {  	_ =	swait.ge [sflag:s10], $0x80  }
0x5b: {  	[sflag:s10] =	ssyncset.done $0x0  }
0x5c: {  	s7 =	rddreg [dreg:$0x17];
	[sflag:s10] =	ssyncadd.s32 $0xFFFFFF80  }
0x5d: {  	[tilespmem:s11], [sflag:$0x2] =	stream.indirect.gather [hbm4b:s1+s8], $0x80, s20, s8, $0xb8;
	[tilespmem:$0x1DC80] =	vst v63  }
0x5e: {  	s21 =	sshrl.u32 @p0 s7, $0x3;
	s20 =	rddreg [dreg:$0xe]  }
0x5f: {  	s7 =	simm.s32 @p0 $0x1FCD;
	[dreg:$0x19] =	wrdreg s21  }
0x60: {  	[spmem:s21], [sflag:s7] =	dma.local @p0 [hbm:s20], $0x1900  }
0x61: {  	s7 =	simm.s32 @p0 $0xD  }
0x62: {  	s20 =	stileid.u32;
	_ =	swait.ge @p0 [sflag:s7], $0x1900  }
0x63: {  	s20 =	sshll.u32 @!p0 s20, $0x6;
	[sflag:s7] =	ssyncset.done @p0 $0x0  }
0x64: {  	s20 =	sor.u32 @!p0 $0x1C0D, s20;
	[sflag:s7] =	ssyncadd.s32 @p0 $0xFFFFE700;
	s7 =	rddreg [dreg:$0xc]  }
0x65: {  	[dreg:$0x1a] =	wrdreg s20  }
0x66: {  	s21 =	sshrl.u32 @!p0 s7, $0x3;
	s7 =	rddreg [dreg:$0xd]  }
0x67: {  	[dreg:$0x1b] =	wrdreg s21  }
0x68: {  	[spmem:s21], [sflag:s20] =	dma.local @!p0 [hbm:s7], $0x2800  }
0x69: {  	s7 =	simm.s32 @!p0 $0xD  }
0x6a: {  	_ =	swait.ge @!p0 [sflag:s7], $0x2800  }
0x6b: {  	[sflag:s7] =	ssyncset.done @!p0 $0x0  }
0x6c: {  	[sflag:s7] =	ssyncadd.s32 @!p0 $0xFFFFD800  }
0x6d: {  	s21 =	simm.s32 $0x3;
	s20 =	simm.s32 $0x0;
	[bflag:$0x0] =	sbarrier.arrive $0xFFFF  }
.LBB2_2:
0x6e: {  	_ =	swait.ge [sflag:s12], $0x2800;
	p1 =	seq.s32 s20, $0x0;
	s7 =	smov.u32 s21  }
0x6f: {  	[sflag:s12] =	ssyncset.done $0x0;
	s7 =	simm.s32 @p1 $0x3;
	s23 =	rddreg [dreg:$0x5]  }
0x70: {  	s22 =	simm.s32 @!p1 $0xC;
	[sflag:s12] =	ssyncadd.s32 $0xFFFFD800;
	s7 =	sadd.s32 s23, s7  }
0x71: {  	[spmem:s2] =	stream.indirect.scatter.add.f32 [tilespmem:s9], [sflag:$0x9], $0x80, s28, s8, $0xb8;
	[tilespmem:$0x1DC80] =	vst v63  }
0x72: {  	s7 =	sshll.u32 s7, $0x4;
	_ =	swait.ge @!p1 [sflag:s22], $0x2800  }
0x73: {  	s7 =	sand.u32 $0x1FFFFFF0, s7;
	[sflag:s22] =	ssyncset.done @!p1 $0x0;
	s23 =	rddreg [dreg:$0x4]  }
0x74: {  	[sflag:s22] =	ssyncadd.s32 @!p1 $0xFFFFD800;
	s22 =	sadd.s32 s23, s7  }
0x75: {  	[tilespmem:s14], [sflag:$0x8] =	stream.linear.gather [hbm4b:s22+s4], $0x80, $0x38;
	[tilespmem:$0x1DC80] =	vst v63  }
0x76: {  	s7 =	sadd.s32 s24, s7  }
0x77: {  	[tilespmem:s15], [sflag:$0x8] =	stream.linear.gather [hbm4b:s7+s4], $0x80, $0x38;
	[tilespmem:$0x1DC80] =	vst v63  }
0x78: {  	_ =	swait.ge [sflag:s16], $0x80  }
0x79: {  	[sflag:s16] =	ssyncset.done $0x0  }
0x7a: {  	[sflag:s16] =	ssyncadd.s32 $0xFFFFFF80  }
0x7b: {  	_ =	swait.ge [sflag:s16], $0x80  }
0x7c: {  	[sflag:s16] =	ssyncset.done $0x0  }
0x7d: {  	[sflag:s16] =	ssyncadd.s32 $0xFFFFFF80  }
0x7e: {  	[tilespmem:s17], [sflag:$0x3] =	stream.indirect.gather [hbm4b:s1+s8], $0x80, s31, s8, $0xb8;
	[tilespmem:$0x1DC80] =	vst v63  }
0x7f: {  	_ =	swait.ge [sflag:s18], $0x2800  }
0x80: {  	[sflag:s18] =	ssyncset.done $0x0  }
0x81: {  	s23 =	simm.s32 $0x280;
	[sflag:s18] =	ssyncadd.s32 $0xFFFFD800  }
0x82: {  	[spmem:s2] =	stream.indirect.scatter.add.f32 [tilespmem:s11], [sflag:$0xA], $0x80, s23, s8, $0xb8;
	[tilespmem:$0x1DC80] =	vst v63  }
0x83: {  	_ =	swait.ge [sflag:s19], $0x2800  }
0x84: {  	[sflag:s19] =	ssyncset.done $0x0;
	s22 =	rddreg [dreg:$0x16]  }
0x85: {  	[sflag:s19] =	ssyncadd.s32 $0xFFFFD800;
	s7 =	sadd.s32 s20, s22  }
0x86: {  	[tilespmem:s4], [sflag:$0x5] =	stream.linear.gather [hbm4b:s7+s4], $0x80, $0x38;
	[tilespmem:$0x1DC80] =	vst v63  }
0x87: {  	s23 =	sadd.s32 s20, s25  }
0x88: {  	[tilespmem:s28], [sflag:$0x5] =	stream.linear.gather [hbm4b:s23+s4], $0x80, $0x38;
	[tilespmem:$0x1DC80] =	vst v63  }
0x89: {  	_ =	swait.ge [sflag:s26], $0x80  }
0x8a: {  	[sflag:s26] =	ssyncset.done $0x0  }
0x8b: {  	[sflag:s26] =	ssyncadd.s32 $0xFFFFFF80  }
0x8c: {  	_ =	swait.ge [sflag:s26], $0x80  }
0x8d: {  	[sflag:s26] =	ssyncset.done $0x0  }
0x8e: {  	[sflag:s26] =	ssyncadd.s32 $0xFFFFFF80  }
0x8f: {  	[tilespmem:s29], [sflag:$0x4] =	stream.indirect.gather [hbm4b:s1+s8], $0x80, s14, s8, $0xb8;
	[tilespmem:$0x1DC80] =	vst v63  }
0x90: {  	_ =	swait.ge [sflag:s13], $0x2800  }
0x91: {  	[sflag:s13] =	ssyncset.done $0x0  }
0x92: {  	[sflag:s13] =	ssyncadd.s32 $0xFFFFD800  }
0x93: {  	[spmem:s2] =	stream.indirect.scatter.add.f32 [tilespmem:s17], [sflag:$0xB], $0x80, s0, s8, $0xb8;
	[tilespmem:$0x1DC80] =	vst v63  }
0x94: {  	p1 =	seq.s32 s20, $0x780;
	_ =	swait.ge [sflag:s30], $0x2800  }
0x95: {  	s22 =	simm.s32 @!p1 $0x0;
	[sflag:s30] =	ssyncset.done $0x0;
	s7 =	rddreg [dreg:$0x14]  }
0x96: {  	s23 =	simm.s32 @!p1 $0x80;
	[sflag:s30] =	ssyncadd.s32 $0xFFFFD800;
	s7 =	sadd.s32 @!p1 s20, s7  }
0x97: {  	[tilespmem:s23], [sflag:$0x6] =	stream.linear.gather @!p1 [hbm4b:s7+s22], $0x80, $0x38;
	[tilespmem:$0x1DC80] =	vst v63  }
0x98: {  	s7 =	rddreg [dreg:$0x15]  }
0x99: {  	s23 =	simm.s32 @!p1 $0x280;
	s7 =	sadd.s32 @!p1 s20, s7  }
0x9a: {  	[tilespmem:s23], [sflag:$0x6] =	stream.linear.gather @!p1 [hbm4b:s7+s22], $0x80, $0x38;
	[tilespmem:$0x1DC80] =	vst v63  }
0x9b: {  	_ =	swait.ge [sflag:s3], $0x80  }
0x9c: {  	[sflag:s3] =	ssyncset.done $0x0  }
0x9d: {  	[sflag:s3] =	ssyncadd.s32 $0xFFFFFF80  }
0x9e: {  	_ =	swait.ge [sflag:s3], $0x80  }
0x9f: {  	[sflag:s3] =	ssyncset.done $0x0  }
0xa0: {  	[sflag:s3] =	ssyncadd.s32 $0xFFFFFF80  }
0xa1: {  	[tilespmem:s9], [sflag:$0x1] =	stream.indirect.gather [hbm4b:s1+s8], $0x80, s4, s8, $0xb8;
	[tilespmem:$0x1DC80] =	vst v63  }
0xa2: {  	_ =	swait.ge [sflag:s5], $0x2800  }
0xa3: {  	[sflag:s5] =	ssyncset.done $0x0  }
.Ltmp2:
0xa4: {  	[sflag:s5] =	ssyncadd.s32 $0xFFFFD800;
	(pc) =	sbr.rel @p1 .LBB2_4-.Ltmp2, $4  }
0xa5: {  	[spmem:s2] =	stream.indirect.scatter.add.f32 [tilespmem:s29], [sflag:$0xC], $0x80, s15, s8, $0xb8;
	[tilespmem:$0x1DC80] =	vst v63  }
0xa6: {  	_ =	swait.ge [sflag:s6], $0x2800  }
0xa7: {  	[sflag:s6] =	ssyncset.done $0x0  }
0xa8: {  	[sflag:s6] =	ssyncadd.s32 $0xFFFFD800  }
0xa9: {  	s7 =	rddreg [dreg:$0x12]  }
0xaa: {  	s22 =	rddreg [dreg:$0x13];
	s7 =	sadd.s32 s20, s7  }
0xab: {  	[tilespmem:s31], [sflag:$0x7] =	stream.linear.gather [hbm4b:s7+s4], $0x80, $0x38;
	[tilespmem:$0x1DC80] =	vst v63  }
0xac: {  	s7 =	sadd.s32 s20, s22  }
0xad: {  	[tilespmem:s0], [sflag:$0x7] =	stream.linear.gather [hbm4b:s7+s4], $0x80, $0x38;
	[tilespmem:$0x1DC80] =	vst v63  }
0xae: {  	_ =	swait.ge [sflag:s10], $0x80  }
0xaf: {  	[sflag:s10] =	ssyncset.done $0x0  }
.Ltmp3:
0xb0: {  	[sflag:s10] =	ssyncadd.s32 $0xFFFFFF80;
	(pc) =	sbr.rel .LBB2_2-.Ltmp3, $4  }
0xb1: {  	_ =	swait.ge [sflag:s10], $0x80  }
0xb2: {  	s23 =	simm.s32 $0x80;
	[sflag:s10] =	ssyncset.done $0x0  }
0xb3: {  	s21 =	sadd.s32 $0x4, s21;
	s20 =	sadd.s32 $0x40, s20;
	[sflag:s10] =	ssyncadd.s32 $0xFFFFFF80  }
0xb4: {  	[tilespmem:s11], [sflag:$0x2] =	stream.indirect.gather [hbm4b:s1+s8], $0x80, s23, s8, $0xb8;
	[tilespmem:$0x1DC80] =	vst v63  }
.LBB2_5:
0xb5: {  	_ =	sfence.sel $0x180000  }
0xb6: {  	[bflag:$0x0] =	sbarrier.arrive $0xFFFF  }
0xb7: {  	_ =	strace $0x9000004D  }
0xb8: {  	s0 =	stileid.u32;
	[bflag:$0x2] =	sbarrier.arrive $0xFFFF  }
0xb9: {  	p0 =	sne.s32 s0, $0x0;
	s0 =	rddreg [dreg:$0x3]  }
0xba: {  	s0 =	sadd.s32 @!p0 $0x100000, s0  }
0xbb: {  	[sflag:s0] =	ssyncadd.tile.s32 @!p0 $0x1;
	_ =	shalt  }
.Lfunc_end2:
_tile_overlayer_lowered:
.L_overlay_start_2:
0xbc: {  	(tag) =	ssettag $0x2  }
0xbd: {  	s0 =	rddreg [dreg:$0x0];
	s2 =	stileid.u32  }
0xbe: {  	s1 =	rddreg [dreg:$0x1];
	p0 =	sne.s32 s2, $0x0  }
0xbf: {  	s3 =	rddreg [dreg:$0x2];
	[bflag:$0x3] =	sbarrier.arrive $0xFFFF;
	s2 =	simm.s32 @!p0 $0x1C0D  }
0xc0: {  	[timem:s3], [sflag:s2] =	dma.local @!p0 [hbm:s0], s1  }
0xc1: {  	s0 =	simm.s32 @!p0 $0xD  }
0xc2: {  	_ =	swait.ge @!p0 [sflag:s0], s1  }
0xc3: {  	s1 =	ssub.s32 @!p0 $0x0, s1;
	[sflag:s0] =	ssyncset.done @!p0 $0x0  }
0xc4: {  	[sflag:s0] =	ssyncadd.s32 @!p0 s1  }
0xc5: {  	[bflag:$0x3] =	sbarrier.arrive $0xFFFF  }
0xc6: {  	_ =	shalt  }

// kernel: kernel.19.cloned.1.call-start
scs
__scs_entry_jumppad:
0x0: {  	(pc) =	sbr.rel $0x88, $3  }
0x1: {  	(tag) =	ssettag $0x0;
	lr =	simm.s32 $0x1  }
0x2: {  	[smem:$0x3F96] =	sst lr;
	_ =	strace $0xD0000000  }
0x3: {  	_ = 	snop  }
0x4: {  	_ = 	snop  }
0x5: {  	_ = 	snop  }
0x6: {  	_ = 	snop  }
0x7: {  	_ = 	snop  }
__scs_overlays_trampoline_lowered:
0x8: {  	[smem:$0x3FA5] =	sst s0  }
0x9: {  	[smem:$0x3FA6] =	sst s1  }
0xa: {  	[smem:$0x3FA7] =	sst s2  }
0xb: {  	[smem:$0x3FA8] =	sst s3  }
0xc: {  	[smem:$0x3FA9] =	sst s4  }
0xd: {  	[smem:$0x3FAA] =	sst s5  }
0xe: {  	[smem:$0x3FAB] =	sst s6  }
0xf: {  	[smem:$0x3FAC] =	sst s7  }
0x10: {  	[smem:$0x3FAD] =	sst s8  }
0x11: {  	[smem:$0x3FAE] =	sst s9;
	s0 =	simm.s32 @!p0 $0x0  }
0x12: {  	s1 =	sld [smem:$0x3F94];
	s0 =	simm.s32 @p0 $0x1  }
0x13: {  	[smem:$0x3FAF] =	sst s0;
	s0 =	simm.s32 @!p1 $0x0  }
0x14: {  	s2 =	sld [smem:$0x3F93];
	s0 =	simm.s32 @p1 $0x1  }
0x15: {  	[smem:$0x3FB0] =	sst s0;
	s0 =	simm.s32 @!p2 $0x0  }
0x16: {  	s3 =	sld [smem:$0x3FDB];
	s0 =	simm.s32 @p2 $0x1  }
0x17: {  	s4 =	simm.s32 $0x1BF5;
	[smem:$0x3FB2] =	sst s0  }
0x18: {  	s0 =	sld [smem:$0x3F95];
	_ =	swait.ge [sflag:s4], $0x0  }
0x19: {  	s7 =	sld [smem:$0x3F96]  }
0x1a: {  	s8 =	sadd.s32 $0xFFFFE003, lr  }
0x1b: {  	s9 =	sadd.s32 $0xFFFFFEF7, lr;
	s5 =	simm.s32 $0xFFFFFFFF;
	p2 =	slt.u32 s8, $0xFFFFF086  }
0x1c: {  	p1 =	slt.u32 s9, $0xF7A;
	s5 =	simm.s32 @!p2 $0x0  }
0x1d: {  	s5 =	simm.s32 @p1 $0x1;
	p0 =	seq.s32 s7, s2  }
0x1e: {  	s7 =	smul.u32 @!p0 $0xF7A, s2;
	p2 =	seq.s32 @!p0 s5, $0x0  }
0x1f: {  	s9 =	smul.u32 $0xF7A, s1;
	s8 =	simm.s32 @!p0 $0x1BF5;
	p2 =	por !p2, p0  }
0x20: {  	[sflag:s8] =	ssyncset.s32 @!p0 $0xFFFFF086;
	s6 =	sadd.s32 @!p0 s3, s7;
	s7 =	simm.s32 @!p0 $0x108  }
0x21: {  	s3 =	sadd.s32 s3, s9;
	s6 =	sadd.s32 @!p0 $0x88, s6;
	s7 =	simm.s32 @p2 $0x1082  }
0x22: {  	[simem:s7], [sflag:s8] =	dma.local @!p0 [hbm:s6], $0xF7A  }
0x23: {  	s9 =	sor.u32 $0xD0000000, s2;
	s6 =	simm.s32 $0x108;
	_ =	swait.ge @!p0 [sflag:s8], $0x0  }
0x24: {  	s3 =	sadd.s32 $0x88, s3;
	s6 =	simm.s32 @!p1 $0x1082;
	[sflag:s4] =	ssyncset.s32 $0xFFFFF086  }
0x25: {  	[simem:s6], [sflag:s4] =	dma.local [hbm:s3], $0xF7A  }
0x26: {  	[smem:$0x3F96] =	sst s1;
	(tag) =	ssettag s2;
	_ =	strace s9  }
0x27: {  	s1 =	sld [smem:$0x3FA6]  }
0x28: {  	s2 =	sld [smem:$0x3FA7]  }
0x29: {  	s4 =	sld [smem:$0x3FA9]  }
0x2a: {  	p0 =	seq.s32 s5, $0x0;
	s5 =	sld [smem:$0x3FAA]  }
0x2b: {  	s6 =	sld [smem:$0x3FAB]  }
0x2c: {  	s7 =	sld [smem:$0x3FAC]  }
0x2d: {  	s3 =	simm.s32 $0x108;
	s8 =	sld [smem:$0x3FAD]  }
0x2e: {  	s3 =	simm.s32 @!p0 $0x1082;
	s9 =	sld [smem:$0x3FAE]  }
0x2f: {  	lr =	sadd.s32 s0, s3;
	s0 =	sld [smem:$0x3FA5]  }
0x30: {  	s3 =	sld [smem:$0x3FA8]  }
0x31: {  	[smem:$0x3FB1] =	sst s10  }
0x32: {  	s10 =	sld [smem:$0x3FAF];
	_ =	sdelay $0x3  }
0x33: {  	p0 =	seq.s32 s10, $0x1;
	s10 =	sld [smem:$0x3FB1];
	_ =	sdelay $0x3  }
0x34: {  	[smem:$0x3FB1] =	sst s10  }
0x35: {  	s10 =	sld [smem:$0x3FB0];
	_ =	sdelay $0x3  }
0x36: {  	p1 =	seq.s32 s10, $0x1;
	s10 =	sld [smem:$0x3FB1];
	_ =	sdelay $0x3  }
0x37: {  	[smem:$0x3FB1] =	sst s10  }
0x38: {  	s10 =	sld [smem:$0x3FB2]  }
0x39: {  	_ = 	snop;
	(pc) =	sbr.ind lr, $3  }
0x3a: {  	_ = 	snop  }
0x3b: {  	_ = 	snop  }
0x3c: {  	p2 =	seq.s32 s10, $0x1;
	s10 =	sld [smem:$0x3FB1]  }
0x3d: {  	_ =	shalt  }
0x3e: {  	_ =	shalt  }
0x3f: {  	_ =	shalt  }
0x40: {  	_ =	shalt  }
0x41: {  	_ =	shalt  }
0x42: {  	_ =	shalt  }
0x43: {  	_ =	shalt  }
0x44: {  	_ =	shalt  }
0x45: {  	_ =	shalt  }
0x46: {  	_ =	shalt  }
0x47: {  	_ =	shalt  }
0x48: {  	_ =	shalt  }
0x49: {  	_ =	shalt  }
0x4a: {  	_ =	shalt  }
0x4b: {  	_ =	shalt  }
0x4c: {  	_ =	shalt  }
0x4d: {  	_ =	shalt  }
0x4e: {  	_ =	shalt  }
0x4f: {  	_ =	shalt  }
0x50: {  	_ =	shalt  }
0x51: {  	_ =	shalt  }
0x52: {  	_ =	shalt  }
0x53: {  	_ =	shalt  }
0x54: {  	_ =	shalt  }
0x55: {  	_ =	shalt  }
0x56: {  	_ =	shalt  }
0x57: {  	_ =	shalt  }
0x58: {  	_ =	shalt  }
0x59: {  	_ =	shalt  }
0x5a: {  	_ =	shalt  }
0x5b: {  	_ =	shalt  }
0x5c: {  	_ =	shalt  }
0x5d: {  	_ =	shalt  }
0x5e: {  	_ =	shalt  }
0x5f: {  	_ =	shalt  }
0x60: {  	_ =	shalt  }
0x61: {  	_ =	shalt  }
0x62: {  	_ =	shalt  }
0x63: {  	_ =	shalt  }
0x64: {  	_ =	shalt  }
0x65: {  	_ =	shalt  }
0x66: {  	_ =	shalt  }
0x67: {  	_ =	shalt  }
0x68: {  	_ =	shalt  }
0x69: {  	_ =	shalt  }
0x6a: {  	_ =	shalt  }
0x6b: {  	_ =	shalt  }
0x6c: {  	_ =	shalt  }
0x6d: {  	_ =	shalt  }
0x6e: {  	_ =	shalt  }
0x6f: {  	_ =	shalt  }
0x70: {  	_ =	shalt  }
0x71: {  	_ =	shalt  }
0x72: {  	_ =	shalt  }
0x73: {  	_ =	shalt  }
0x74: {  	_ =	shalt  }
0x75: {  	_ =	shalt  }
0x76: {  	_ =	shalt  }
0x77: {  	_ =	shalt  }
0x78: {  	_ =	shalt  }
0x79: {  	_ =	shalt  }
0x7a: {  	_ =	shalt  }
0x7b: {  	_ =	shalt  }
0x7c: {  	_ =	shalt  }
0x7d: {  	_ =	shalt  }
0x7e: {  	_ =	shalt  }
0x7f: {  	_ =	shalt  }
0x80: {  	_ =	shalt  }
0x81: {  	_ =	shalt  }
0x82: {  	_ =	shalt  }
0x83: {  	_ =	shalt  }
0x84: {  	_ =	shalt  }
0x85: {  	_ =	shalt  }
0x86: {  	_ =	shalt  }
0x87: {  	_ =	shalt  }
.Lfunc_end0:
.L_simem_size_0:
called_computation.3_lowered:
.L_overlay_start_0:
0x88: {  	s2 =	sld [smem:$0x3FD9]  }
0x89: {  	s3 =	sld [smem:$0x3FFE];
	_ =	sdelay $0x1  }
0x8a: {  	s1 =	srdreg.scid  }
0x8b: {  	s0 =	sand.u32 $0x1, s1  }
0x8c: {  	s17 =	sshll.u32 s0, $0xA;
	s2 =	sadd.s32 s3, s2  }
0x8d: {  	s2 =	sadd.s32 s2, s17  }
0x8e: {  	[smem:$0x3FBD] =	sst s2  }
0x8f: {  	_ = 	snop  }
0x90: {  	s2 =	sld [smem:$0x3FD0];
	(tm) =	ssettm $0x1  }
0x91: {  	s18 =	sld [smem:$0x3FFB];
	_ =	sdelay $0x3  }
0x92: {  	_ =	strace s18  }
0x93: {  	s3 =	sld [smem:$0x3FFC];
	_ =	sdelay $0x3  }
0x94: {  	_ =	strace s3  }
0x95: {  	s3 =	sld [smem:$0x3FFD];
	_ =	sdelay $0x3  }
0x96: {  	_ =	strace s3  }
0x97: {  	_ =	strace $0x8FFFFFFF  }
0x98: {  	s19 =	sld [smem:$0x3FDB];
	_ =	sdelay $0x1  }
0x99: {  	s4 =	simm.s32 $_scs_section_size  }
0x9a: {  	s5 =	simm.s32 $_size__tile_overlayer_lowered;
	s6 =	simm.s32 $_tile_overlayer_lowered  }
0x9b: {  	s22 =	simm.s32 $0x1BFF;
	s21 =	sshll.u32 s6, $0x1;
	s3 =	sadd.s32 s4, s19  }
0x9c: {  	s7 =	simm.s32 $0x0;
	s20 =	sshll.u32 s5, $0x1;
	s5 =	sadd.s32 s21, s3  }
0x9d: {  	[timem:s7], [sflag:s22] =	dma.local [hbm:s5], s20  }
0x9e: {  	_ =	swait.ge [sflag:s22], s20  }
0x9f: {  	s4 =	ssub.s32 $0x0, s20;
	[sflag:s22] =	ssyncset.done $0x0  }
0xa0: {  	[sflag:s22] =	ssyncadd.s32 s4;
	_ =	sdelay $0x1  }
0xa1: {  	s23 =	simm.s32 $0x1B8B  }
0xa2: {  	_ =	swait.ge [sflag:s23], $0x1  }
0xa3: {  	[sflag:s23] =	ssyncset.done $0x0  }
0xa4: {  	s25 =	simm.s32 $0x1B8E;
	s24 =	sld [smem:$0x3FFE];
	[sflag:s23] =	ssyncadd.s32 $0xFFFFFFFF  }
0xa5: {  	s26 =	simm.s32 $execute0_lowered;
	[smem:$0x3FD2] =	sst s25  }
0xa6: {  	s5 =	sshll.u32 s26, $0x1;
	_ =	strace $0x8000004F;
	[dreg:$0x1] =	wrdreg $0xFFFFFFFF  }
0xa7: {  	s28 =	simm.s32 $_size_execute0_lowered;
	s3 =	sadd.s32 s3, s5;
	[dreg:$0x0] =	wrdreg $0x0  }
0xa8: {  	s5 =	sshll.u32 s28, $0x1;
	[dreg:$0x2] =	wrdreg s3  }
0xa9: {  	[dreg:$0x3] =	wrdreg s5  }
0xaa: {  	[dreg:$0x4] =	wrdreg $0xC0  }
0xab: {  	_ =	task [dreg:s7], $0x5FFFF  }
0xac: {  	[dreg:$0x1] =	wrdreg $0xFFFFFFFF  }
0xad: {  	[dreg:$0x0] =	wrdreg $0x60  }
0xae: {  	[dreg:$0x2] =	wrdreg s2  }
0xaf: {  	[dreg:$0x3] =	wrdreg s24  }
0xb0: {  	[dreg:$0x4] =	wrdreg $0xA4000  }
0xb1: {  	[dreg:$0x5] =	wrdreg $0x9  }
0xb2: {  	_ =	task.clear_ibuf [dreg:s7], $0x6FFFF;
	_ =	strace $0x9000004F  }
0xb3: {  	s29 =	simm.s32 $0x9;
	_ =	strace $0x80000051  }
0xb4: {  	_ =	swait.ge [sflag:s29], $0x1  }
0xb5: {  	[sflag:s29] =	ssyncadd.s32 $0xFFFFFFFF  }
0xb6: {  	_ =	strace $0x90000051  }
0xb7: {  	_ =	sfence  }
0xb8: {  	s30 =	sld [smem:$0x0];
	_ =	sdelay $0x2  }
0xb9: {  	s31 =	sshll.u32 s1, $0xD;
	s1 =	sshrl.u32 s1, $0x2  }
0xba: {  	s3 =	sand.u32 $0x4000, s31;
	s1 =	sadd.s32 s1, s30  }
0xbb: {  	s0 =	sor.u32 s3, s0;
	s1 =	sshll.u32 s1, $0x11  }
0xbc: {  	s0 =	sor.u32 s1, s0  }
0xbd: {  	s0 =	sadd.s32 $0x8F2B, s0  }
0xbe: {  	[sflag:s0] =	ssyncadd.remote.s32 $0x1  }
0xbf: {  	_ =	sfence.sel $0xFFFF  }
0xc0: {  	[dreg:$0x0] =	wrdreg $0xFFFFFFFF;
	(pc) =	sbr.abs _section_cstart, $3  }
0xc1: {  	[dreg:$0x1] =	wrdreg $0xFFFFFFFF  }
0xc2: {  	_ =	task.clear_ibuf [dreg:s7], $0x2FFFF;
	_ =	strace $0x9FFFFFFF  }
0xc3: {  	(tm) =	ssettm $0x7FFFFFFF  }
tec
execute0_lowered:
.L_overlay_start_1:
0x0: {  	(tag) =	ssettag $0x1  }
0x1: {  	s1 =	rddreg [dreg:$0x0]  }
0x2: {  	s0 =	rddreg [dreg:$0x1]  }
0x3: {  	s2 =	rddreg [dreg:$0x2]  }
0x4: {  	s4 =	simm.s32 $0x0;
	s3 =	srdreg.scid;
	s12 =	stileid.u32  }
0x5: {  	s28 =	simm.s32 $0x200;
	s31 =	simm.s32 $0x100;
	s29 =	simm.s32 $0x7C00  }
0x6: {  	s30 =	simm.s32 $0xA;
	[smem:$0x7FF] =	sst s4;
	s5 =	smul.u32 $0x2800, s12  }
0x7: {  	s3 =	sand.u32 $0x1, s3;
	s13 =	sadd.s32 $0x98400, s0;
	s22 =	smul.u32 $0x50000, s12  }
0x8: {  	s14 =	sadd.s32 $0x88A00, s0;
	s9 =	sadd.s32 $0xA7E00, s0;
	s25 =	smul.u32 $0x14000, s12  }
0x9: {  	p0 =	seq.s32 s12, $0xF;
	s6 =	sshll.u32 s3, $0x4;
	s24 =	smul.u32 $0x138800, s3  }
0xa: {  	s7 =	ssub.s32 $0x2, s3;
	s3 =	smul.u32 $0x7D0, s3;
	s6 =	sor.u32 s12, s6  }
0xb: {  	_ =	strace $0x80000050;
	[dreg:$0x4] =	wrdreg s13;
	s8 =	smul.u32 $0x3E80, s6  }
0xc: {  	s5 =	sadd.s32 s5, s0;
	s10 =	sshrl.u32 s7, $0x1;
	s11 =	smul.u32 $0x7D0, s6  }
0xd: {  	s0 =	sadd.s32 $0x38800, s0;
	s7 =	ssub.s32 s7, s10;
	s6 =	smul.u32 $0x7D, s6  }
0xe: {  	s10 =	sshrl.u32 s22, $0x2;
	s5 =	sadd.s32 $0x13000, s5;
	[dreg:$0xe] =	wrdreg s0  }
0xf: {  	s16 =	sshrl.u32 s24, $0x3;
	s26 =	sadd.s32 s10, s2;
	s10 =	smul.u32 $0x7D, s12  }
0x10: {  	[dreg:$0xd] =	wrdreg s5;
	s17 =	sadd.s32 s9, s16;
	s18 =	smax.u32 s7, $0x1  }
0x11: {  	s12 =	simm.s32 $0x1;
	s16 =	simm.s32 $0x7;
	[dreg:$0x5] =	wrdreg s6  }
0x12: {  	s5 =	simm.s32 $0x4;
	s19 =	sshrl.u32 s8, $0x3;
	[dreg:$0xc] =	wrdreg s26  }
0x13: {  	s20 =	sadd.s32 s13, s11;
	s11 =	sadd.s32 s14, s11;
	[dreg:$0x11] =	wrdreg s18  }
0x14: {  	s26 =	sadd.s32 $0x12C000, s2;
	s18 =	simm.s32 $0x2;
	[dreg:$0x6] =	wrdreg s20  }
0x15: {  	s21 =	sadd.s32 $0x10, s19;
	[dreg:$0x7] =	wrdreg s11;
	s6 =	sadd.s32 $0x20, s19  }
0x16: {  	s3 =	sadd.s32 s10, s3;
	[dreg:$0x17] =	wrdreg s26;
	s23 =	sadd.s32 s13, s21  }
0x17: {  	s10 =	simm.s32 $0x6;
	s8 =	sadd.s32 s14, s21;
	[dreg:$0x8] =	wrdreg s23  }
0x18: {  	s11 =	simm.s32 $0x2C00;
	s15 =	sadd.s32 s13, s6;
	[dreg:$0x9] =	wrdreg s8  }
0x19: {  	s26 =	simm.s32 $0x8;
	s6 =	sadd.s32 s14, s6;
	[dreg:$0xa] =	wrdreg s15  }
0x1a: {  	s3 =	sshll.u32 s3, $0x4;
	[dreg:$0xb] =	wrdreg s6;
	s15 =	sadd.s32 s25, s24  }
0x1b: {  	s19 =	sadd.s32 $0x60, s3;
	s21 =	sadd.s32 $0x50, s3;
	s23 =	sadd.s32 s3, s13  }
0x1c: {  	s3 =	sadd.s32 s3, s14;
	s24 =	smov.u32 s14;
	s8 =	simm.s32 $0x50  }
0x1d: {  	s6 =	simm.s32 $0xB;
	s0 =	sshrl.u32 s15, $0x3;
	s20 =	sadd.s32 s19, s13  }
0x1e: {  	s22 =	sadd.s32 s21, s13;
	s25 =	sadd.s32 $0x40, s23;
	[dreg:$0x12] =	wrdreg s20  }
0x1f: {  	s13 =	simm.s32 $0x3;
	s15 =	simm.s32 $0x380;
	[dreg:$0x14] =	wrdreg s22  }
0x20: {  	s0 =	sadd.s32 s9, s0;
	[dreg:$0x16] =	wrdreg s25;
	s25 =	sadd.s32 $0x40, s3  }
.Ltmp0:
0x21: {  	s3 =	simm.s32 $0x5;
	s9 =	simm.s32 $0x400;
	(pc) =	sbr.rel .LBB2_1-.Ltmp0, $4  }
0x22: {  	[dreg:$0xf] =	wrdreg s0;
	s0 =	sadd.s32 $0x25800, s17;
	s17 =	simm.s32 $0x5400  }
0x23: {  	[dreg:$0x10] =	wrdreg s0;
	s0 =	sadd.s32 s19, s14;
	s19 =	simm.s32 $0x9  }
0x24: {  	[dreg:$0x13] =	wrdreg s0;
	s0 =	sadd.s32 s21, s14;
	s14 =	simm.s32 $0x180  }
0x25: {  	s21 =	simm.s32 $0x0;
	[dreg:$0x15] =	wrdreg s0;
	s0 =	simm.s32 $0x300  }
.LBB2_4:
0x26: {  	_ =	swait.ge [sflag:s12], $0x2800  }
0x27: {  	[sflag:s12] =	ssyncset.done $0x0  }
0x28: {  	s7 =	simm.s32 $0xC;
	[sflag:s12] =	ssyncadd.s32 $0xFFFFD800  }
0x29: {  	[spmem:s2] =	stream.indirect.scatter.add.f32 [tilespmem:s9], [sflag:$0x9], $0x80, s28, s8, $0xb8;
	[tilespmem:$0x1DC80] =	vst v63  }
0x2a: {  	_ =	swait.ge [sflag:s7], $0x2800  }
0x2b: {  	[sflag:s7] =	ssyncset.done $0x0  }
0x2c: {  	[sflag:s7] =	ssyncadd.s32 $0xFFFFD800  }
0x2d: {  	_ =	swait.ge [sflag:s19], $0x2800  }
0x2e: {  	[sflag:s19] =	ssyncset.done $0x0  }
0x2f: {  	[sflag:s19] =	ssyncadd.s32 $0xFFFFD800  }
0x30: {  	[bflag:$0x0] =	sbarrier.arrive $0xFFFF  }
0x31: {  	s20 =	rddreg [dreg:$0x10]  }
0x32: {  	s7 =	simm.s32 @p0 $0x1FCD;
	s21 =	rddreg [dreg:$0x19]  }
0x33: {  	[hbm:s20], [sflag:s7] =	dma.local @p0 [spmem:s21], $0x1900  }
0x34: {  	s7 =	simm.s32 @p0 $0xD  }
0x35: {  	_ =	swait.ge @p0 [sflag:s7], $0x1900  }
0x36: {  	s20 =	rddreg [dreg:$0x1a]  }
0x37: {  	[sflag:s7] =	ssyncset.done @p0 $0x0;
	s21 =	rddreg [dreg:$0x1b]  }
0x38: {  	[sflag:s7] =	ssyncadd.s32 @p0 $0xFFFFE700;
	s7 =	rddreg [dreg:$0xf]  }
0x39: {  	[hbm:s7], [sflag:s20] =	dma.local @!p0 [spmem:s21], $0x2800  }
0x3a: {  	s7 =	simm.s32 @!p0 $0xD  }
0x3b: {  	_ =	swait.ge @!p0 [sflag:s7], $0x2800  }
0x3c: {  	s22 =	rddreg [dreg:$0x18]  }
0x3d: {  	s23 =	rddreg [dreg:$0x11];
	s21 =	sadd.s32 $0x1, s22  }
0x3e: {  	p1 =	sne.s32 s21, s23  }
.Ltmp1:
0x3f: {  	_ = 	snop;
	(pc) =	sbr.rel @!p1 .LBB2_5-.Ltmp1, $3  }
0x40: {  	_ =	sdelay $0x1  }
0x41: {  	[sflag:s7] =	ssyncset.done @!p0 $0x0  }
0x42: {  	[sflag:s7] =	ssyncadd.s32 @!p0 $0xFFFFD800  }
.LBB2_1:
0x43: {  	[dreg:$0x18] =	wrdreg s21  }
0x44: {  	s7 =	rddreg [dreg:$0x6]  }
0x45: {  	[tilespmem:s4], [sflag:$0x5] =	stream.linear.gather [hbm4b:s7+s4], $0x80, $0x38;
	[tilespmem:$0x1DC80] =	vst v63  }
0x46: {  	s20 =	rddreg [dreg:$0x7]  }
0x47: {  	[tilespmem:s28], [sflag:$0x5] =	stream.linear.gather [hbm4b:s20+s4], $0x80, $0x38;
	[tilespmem:$0x1DC80] =	vst v63  }
0x48: {  	s21 =	rddreg [dreg:$0x8];
	s20 =	simm.s32 $0x80  }
0x49: {  	[tilespmem:s20], [sflag:$0x6] =	stream.linear.gather [hbm4b:s21+s4], $0x80, $0x38;
	[tilespmem:$0x1DC80] =	vst v63  }
0x4a: {  	s22 =	rddreg [dreg:$0x9];
	s23 =	simm.s32 $0x280  }
0x4b: {  	[tilespmem:s23], [sflag:$0x6] =	stream.linear.gather [hbm4b:s22+s4], $0x80, $0x38;
	[tilespmem:$0x1DC80] =	vst v63  }
0x4c: {  	s22 =	rddreg [dreg:$0xa]  }
0x4d: {  	[tilespmem:s31], [sflag:$0x7] =	stream.linear.gather [hbm4b:s22+s4], $0x80, $0x38;
	[tilespmem:$0x1DC80] =	vst v63  }
0x4e: {  	s23 =	rddreg [dreg:$0xb]  }
0x4f: {  	[tilespmem:s0], [sflag:$0x7] =	stream.linear.gather [hbm4b:s23+s4], $0x80, $0x38;
	[tilespmem:$0x1DC80] =	vst v63  }
0x50: {  	_ =	swait.ge [sflag:s3], $0x80  }
0x51: {  	[sflag:s3] =	ssyncset.done $0x0  }
0x52: {  	[sflag:s3] =	ssyncadd.s32 $0xFFFFFF80  }
0x53: {  	_ =	swait.ge [sflag:s3], $0x80  }
0x54: {  	[sflag:s3] =	ssyncset.done $0x0  }
0x55: {  	[sflag:s3] =	ssyncadd.s32 $0xFFFFFF80  }
0x56: {  	[tilespmem:s9], [sflag:$0x1] =	stream.indirect.gather [hbm4b:s1+s8], $0x80, s4, s8, $0xb8;
	[tilespmem:$0x1DC80] =	vst v63  }
0x57: {  	_ =	swait.ge [sflag:s10], $0x80  }
0x58: {  	[sflag:s10] =	ssyncset.done $0x0  }
0x59: {  	[sflag:s10] =	ssyncadd.s32 $0xFFFFFF80  }
0x5a: {  	_ =	swait.ge [sflag:s10], $0x80  }
0x5b: {  	[sflag:s10] =	ssyncset.done $0x0  }
0x5c: {  	s7 =	rddreg [dreg:$0x17];
	[sflag:s10] =	ssyncadd.s32 $0xFFFFFF80  }
0x5d: {  	[tilespmem:s11], [sflag:$0x2] =	stream.indirect.gather [hbm4b:s1+s8], $0x80, s20, s8, $0xb8;
	[tilespmem:$0x1DC80] =	vst v63  }
0x5e: {  	s21 =	sshrl.u32 @p0 s7, $0x3;
	s20 =	rddreg [dreg:$0xe]  }
0x5f: {  	s7 =	simm.s32 @p0 $0x1FCD;
	[dreg:$0x19] =	wrdreg s21  }
0x60: {  	[spmem:s21], [sflag:s7] =	dma.local @p0 [hbm:s20], $0x1900  }
0x61: {  	s7 =	simm.s32 @p0 $0xD  }
0x62: {  	s20 =	stileid.u32;
	_ =	swait.ge @p0 [sflag:s7], $0x1900  }
0x63: {  	s20 =	sshll.u32 @!p0 s20, $0x6;
	[sflag:s7] =	ssyncset.done @p0 $0x0  }
0x64: {  	s20 =	sor.u32 @!p0 $0x1C0D, s20;
	[sflag:s7] =	ssyncadd.s32 @p0 $0xFFFFE700;
	s7 =	rddreg [dreg:$0xc]  }
0x65: {  	[dreg:$0x1a] =	wrdreg s20  }
0x66: {  	s21 =	sshrl.u32 @!p0 s7, $0x3;
	s7 =	rddreg [dreg:$0xd]  }
0x67: {  	[dreg:$0x1b] =	wrdreg s21  }
0x68: {  	[spmem:s21], [sflag:s20] =	dma.local @!p0 [hbm:s7], $0x2800  }
0x69: {  	s7 =	simm.s32 @!p0 $0xD  }
0x6a: {  	_ =	swait.ge @!p0 [sflag:s7], $0x2800  }
0x6b: {  	[sflag:s7] =	ssyncset.done @!p0 $0x0  }
0x6c: {  	[sflag:s7] =	ssyncadd.s32 @!p0 $0xFFFFD800  }
0x6d: {  	s21 =	simm.s32 $0x3;
	s20 =	simm.s32 $0x0;
	[bflag:$0x0] =	sbarrier.arrive $0xFFFF  }
.LBB2_2:
0x6e: {  	_ =	swait.ge [sflag:s12], $0x2800;
	p1 =	seq.s32 s20, $0x0;
	s7 =	smov.u32 s21  }
0x6f: {  	[sflag:s12] =	ssyncset.done $0x0;
	s7 =	simm.s32 @p1 $0x3;
	s23 =	rddreg [dreg:$0x5]  }
0x70: {  	s22 =	simm.s32 @!p1 $0xC;
	[sflag:s12] =	ssyncadd.s32 $0xFFFFD800;
	s7 =	sadd.s32 s23, s7  }
0x71: {  	[spmem:s2] =	stream.indirect.scatter.add.f32 [tilespmem:s9], [sflag:$0x9], $0x80, s28, s8, $0xb8;
	[tilespmem:$0x1DC80] =	vst v63  }
0x72: {  	s7 =	sshll.u32 s7, $0x4;
	_ =	swait.ge @!p1 [sflag:s22], $0x2800  }
0x73: {  	s7 =	sand.u32 $0x1FFFFFF0, s7;
	[sflag:s22] =	ssyncset.done @!p1 $0x0;
	s23 =	rddreg [dreg:$0x4]  }
0x74: {  	[sflag:s22] =	ssyncadd.s32 @!p1 $0xFFFFD800;
	s22 =	sadd.s32 s23, s7  }
0x75: {  	[tilespmem:s14], [sflag:$0x8] =	stream.linear.gather [hbm4b:s22+s4], $0x80, $0x38;
	[tilespmem:$0x1DC80] =	vst v63  }
0x76: {  	s7 =	sadd.s32 s24, s7  }
0x77: {  	[tilespmem:s15], [sflag:$0x8] =	stream.linear.gather [hbm4b:s7+s4], $0x80, $0x38;
	[tilespmem:$0x1DC80] =	vst v63  }
0x78: {  	_ =	swait.ge [sflag:s16], $0x80  }
0x79: {  	[sflag:s16] =	ssyncset.done $0x0  }
0x7a: {  	[sflag:s16] =	ssyncadd.s32 $0xFFFFFF80  }
0x7b: {  	_ =	swait.ge [sflag:s16], $0x80  }
0x7c: {  	[sflag:s16] =	ssyncset.done $0x0  }
0x7d: {  	[sflag:s16] =	ssyncadd.s32 $0xFFFFFF80  }
0x7e: {  	[tilespmem:s17], [sflag:$0x3] =	stream.indirect.gather [hbm4b:s1+s8], $0x80, s31, s8, $0xb8;
	[tilespmem:$0x1DC80] =	vst v63  }
0x7f: {  	_ =	swait.ge [sflag:s18], $0x2800  }
0x80: {  	[sflag:s18] =	ssyncset.done $0x0  }
0x81: {  	s23 =	simm.s32 $0x280;
	[sflag:s18] =	ssyncadd.s32 $0xFFFFD800  }
0x82: {  	[spmem:s2] =	stream.indirect.scatter.add.f32 [tilespmem:s11], [sflag:$0xA], $0x80, s23, s8, $0xb8;
	[tilespmem:$0x1DC80] =	vst v63  }
0x83: {  	_ =	swait.ge [sflag:s19], $0x2800  }
0x84: {  	[sflag:s19] =	ssyncset.done $0x0;
	s22 =	rddreg [dreg:$0x16]  }
0x85: {  	[sflag:s19] =	ssyncadd.s32 $0xFFFFD800;
	s7 =	sadd.s32 s20, s22  }
0x86: {  	[tilespmem:s4], [sflag:$0x5] =	stream.linear.gather [hbm4b:s7+s4], $0x80, $0x38;
	[tilespmem:$0x1DC80] =	vst v63  }
0x87: {  	s23 =	sadd.s32 s20, s25  }
0x88: {  	[tilespmem:s28], [sflag:$0x5] =	stream.linear.gather [hbm4b:s23+s4], $0x80, $0x38;
	[tilespmem:$0x1DC80] =	vst v63  }
0x89: {  	_ =	swait.ge [sflag:s26], $0x80  }
0x8a: {  	[sflag:s26] =	ssyncset.done $0x0  }
0x8b: {  	[sflag:s26] =	ssyncadd.s32 $0xFFFFFF80  }
0x8c: {  	_ =	swait.ge [sflag:s26], $0x80  }
0x8d: {  	[sflag:s26] =	ssyncset.done $0x0  }
0x8e: {  	[sflag:s26] =	ssyncadd.s32 $0xFFFFFF80  }
0x8f: {  	[tilespmem:s29], [sflag:$0x4] =	stream.indirect.gather [hbm4b:s1+s8], $0x80, s14, s8, $0xb8;
	[tilespmem:$0x1DC80] =	vst v63  }
0x90: {  	_ =	swait.ge [sflag:s13], $0x2800  }
0x91: {  	[sflag:s13] =	ssyncset.done $0x0  }
0x92: {  	[sflag:s13] =	ssyncadd.s32 $0xFFFFD800  }
0x93: {  	[spmem:s2] =	stream.indirect.scatter.add.f32 [tilespmem:s17], [sflag:$0xB], $0x80, s0, s8, $0xb8;
	[tilespmem:$0x1DC80] =	vst v63  }
0x94: {  	p1 =	seq.s32 s20, $0x780;
	_ =	swait.ge [sflag:s30], $0x2800  }
0x95: {  	s22 =	simm.s32 @!p1 $0x0;
	[sflag:s30] =	ssyncset.done $0x0;
	s7 =	rddreg [dreg:$0x14]  }
0x96: {  	s23 =	simm.s32 @!p1 $0x80;
	[sflag:s30] =	ssyncadd.s32 $0xFFFFD800;
	s7 =	sadd.s32 @!p1 s20, s7  }
0x97: {  	[tilespmem:s23], [sflag:$0x6] =	stream.linear.gather @!p1 [hbm4b:s7+s22], $0x80, $0x38;
	[tilespmem:$0x1DC80] =	vst v63  }
0x98: {  	s7 =	rddreg [dreg:$0x15]  }
0x99: {  	s23 =	simm.s32 @!p1 $0x280;
	s7 =	sadd.s32 @!p1 s20, s7  }
0x9a: {  	[tilespmem:s23], [sflag:$0x6] =	stream.linear.gather @!p1 [hbm4b:s7+s22], $0x80, $0x38;
	[tilespmem:$0x1DC80] =	vst v63  }
0x9b: {  	_ =	swait.ge [sflag:s3], $0x80  }
0x9c: {  	[sflag:s3] =	ssyncset.done $0x0  }
0x9d: {  	[sflag:s3] =	ssyncadd.s32 $0xFFFFFF80  }
0x9e: {  	_ =	swait.ge [sflag:s3], $0x80  }
0x9f: {  	[sflag:s3] =	ssyncset.done $0x0  }
0xa0: {  	[sflag:s3] =	ssyncadd.s32 $0xFFFFFF80  }
0xa1: {  	[tilespmem:s9], [sflag:$0x1] =	stream.indirect.gather [hbm4b:s1+s8], $0x80, s4, s8, $0xb8;
	[tilespmem:$0x1DC80] =	vst v63  }
0xa2: {  	_ =	swait.ge [sflag:s5], $0x2800  }
0xa3: {  	[sflag:s5] =	ssyncset.done $0x0  }
.Ltmp2:
0xa4: {  	[sflag:s5] =	ssyncadd.s32 $0xFFFFD800;
	(pc) =	sbr.rel @p1 .LBB2_4-.Ltmp2, $4  }
0xa5: {  	[spmem:s2] =	stream.indirect.scatter.add.f32 [tilespmem:s29], [sflag:$0xC], $0x80, s15, s8, $0xb8;
	[tilespmem:$0x1DC80] =	vst v63  }
0xa6: {  	_ =	swait.ge [sflag:s6], $0x2800  }
0xa7: {  	[sflag:s6] =	ssyncset.done $0x0  }
0xa8: {  	[sflag:s6] =	ssyncadd.s32 $0xFFFFD800  }
0xa9: {  	s7 =	rddreg [dreg:$0x12]  }
0xaa: {  	s22 =	rddreg [dreg:$0x13];
	s7 =	sadd.s32 s20, s7  }
0xab: {  	[tilespmem:s31], [sflag:$0x7] =	stream.linear.gather [hbm4b:s7+s4], $0x80, $0x38;
	[tilespmem:$0x1DC80] =	vst v63  }
0xac: {  	s7 =	sadd.s32 s20, s22  }
0xad: {  	[tilespmem:s0], [sflag:$0x7] =	stream.linear.gather [hbm4b:s7+s4], $0x80, $0x38;
	[tilespmem:$0x1DC80] =	vst v63  }
0xae: {  	_ =	swait.ge [sflag:s10], $0x80  }
0xaf: {  	[sflag:s10] =	ssyncset.done $0x0  }
.Ltmp3:
0xb0: {  	[sflag:s10] =	ssyncadd.s32 $0xFFFFFF80;
	(pc) =	sbr.rel .LBB2_2-.Ltmp3, $4  }
0xb1: {  	_ =	swait.ge [sflag:s10], $0x80  }
0xb2: {  	s23 =	simm.s32 $0x80;
	[sflag:s10] =	ssyncset.done $0x0  }
0xb3: {  	s21 =	sadd.s32 $0x4, s21;
	s20 =	sadd.s32 $0x40, s20;
	[sflag:s10] =	ssyncadd.s32 $0xFFFFFF80  }
0xb4: {  	[tilespmem:s11], [sflag:$0x2] =	stream.indirect.gather [hbm4b:s1+s8], $0x80, s23, s8, $0xb8;
	[tilespmem:$0x1DC80] =	vst v63  }
.LBB2_5:
0xb5: {  	_ =	sfence.sel $0x180000  }
0xb6: {  	[bflag:$0x0] =	sbarrier.arrive $0xFFFF  }
0xb7: {  	_ =	strace $0x90000050  }
0xb8: {  	s0 =	stileid.u32;
	[bflag:$0x2] =	sbarrier.arrive $0xFFFF  }
0xb9: {  	p0 =	sne.s32 s0, $0x0;
	s0 =	rddreg [dreg:$0x3]  }
0xba: {  	s0 =	sadd.s32 @!p0 $0x100000, s0  }
0xbb: {  	[sflag:s0] =	ssyncadd.tile.s32 @!p0 $0x1;
	_ =	shalt  }
.Lfunc_end2:
_tile_overlayer_lowered:
.L_overlay_start_2:
0xbc: {  	(tag) =	ssettag $0x2  }
0xbd: {  	s0 =	rddreg [dreg:$0x0];
	s2 =	stileid.u32  }
0xbe: {  	s1 =	rddreg [dreg:$0x1];
	p0 =	sne.s32 s2, $0x0  }
0xbf: {  	s3 =	rddreg [dreg:$0x2];
	[bflag:$0x3] =	sbarrier.arrive $0xFFFF;
	s2 =	simm.s32 @!p0 $0x1C0D  }
0xc0: {  	[timem:s3], [sflag:s2] =	dma.local @!p0 [hbm:s0], s1  }
0xc1: {  	s0 =	simm.s32 @!p0 $0xD  }
0xc2: {  	_ =	swait.ge @!p0 [sflag:s0], s1  }
0xc3: {  	s1 =	ssub.s32 @!p0 $0x0, s1;
	[sflag:s0] =	ssyncset.done @!p0 $0x0  }
0xc4: {  	[sflag:s0] =	ssyncadd.s32 @!p0 s1  }
0xc5: {  	[bflag:$0x3] =	sbarrier.arrive $0xFFFF  }
0xc6: {  	_ =	shalt  }

</sc_bundles>
